<compile_context>
chip_gen: v7x
topology: tpu7x:2x2x1
jax: 0.10.2.dev20260603
libtpu: 0.0.44.dev20260713+nightly
codegen_flags: <defaults>
</compile_context>

<pallas_src>
import jax
import jax.numpy as jnp
from jax import lax
from jax.experimental import pallas as pl
from jax.experimental.pallas import tpu as pltpu
from jax.experimental.pallas import tpu_sc as plsc

_ROW = 1024
_HB = 16
_HBW = _HB * _ROW
_NSEQ = 16
_SEQ = 2048
_HB_PER_SEQ = _SEQ // _HB
_CHUNKS_PER_SEQ = 127
_NCHUNKS = _NSEQ * _CHUNKS_PER_SEQ
_NSL = 64
_S_SC = 2
_WPS = 16
_CPW = 8


def _sc_body(k1, cu_lo, cu_hi, out1, cuc,
             b0, b1, b2, b3, hs, ob, cu_v, cuc_v,
             is0, is1, is2, is3, os0, os1, os2, os3):
    bufs = (b0, b1, b2, b3)
    isems = (is0, is1, is2, is3)
    osems = (os0, os1, os2, os3)

    wid = lax.axis_index("c") * 16 + lax.axis_index("s")
    seq = wid // _WPS
    part = wid % _WPS
    hb0 = seq * _HB_PER_SEQ + _CPW * part
    ch0 = seq * _CHUNKS_PER_SEQ + _CPW * part
    n = _CPW + 1 - (part == _WPS - 1)

    def in_src(j):
        return k1.at[pl.ds((hb0 + j) * _HBW, _HBW)]

    for q in range(4):
        pltpu.async_copy(in_src(q), bufs[q], isems[q])

    @pl.loop(0, (_CPW + 4) // 4)
    def _outer(t):
        for q in range(4):
            j = t * 4 + q

            @pl.when(j < n)
            def _iter(j=j, q=q):
                pltpu.make_async_copy(in_src(j), bufs[q], isems[q]).wait()

                @pl.when(j >= 5)
                def _owait():
                    pltpu.make_async_copy(
                        ob.at[q], out1.at[pl.ds(0, _ROW)], osems[q]).wait()

                @pl.loop(0, _NSL, unroll=4)
                def _feat(f):
                    col = f * 16
                    acc = bufs[q][pl.ds(col, 16)]
                    for r in range(1, _HB):
                        acc = acc + bufs[q][pl.ds(r * _ROW + col, 16)]
                    hs[pl.ds((j % 4) * _ROW + col, 16)] = acc

                    @pl.when(j >= 1)
                    def _chunk():
                        prev = hs[pl.ds(((j - 1) % 4) * _ROW + col, 16)]
                        ob[q, pl.ds(col, 16)] = (prev + acc) * (1.0 / 32.0)

                @pl.when(j >= 1)
                def _ofire():
                    pltpu.async_copy(
                        ob.at[q], out1.at[pl.ds((ch0 + j - 1) * _ROW, _ROW)],
                        osems[q])

                @pl.when(j + 4 < n)
                def _ifire():
                    pltpu.async_copy(in_src(j + 4), bufs[q], isems[q])

    for q in range(4):
        pltpu.make_async_copy(
            ob.at[q], out1.at[pl.ds(0, _ROW)], osems[q]).wait()

    @pl.when(wid == 0)
    def _segments():
        pltpu.sync_copy(cu_lo, cu_v)
        pltpu.sync_copy(cu_hi, cuc_v)
        cnt = jnp.clip((cuc_v[...] - cu_v[...] - 16) >> 4, 0, _CHUNKS_PER_SEQ)
        cuc_v[...] = plsc.cumsum(cnt)
        pltpu.sync_copy(cuc_v, cuc)


def _compress_k_sc(k1, cu_lo, cu_hi):
    mesh = plsc.VectorSubcoreMesh(core_axis_name="c", subcore_axis_name="s")
    f = pl.kernel(
        _sc_body,
        out_type=[
            jax.ShapeDtypeStruct((_S_SC * _CHUNKS_PER_SEQ * _ROW,), jnp.float32),
            jax.ShapeDtypeStruct((16,), jnp.int32),
        ],
        mesh=mesh,
        compiler_params=pltpu.CompilerParams(
            needs_layout_passes=False, use_tc_tiling_on_sc=False),
        scratch_types=(
            [pltpu.VMEM((_HBW,), jnp.float32) for _ in range(4)]
            + [
                pltpu.VMEM((4 * _ROW,), jnp.float32),
                pltpu.VMEM((4, _ROW), jnp.float32),
                pltpu.VMEM((16,), jnp.int32),
                pltpu.VMEM((16,), jnp.int32),
            ]
            + [pltpu.SemaphoreType.DMA] * 8
        ),
    )
    return f(k1, cu_lo, cu_hi)


def _tc_body(kb, ob):
    x = kb[...].reshape(_HB_PER_SEQ, _HB, 8, 128)
    hs = jnp.sum(x, axis=1)
    ob[...] = (hs[:_CHUNKS_PER_SEQ] + hs[1:]) * (1.0 / 32.0)


def _compress_k_tc(k):
    n = _NSEQ - _S_SC
    return pl.pallas_call(
        _tc_body,
        grid=(n,),
        in_specs=[pl.BlockSpec((_SEQ, 8, 128), lambda i: (_S_SC + i, 0, 0))],
        out_specs=pl.BlockSpec((_CHUNKS_PER_SEQ, 8, 128),
                               lambda i: (_S_SC + i, 0, 0)),
        out_shape=jax.ShapeDtypeStruct((_NCHUNKS, 8, 128), jnp.float32),
    )(k)


def kernel(k, cu_seqlens):
    k1 = k.reshape(-1)
    cu = cu_seqlens.astype(jnp.int32)
    out_tc = _compress_k_tc(k)
    out_sc, cum = _compress_k_sc(k1, cu[:16], cu[1:17])
    compressed_k = lax.dynamic_update_slice(
        out_tc, out_sc.reshape(_S_SC * _CHUNKS_PER_SEQ, 8, 128), (0, 0, 0))
    cuc = jnp.concatenate([jnp.zeros((1,), jnp.int32), cum])
    return (compressed_k, cuc)

# --- scband reference (transcript-rebuilt; emitter-appended) ---
"""Pipeline reference for scband-compress-k-43121471652424 (READ-ONLY COPY).

The authoritative reference and input builder live on the scoring server;
editing this copy changes nothing except your own understanding.
"""

import jax, jax.numpy as jnp
import numpy as np

KERNEL_SIZE = 32
KERNEL_STRIDE = 16
HEAD_NUM_K = 8
HEAD_DIM = 128
SEQ_LEN = 2048


def calc_chunks_with_stride(cu_seqlen, chunk_size, kernel_stride):
    cu = jnp.asarray(cu_seqlen)
    batch_sizes = cu[1:] - cu[:-1]
    max_num_chunks_per_seq = (SEQ_LEN - chunk_size) // kernel_stride + 1
    chunk_start_offsets = jnp.arange(0, max_num_chunks_per_seq * kernel_stride, kernel_stride)
    seq_starts = cu[:-1]
    chunk_start_in_seq = seq_starts[:, None] + chunk_start_offsets[None, :]
    chunk_end_in_seq = chunk_start_in_seq + chunk_size
    valid_chunk_mask = chunk_end_in_seq <= (seq_starts[:, None] + batch_sizes[:, None])
    valid_chunk_starts = chunk_start_in_seq.reshape(-1)
    chunk_indices = jnp.arange(chunk_size)[None, :]
    filtered_indices = (valid_chunk_starts[:, None] + chunk_indices).reshape(-1)
    num_filtered_chunks_per_batch = valid_chunk_mask.sum(axis=1)
    cu_seqlens_compressed = jnp.concatenate(
        [jnp.zeros((1,), dtype=jnp.int32), jnp.cumsum(num_filtered_chunks_per_batch).astype(jnp.int32)]
    )
    return filtered_indices.astype(jnp.int32), cu_seqlens_compressed


def setup_inputs(seed: int = 0) -> dict:
    key = jax.random.key(seed)
    k = jax.random.normal(key, (32768, HEAD_NUM_K, HEAD_DIM), dtype=jnp.float32)
    cu_seqlens = jnp.arange(17, dtype=jnp.int32) * 2048
    return {"k": k, "cu_seqlens": cu_seqlens}


def reference(k, cu_seqlens):
    filtered_k_indices, cu_seqlens_compressed = calc_chunks_with_stride(cu_seqlens, KERNEL_SIZE, KERNEL_STRIDE)
    filtered_k = jnp.take(k, filtered_k_indices, axis=0)
    filtered_k = filtered_k.reshape(filtered_k.shape[0] // KERNEL_SIZE, KERNEL_SIZE, HEAD_NUM_K, HEAD_DIM)
    compressed_k = filtered_k.mean(axis=1)
    return (compressed_k, cu_seqlens_compressed)

if __name__ == "__main__":
    import jax
    _d = setup_inputs()
    print(jax.jit(kernel)(*tuple(_d.values())))

</pallas_src>

<mosaic_0001>
#map = affine_map<(d0, d1) -> (0)>
module attributes {stable_mosaic.version = 14 : i64} {
  func.func @_sc_body(%arg0: i32, %arg1: i32, %arg2: memref<33554432xf32, #tpu.memory_space<hbm>>, %arg3: memref<16xi32, #tpu.memory_space<hbm>>, %arg4: memref<16xi32, #tpu.memory_space<hbm>>, %arg5: memref<260096xf32, #tpu.memory_space<hbm>>, %arg6: memref<16xi32, #tpu.memory_space<hbm>>, %arg7: memref<16384xf32, #tpu.memory_space<vmem>>, %arg8: memref<16384xf32, #tpu.memory_space<vmem>>, %arg9: memref<16384xf32, #tpu.memory_space<vmem>>, %arg10: memref<16384xf32, #tpu.memory_space<vmem>>, %arg11: memref<4096xf32, #tpu.memory_space<vmem>>, %arg12: memref<4x1024xf32, #tpu.memory_space<vmem>>, %arg13: memref<16xi32, #tpu.memory_space<vmem>>, %arg14: memref<16xi32, #tpu.memory_space<vmem>>, %arg15: memref<!tpu.dma_semaphore, #tpu.memory_space<semaphore_mem>>, %arg16: memref<!tpu.dma_semaphore, #tpu.memory_space<semaphore_mem>>, %arg17: memref<!tpu.dma_semaphore, #tpu.memory_space<semaphore_mem>>, %arg18: memref<!tpu.dma_semaphore, #tpu.memory_space<semaphore_mem>>, %arg19: memref<!tpu.dma_semaphore, #tpu.memory_space<semaphore_mem>>, %arg20: memref<!tpu.dma_semaphore, #tpu.memory_space<semaphore_mem>>, %arg21: memref<!tpu.dma_semaphore, #tpu.memory_space<semaphore_mem>>, %arg22: memref<!tpu.dma_semaphore, #tpu.memory_space<semaphore_mem>>) attributes {dimension_semantics = [#tpu.dimension_semantics<core_parallel>, #tpu.dimension_semantics<subcore_parallel>], iteration_bounds = array<i64: 2, 16>, scalar_prefetch = 0 : i64, scratch_operands = 16 : i64, tpu.core_type = #tpu.core_type<sc_vector_subcore>, window_params = [{transform_indices = #map}, {transform_indices = #map}, {transform_indices = #map}, {transform_indices = #map}, {transform_indices = #map}]} {
    %mul3A = arith.constant 16 : i32
    %mul3A_0 = arith.muli %arg0, %mul3A : i32
    %add3A = arith.addi %mul3A_0, %arg1 : i32
    %jit3A = arith.constant 16 : i32
    %div3A = arith.divsi %add3A, %jit3A : i32
    %sign3A = arith.constant 0 : i32
    %sign3A_1 = arith.cmpi sgt, %add3A, %sign3A : i32
    %sign3A_2 = arith.extui %sign3A_1 : i1 to i32
    %sign3A_3 = arith.constant 0 : i32
    %sign3A_4 = arith.cmpi slt, %add3A, %sign3A_3 : i32
    %sign3A_5 = arith.extui %sign3A_4 : i1 to i32
    %sign3A_6 = arith.subi %sign3A_2, %sign3A_5 : i32
    %sign3A_7 = arith.constant 0 : i32
    %sign3A_8 = arith.cmpi sgt, %jit3A, %sign3A_7 : i32
    %sign3A_9 = arith.extui %sign3A_8 : i1 to i32
    %sign3A_10 = arith.constant 0 : i32
    %sign3A_11 = arith.cmpi slt, %jit3A, %sign3A_10 : i32
    %sign3A_12 = arith.extui %sign3A_11 : i1 to i32
    %sign3A_13 = arith.subi %sign3A_9, %sign3A_12 : i32
    %ne3A = arith.cmpi ne, %sign3A_6, %sign3A_13 : i32
    %rem3A = arith.remsi %add3A, %jit3A : i32
    %ne3A_14 = arith.constant 0 : i32
    %ne3A_15 = arith.cmpi ne, %rem3A, %ne3A_14 : i32
    %and3A = arith.andi %ne3A, %ne3A_15 : i1
    %sub3A = arith.constant 1 : i32
    %sub3A_16 = arith.subi %div3A, %sub3A : i32
    %select_n3A = arith.select %and3A, %sub3A_16, %div3A : i32
    %jit3A_17 = arith.constant 16 : i32
    %eq3A = arith.constant 0 : i32
    %eq3A_18 = arith.cmpi eq, %jit3A_17, %eq3A : i32
    %jit3A_19 = arith.constant 1 : i32
    %select_n3A_20 = arith.select %eq3A_18, %jit3A_19, %jit3A_17 : i32
    %rem3A_21 = arith.remsi %add3A, %select_n3A_20 : i32
    %ne3A_22 = arith.constant 0 : i32
    %ne3A_23 = arith.cmpi ne, %rem3A_21, %ne3A_22 : i32
    %lt3A = arith.constant 0 : i32
    %lt3A_24 = arith.cmpi slt, %rem3A_21, %lt3A : i32
    %lt3A_25 = arith.constant 0 : i32
    %lt3A_26 = arith.cmpi slt, %select_n3A_20, %lt3A_25 : i32
    %ne3A_27 = arith.xori %lt3A_24, %lt3A_26 : i1
    %and3A_28 = arith.andi %ne3A_27, %ne3A_23 : i1
    %add3A_29 = arith.addi %rem3A_21, %select_n3A_20 : i32
    %select_n3A_30 = arith.select %and3A_28, %add3A_29, %rem3A_21 : i32
    %mul3A_31 = arith.constant 128 : i32
    %mul3A_32 = arith.muli %select_n3A, %mul3A_31 : i32
    %mul3A_33 = arith.constant 8 : i32
    %mul3A_34 = arith.muli %mul3A_33, %select_n3A_30 : i32
    %add3A_35 = arith.addi %mul3A_32, %mul3A_34 : i32
    %mul3A_36 = arith.constant 127 : i32
    %mul3A_37 = arith.muli %select_n3A, %mul3A_36 : i32
    %mul3A_38 = arith.constant 8 : i32
    %mul3A_39 = arith.muli %mul3A_38, %select_n3A_30 : i32
    %add3A_40 = arith.addi %mul3A_37, %mul3A_39 : i32
    %eq3A_41 = arith.constant 15 : i32
    %eq3A_42 = arith.cmpi eq, %select_n3A_30, %eq3A_41 : i32
    %convert_element_type3A = arith.extui %eq3A_42 : i1 to i32
    %sub3A_43 = arith.constant 9 : i32
    %sub3A_44 = arith.subi %sub3A_43, %convert_element_type3A : i32
    %add3A_45 = arith.constant 0 : i32
    %add3A_46 = arith.addi %add3A_35, %add3A_45 : i32
    %mul3A_47 = arith.constant 16384 : i32
    %mul3A_48 = arith.muli %add3A_46, %mul3A_47 : i32
    %dma_start3A = tpu.memref_slice %arg2[%mul3A_48] : memref<33554432xf32, #tpu.memory_space<hbm>> -> memref<16384xf32, #tpu.memory_space<hbm>>
    %dma_start3A_49 = tpu.memref_slice %arg2[%mul3A_48] : memref<33554432xf32, #tpu.memory_space<hbm>> -> memref<16384xf32, #tpu.memory_space<hbm>>
    tpu.enqueue_dma source(%dma_start3A_49 : memref<16384xf32, #tpu.memory_space<hbm>>) target(%arg7 : memref<16384xf32, #tpu.memory_space<vmem>>) target_semaphore(%arg15 : memref<!tpu.dma_semaphore, #tpu.memory_space<semaphore_mem>>)
    %add3A_50 = arith.constant 1 : i32
    %add3A_51 = arith.addi %add3A_35, %add3A_50 : i32
    %mul3A_52 = arith.constant 16384 : i32
    %mul3A_53 = arith.muli %add3A_51, %mul3A_52 : i32
    %dma_start3A_54 = tpu.memref_slice %arg2[%mul3A_53] : memref<33554432xf32, #tpu.memory_space<hbm>> -> memref<16384xf32, #tpu.memory_space<hbm>>
    %dma_start3A_55 = tpu.memref_slice %arg2[%mul3A_53] : memref<33554432xf32, #tpu.memory_space<hbm>> -> memref<16384xf32, #tpu.memory_space<hbm>>
    tpu.enqueue_dma source(%dma_start3A_55 : memref<16384xf32, #tpu.memory_space<hbm>>) target(%arg8 : memref<16384xf32, #tpu.memory_space<vmem>>) target_semaphore(%arg16 : memref<!tpu.dma_semaphore, #tpu.memory_space<semaphore_mem>>)
    %add3A_56 = arith.constant 2 : i32
    %add3A_57 = arith.addi %add3A_35, %add3A_56 : i32
    %mul3A_58 = arith.constant 16384 : i32
    %mul3A_59 = arith.muli %add3A_57, %mul3A_58 : i32
    %dma_start3A_60 = tpu.memref_slice %arg2[%mul3A_59] : memref<33554432xf32, #tpu.memory_space<hbm>> -> memref<16384xf32, #tpu.memory_space<hbm>>
    %dma_start3A_61 = tpu.memref_slice %arg2[%mul3A_59] : memref<33554432xf32, #tpu.memory_space<hbm>> -> memref<16384xf32, #tpu.memory_space<hbm>>
    tpu.enqueue_dma source(%dma_start3A_61 : memref<16384xf32, #tpu.memory_space<hbm>>) target(%arg9 : memref<16384xf32, #tpu.memory_space<vmem>>) target_semaphore(%arg17 : memref<!tpu.dma_semaphore, #tpu.memory_space<semaphore_mem>>)
    %add3A_62 = arith.constant 3 : i32
    %add3A_63 = arith.addi %add3A_35, %add3A_62 : i32
    %mul3A_64 = arith.constant 16384 : i32
    %mul3A_65 = arith.muli %add3A_63, %mul3A_64 : i32
    %dma_start3A_66 = tpu.memref_slice %arg2[%mul3A_65] : memref<33554432xf32, #tpu.memory_space<hbm>> -> memref<16384xf32, #tpu.memory_space<hbm>>
    %dma_start3A_67 = tpu.memref_slice %arg2[%mul3A_65] : memref<33554432xf32, #tpu.memory_space<hbm>> -> memref<16384xf32, #tpu.memory_space<hbm>>
    tpu.enqueue_dma source(%dma_start3A_67 : memref<16384xf32, #tpu.memory_space<hbm>>) target(%arg10 : memref<16384xf32, #tpu.memory_space<vmem>>) target_semaphore(%arg18 : memref<!tpu.dma_semaphore, #tpu.memory_space<semaphore_mem>>)
    %scan3A = arith.constant 0 : i32
    %scan3A_68 = arith.constant 3 : i32
    %scan3A_69 = arith.addi %scan3A, %scan3A_68 : i32
    %scan3A_70 = arith.constant 1 : i32
    scf.for %scan3A_119 = %scan3A to %scan3A_69 step %scan3A_70  : i32 {
      %mul3A_120 = arith.constant 1 : i32
      %mul3A_121 = arith.muli %scan3A_119, %mul3A_120 : i32
      %add3A_122 = arith.constant 0 : i32
      %add3A_123 = arith.addi %add3A_122, %mul3A_121 : i32
      %mul3A_124 = arith.constant 4 : i32
      %mul3A_125 = arith.muli %add3A_123, %mul3A_124 : i32
      %add3A_126 = arith.constant 0 : i32
      %add3A_127 = arith.addi %mul3A_125, %add3A_126 : i32
      %lt3A_128 = arith.cmpi slt, %add3A_127, %sub3A_44 : i32
      %convert_element_type3A_129 = arith.extui %lt3A_128 : i1 to i32
      %cond3A_130 = arith.constant 0 : i32
      %cond3A_131 = arith.cmpi ne, %convert_element_type3A_129, %cond3A_130 : i32
      scf.if %cond3A_131 {
        %add3A_156 = arith.addi %add3A_35, %add3A_127 : i32
        %mul3A_157 = arith.constant 16384 : i32
        %mul3A_158 = arith.muli %add3A_156, %mul3A_157 : i32
        %dma_wait3A_159 = tpu.memref_slice %arg2[%mul3A_158] : memref<33554432xf32, #tpu.memory_space<hbm>> -> memref<16384xf32, #tpu.memory_space<hbm>>
        %dma_wait3A_160 = tpu.memref_slice %arg2[%mul3A_158] : memref<33554432xf32, #tpu.memory_space<hbm>> -> memref<16384xf32, #tpu.memory_space<hbm>>
        tpu.wait_dma2 semaphore(%arg15 : memref<!tpu.dma_semaphore, #tpu.memory_space<semaphore_mem>>) src(%dma_wait3A_160 : memref<16384xf32, #tpu.memory_space<hbm>>) dst(%arg7 : memref<16384xf32, #tpu.memory_space<vmem>>)
        %ge3A = arith.constant 5 : i32
        %ge3A_161 = arith.cmpi sge, %add3A_127, %ge3A : i32
        %convert_element_type3A_162 = arith.extui %ge3A_161 : i1 to i32
        %cond3A_163 = arith.constant 0 : i32
        %cond3A_164 = arith.cmpi ne, %convert_element_type3A_162, %cond3A_163 : i32
        scf.if %cond3A_164 {
          %dma_wait3A_181 = arith.constant 0 : i32
          %dma_wait3A_182 = arith.constant 0 : i32
          %dma_wait3A_183 = tpu.memref_slice %arg12[%dma_wait3A_181, %dma_wait3A_182] : memref<4x1024xf32, #tpu.memory_space<vmem>> -> memref<1x1024xf32, #tpu.memory_space<vmem>>
          %dma_wait3A_184 = tpu.memref_squeeze %dma_wait3A_183 : memref<1x1024xf32, #tpu.memory_space<vmem>> -> memref<1024xf32, #tpu.memory_space<vmem>>
          %dma_wait3A_185 = arith.constant 0 : i32
          %dma_wait3A_186 = tpu.memref_slice %arg5[%dma_wait3A_185] : memref<260096xf32, #tpu.memory_space<hbm>> -> memref<1024xf32, #tpu.memory_space<hbm>>
          %dma_wait3A_187 = arith.constant 0 : i32
          %dma_wait3A_188 = tpu.memref_slice %arg5[%dma_wait3A_187] : memref<260096xf32, #tpu.memory_space<hbm>> -> memref<1024xf32, #tpu.memory_space<hbm>>
          %dma_wait3A_189 = arith.constant 0 : i32
          %dma_wait3A_190 = tpu.memref_slice %arg12[%dma_wait3A_181, %dma_wait3A_189] : memref<4x1024xf32, #tpu.memory_space<vmem>> -> memref<1x1024xf32, #tpu.memory_space<vmem>>
          %dma_wait3A_191 = tpu.memref_squeeze %dma_wait3A_190 : memref<1x1024xf32, #tpu.memory_space<vmem>> -> memref<1024xf32, #tpu.memory_space<vmem>>
          tpu.wait_dma2 semaphore(%arg19 : memref<!tpu.dma_semaphore, #tpu.memory_space<semaphore_mem>>) src(%dma_wait3A_191 : memref<1024xf32, #tpu.memory_space<vmem>>) dst(%dma_wait3A_188 : memref<1024xf32, #tpu.memory_space<hbm>>)
        } else {
        }
        %scan3A_165 = arith.constant 0 : i32
        %scan3A_166 = arith.constant 64 : i32
        %scan3A_167 = arith.addi %scan3A_165, %scan3A_166 : i32
        %scan3A_168 = arith.constant 4 : i32
        scf.for %scan3A_181 = %scan3A_165 to %scan3A_167 step %scan3A_168  : i32 {
          %mul3A_182 = arith.constant 1 : i32
          %mul3A_183 = arith.muli %scan3A_181, %mul3A_182 : i32
          %add3A_184 = arith.constant 0 : i32
          %add3A_185 = arith.addi %add3A_184, %mul3A_183 : i32
          %mul3A_186 = arith.constant 16 : i32
          %mul3A_187 = arith.muli %add3A_185, %mul3A_186 : i32
          %get3A = arith.index_cast %mul3A_187 : i32 to index
          %get3A_188 = tpu.vector_load %arg7[%get3A] {strides = array<i32>} : memref<16384xf32, #tpu.memory_space<vmem>>, vector<16xf32>,
          %add3A_189 = arith.constant 1024 : i32
          %add3A_190 = arith.addi %add3A_189, %mul3A_187 : i32
          %get3A_191 = arith.index_cast %add3A_190 : i32 to index
          %get3A_192 = tpu.vector_load %arg7[%get3A_191] {strides = array<i32>} : memref<16384xf32, #tpu.memory_space<vmem>>, vector<16xf32>,
          %add3A_193 = arith.addf %get3A_188, %get3A_192 : vector<16xf32>
          %add3A_194 = arith.constant 2048 : i32
          %add3A_195 = arith.addi %add3A_194, %mul3A_187 : i32
          %get3A_196 = arith.index_cast %add3A_195 : i32 to index
          %get3A_197 = tpu.vector_load %arg7[%get3A_196] {strides = array<i32>} : memref<16384xf32, #tpu.memory_space<vmem>>, vector<16xf32>,
          %add3A_198 = arith.addf %add3A_193, %get3A_197 : vector<16xf32>
          %add3A_199 = arith.constant 3072 : i32
          %add3A_200 = arith.addi %add3A_199, %mul3A_187 : i32
          %get3A_201 = arith.index_cast %add3A_200 : i32 to index
          %get3A_202 = tpu.vector_load %arg7[%get3A_201] {strides = array<i32>} : memref<16384xf32, #tpu.memory_space<vmem>>, vector<16xf32>,
          %add3A_203 = arith.addf %add3A_198, %get3A_202 : vector<16xf32>
          %add3A_204 = arith.constant 4096 : i32
          %add3A_205 = arith.addi %add3A_204, %mul3A_187 : i32
          %get3A_206 = arith.index_cast %add3A_205 : i32 to index
          %get3A_207 = tpu.vector_load %arg7[%get3A_206] {strides = array<i32>} : memref<16384xf32, #tpu.memory_space<vmem>>, vector<16xf32>,
          %add3A_208 = arith.addf %add3A_203, %get3A_207 : vector<16xf32>
          %add3A_209 = arith.constant 5120 : i32
          %add3A_210 = arith.addi %add3A_209, %mul3A_187 : i32
          %get3A_211 = arith.index_cast %add3A_210 : i32 to index
          %get3A_212 = tpu.vector_load %arg7[%get3A_211] {strides = array<i32>} : memref<16384xf32, #tpu.memory_space<vmem>>, vector<16xf32>,
          %add3A_213 = arith.addf %add3A_208, %get3A_212 : vector<16xf32>
          %add3A_214 = arith.constant 6144 : i32
          %add3A_215 = arith.addi %add3A_214, %mul3A_187 : i32
          %get3A_216 = arith.index_cast %add3A_215 : i32 to index
          %get3A_217 = tpu.vector_load %arg7[%get3A_216] {strides = array<i32>} : memref<16384xf32, #tpu.memory_space<vmem>>, vector<16xf32>,
          %add3A_218 = arith.addf %add3A_213, %get3A_217 : vector<16xf32>
          %add3A_219 = arith.constant 7168 : i32
          %add3A_220 = arith.addi %add3A_219, %mul3A_187 : i32
          %get3A_221 = arith.index_cast %add3A_220 : i32 to index
          %get3A_222 = tpu.vector_load %arg7[%get3A_221] {strides = array<i32>} : memref<16384xf32, #tpu.memory_space<vmem>>, vector<16xf32>,
          %add3A_223 = arith.addf %add3A_218, %get3A_222 : vector<16xf32>
          %add3A_224 = arith.constant 8192 : i32
          %add3A_225 = arith.addi %add3A_224, %mul3A_187 : i32
          %get3A_226 = arith.index_cast %add3A_225 : i32 to index
          %get3A_227 = tpu.vector_load %arg7[%get3A_226] {strides = array<i32>} : memref<16384xf32, #tpu.memory_space<vmem>>, vector<16xf32>,
          %add3A_228 = arith.addf %add3A_223, %get3A_227 : vector<16xf32>
          %add3A_229 = arith.constant 9216 : i32
          %add3A_230 = arith.addi %add3A_229, %mul3A_187 : i32
          %get3A_231 = arith.index_cast %add3A_230 : i32 to index
          %get3A_232 = tpu.vector_load %arg7[%get3A_231] {strides = array<i32>} : memref<16384xf32, #tpu.memory_space<vmem>>, vector<16xf32>,
          %add3A_233 = arith.addf %add3A_228, %get3A_232 : vector<16xf32>
          %add3A_234 = arith.constant 10240 : i32
          %add3A_235 = arith.addi %add3A_234, %mul3A_187 : i32
          %get3A_236 = arith.index_cast %add3A_235 : i32 to index
          %get3A_237 = tpu.vector_load %arg7[%get3A_236] {strides = array<i32>} : memref<16384xf32, #tpu.memory_space<vmem>>, vector<16xf32>,
          %add3A_238 = arith.addf %add3A_233, %get3A_237 : vector<16xf32>
          %add3A_239 = arith.constant 11264 : i32
          %add3A_240 = arith.addi %add3A_239, %mul3A_187 : i32
          %get3A_241 = arith.index_cast %add3A_240 : i32 to index
          %get3A_242 = tpu.vector_load %arg7[%get3A_241] {strides = array<i32>} : memref<16384xf32, #tpu.memory_space<vmem>>, vector<16xf32>,
          %add3A_243 = arith.addf %add3A_238, %get3A_242 : vector<16xf32>
          %add3A_244 = arith.constant 12288 : i32
          %add3A_245 = arith.addi %add3A_244, %mul3A_187 : i32
          %get3A_246 = arith.index_cast %add3A_245 : i32 to index
          %get3A_247 = tpu.vector_load %arg7[%get3A_246] {strides = array<i32>} : memref<16384xf32, #tpu.memory_space<vmem>>, vector<16xf32>,
          %add3A_248 = arith.addf %add3A_243, %get3A_247 : vector<16xf32>
          %add3A_249 = arith.constant 13312 : i32
          %add3A_250 = arith.addi %add3A_249, %mul3A_187 : i32
          %get3A_251 = arith.index_cast %add3A_250 : i32 to index
          %get3A_252 = tpu.vector_load %arg7[%get3A_251] {strides = array<i32>} : memref<16384xf32, #tpu.memory_space<vmem>>, vector<16xf32>,
          %add3A_253 = arith.addf %add3A_248, %get3A_252 : vector<16xf32>
          %add3A_254 = arith.constant 14336 : i32
          %add3A_255 = arith.addi %add3A_254, %mul3A_187 : i32
          %get3A_256 = arith.index_cast %add3A_255 : i32 to index
          %get3A_257 = tpu.vector_load %arg7[%get3A_256] {strides = array<i32>} : memref<16384xf32, #tpu.memory_space<vmem>>, vector<16xf32>,
          %add3A_258 = arith.addf %add3A_253, %get3A_257 : vector<16xf32>
          %add3A_259 = arith.constant 15360 : i32
          %add3A_260 = arith.addi %add3A_259, %mul3A_187 : i32
          %get3A_261 = arith.index_cast %add3A_260 : i32 to index
          %get3A_262 = tpu.vector_load %arg7[%get3A_261] {strides = array<i32>} : memref<16384xf32, #tpu.memory_space<vmem>>, vector<16xf32>,
          %add3A_263 = arith.addf %add3A_258, %get3A_262 : vector<16xf32>
          %jit3A_264 = arith.constant 4 : i32
          %eq3A_265 = arith.constant 0 : i32
          %eq3A_266 = arith.cmpi eq, %jit3A_264, %eq3A_265 : i32
          %jit3A_267 = arith.constant 1 : i32
          %select_n3A_268 = arith.select %eq3A_266, %jit3A_267, %jit3A_264 : i32
          %rem3A_269 = arith.remsi %add3A_127, %select_n3A_268 : i32
          %ne3A_270 = arith.constant 0 : i32
          %ne3A_271 = arith.cmpi ne, %rem3A_269, %ne3A_270 : i32
          %lt3A_272 = arith.constant 0 : i32
          %lt3A_273 = arith.cmpi slt, %rem3A_269, %lt3A_272 : i32
          %lt3A_274 = arith.constant 0 : i32
          %lt3A_275 = arith.cmpi slt, %select_n3A_268, %lt3A_274 : i32
          %ne3A_276 = arith.xori %lt3A_273, %lt3A_275 : i1
          %and3A_277 = arith.andi %ne3A_276, %ne3A_271 : i1
          %add3A_278 = arith.addi %rem3A_269, %select_n3A_268 : i32
          %select_n3A_279 = arith.select %and3A_277, %add3A_278, %rem3A_269 : i32
          %mul3A_280 = arith.constant 1024 : i32
          %mul3A_281 = arith.muli %select_n3A_279, %mul3A_280 : i32
          %add3A_282 = arith.addi %mul3A_281, %mul3A_187 : i32
          %swap3A = arith.index_cast %add3A_282 : i32 to index
          %swap3A_283 = tpu.vector_load %arg11[%swap3A] {strides = array<i32>} : memref<4096xf32, #tpu.memory_space<vmem>>, vector<16xf32>,
          tpu.vector_store %arg11[%swap3A], %add3A_263 {strides = array<i32>} : memref<4096xf32, #tpu.memory_space<vmem>>, vector<16xf32>,
          %ge3A_284 = arith.constant 1 : i32
          %ge3A_285 = arith.cmpi sge, %add3A_127, %ge3A_284 : i32
          %convert_element_type3A_286 = arith.extui %ge3A_285 : i1 to i32
          %cond3A_287 = arith.constant 0 : i32
          %cond3A_288 = arith.cmpi ne, %convert_element_type3A_286, %cond3A_287 : i32
          scf.if %cond3A_288 {
            %sub3A_622 = arith.constant 1 : i32
            %sub3A_623 = arith.subi %add3A_127, %sub3A_622 : i32
            %jit3A_624 = arith.constant 4 : i32
            %eq3A_625 = arith.constant 0 : i32
            %eq3A_626 = arith.cmpi eq, %jit3A_624, %eq3A_625 : i32
            %jit3A_627 = arith.constant 1 : i32
            %select_n3A_628 = arith.select %eq3A_626, %jit3A_627, %jit3A_624 : i32
            %rem3A_629 = arith.remsi %sub3A_623, %select_n3A_628 : i32
            %ne3A_630 = arith.constant 0 : i32
            %ne3A_631 = arith.cmpi ne, %rem3A_629, %ne3A_630 : i32
            %lt3A_632 = arith.constant 0 : i32
            %lt3A_633 = arith.cmpi slt, %rem3A_629, %lt3A_632 : i32
            %lt3A_634 = arith.constant 0 : i32
            %lt3A_635 = arith.cmpi slt, %select_n3A_628, %lt3A_634 : i32
            %ne3A_636 = arith.xori %lt3A_633, %lt3A_635 : i1
            %and3A_637 = arith.andi %ne3A_636, %ne3A_631 : i1
            %add3A_638 = arith.addi %rem3A_629, %select_n3A_628 : i32
            %select_n3A_639 = arith.select %and3A_637, %add3A_638, %rem3A_629 : i32
            %mul3A_640 = arith.constant 1024 : i32
            %mul3A_641 = arith.muli %select_n3A_639, %mul3A_640 : i32
            %add3A_642 = arith.addi %mul3A_641, %mul3A_187 : i32
            %get3A_643 = arith.index_cast %add3A_642 : i32 to index
            %get3A_644 = tpu.vector_load %arg11[%get3A_643] {strides = array<i32>} : memref<4096xf32, #tpu.memory_space<vmem>>, vector<16xf32>,
            %add3A_645 = arith.addf %get3A_644, %add3A_263 : vector<16xf32>
            %mul3A_646 = arith.constant 3.125000e-02 : f32
            %mul3A_647 = vector.broadcast %mul3A_646 : f32 to vector<16xf32>
            %mul3A_648 = arith.mulf %add3A_645, %mul3A_647 : vector<16xf32>
            %swap3A_649 = arith.constant 0 : i32
            %swap3A_650 = arith.index_cast %swap3A_649 : i32 to index
            %swap3A_651 = arith.index_cast %mul3A_187 : i32 to index
            %swap3A_652 = tpu.vector_load %arg12[%swap3A_650, %swap3A_651] {strides = array<i32>} : memref<4x1024xf32, #tpu.memory_space<vmem>>, vector<16xf32>,
            tpu.vector_store %arg12[%swap3A_650, %swap3A_651], %mul3A_648 {strides = array<i32>} : memref<4x1024xf32, #tpu.memory_space<vmem>>, vector<16xf32>,
          } else {
          }
          %scan3A_289 = arith.constant 1 : i32
          %scan3A_290 = arith.addi %scan3A_181, %scan3A_289 : i32
          %mul3A_291 = arith.constant 1 : i32
          %mul3A_292 = arith.muli %scan3A_290, %mul3A_291 : i32
          %add3A_293 = arith.constant 0 : i32
          %add3A_294 = arith.addi %add3A_293, %mul3A_292 : i32
          %mul3A_295 = arith.constant 16 : i32
          %mul3A_296 = arith.muli %add3A_294, %mul3A_295 : i32
          %get3A_297 = arith.index_cast %mul3A_296 : i32 to index
          %get3A_298 = tpu.vector_load %arg7[%get3A_297] {strides = array<i32>} : memref<16384xf32, #tpu.memory_space<vmem>>, vector<16xf32>,
          %add3A_299 = arith.constant 1024 : i32
          %add3A_300 = arith.addi %add3A_299, %mul3A_296 : i32
          %get3A_301 = arith.index_cast %add3A_300 : i32 to index
          %get3A_302 = tpu.vector_load %arg7[%get3A_301] {strides = array<i32>} : memref<16384xf32, #tpu.memory_space<vmem>>, vector<16xf32>,
          %add3A_303 = arith.addf %get3A_298, %get3A_302 : vector<16xf32>
          %add3A_304 = arith.constant 2048 : i32
          %add3A_305 = arith.addi %add3A_304, %mul3A_296 : i32
          %get3A_306 = arith.index_cast %add3A_305 : i32 to index
          %get3A_307 = tpu.vector_load %arg7[%get3A_306] {strides = array<i32>} : memref<16384xf32, #tpu.memory_space<vmem>>, vector<16xf32>,
          %add3A_308 = arith.addf %add3A_303, %get3A_307 : vector<16xf32>
          %add3A_309 = arith.constant 3072 : i32
          %add3A_310 = arith.addi %add3A_309, %mul3A_296 : i32
          %get3A_311 = arith.index_cast %add3A_310 : i32 to index
          %get3A_312 = tpu.vector_load %arg7[%get3A_311] {strides = array<i32>} : memref<16384xf32, #tpu.memory_space<vmem>>, vector<16xf32>,
          %add3A_313 = arith.addf %add3A_308, %get3A_312 : vector<16xf32>
          %add3A_314 = arith.constant 4096 : i32
          %add3A_315 = arith.addi %add3A_314, %mul3A_296 : i32
          %get3A_316 = arith.index_cast %add3A_315 : i32 to index
          %get3A_317 = tpu.vector_load %arg7[%get3A_316] {strides = array<i32>} : memref<16384xf32, #tpu.memory_space<vmem>>, vector<16xf32>,
          %add3A_318 = arith.addf %add3A_313, %get3A_317 : vector<16xf32>
          %add3A_319 = arith.constant 5120 : i32
          %add3A_320 = arith.addi %add3A_319, %mul3A_296 : i32
          %get3A_321 = arith.index_cast %add3A_320 : i32 to index
          %get3A_322 = tpu.vector_load %arg7[%get3A_321] {strides = array<i32>} : memref<16384xf32, #tpu.memory_space<vmem>>, vector<16xf32>,
          %add3A_323 = arith.addf %add3A_318, %get3A_322 : vector<16xf32>
          %add3A_324 = arith.constant 6144 : i32
          %add3A_325 = arith.addi %add3A_324, %mul3A_296 : i32
          %get3A_326 = arith.index_cast %add3A_325 : i32 to index
          %get3A_327 = tpu.vector_load %arg7[%get3A_326] {strides = array<i32>} : memref<16384xf32, #tpu.memory_space<vmem>>, vector<16xf32>,
          %add3A_328 = arith.addf %add3A_323, %get3A_327 : vector<16xf32>
          %add3A_329 = arith.constant 7168 : i32
          %add3A_330 = arith.addi %add3A_329, %mul3A_296 : i32
          %get3A_331 = arith.index_cast %add3A_330 : i32 to index
          %get3A_332 = tpu.vector_load %arg7[%get3A_331] {strides = array<i32>} : memref<16384xf32, #tpu.memory_space<vmem>>, vector<16xf32>,
          %add3A_333 = arith.addf %add3A_328, %get3A_332 : vector<16xf32>
          %add3A_334 = arith.constant 8192 : i32
          %add3A_335 = arith.addi %add3A_334, %mul3A_296 : i32
          %get3A_336 = arith.index_cast %add3A_335 : i32 to index
          %get3A_337 = tpu.vector_load %arg7[%get3A_336] {strides = array<i32>} : memref<16384xf32, #tpu.memory_space<vmem>>, vector<16xf32>,
          %add3A_338 = arith.addf %add3A_333, %get3A_337 : vector<16xf32>
          %add3A_339 = arith.constant 9216 : i32
          %add3A_340 = arith.addi %add3A_339, %mul3A_296 : i32
          %get3A_341 = arith.index_cast %add3A_340 : i32 to index
          %get3A_342 = tpu.vector_load %arg7[%get3A_341] {strides = array<i32>} : memref<16384xf32, #tpu.memory_space<vmem>>, vector<16xf32>,
          %add3A_343 = arith.addf %add3A_338, %get3A_342 : vector<16xf32>
          %add3A_344 = arith.constant 10240 : i32
          %add3A_345 = arith.addi %add3A_344, %mul3A_296 : i32
          %get3A_346 = arith.index_cast %add3A_345 : i32 to index
          %get3A_347 = tpu.vector_load %arg7[%get3A_346] {strides = array<i32>} : memref<16384xf32, #tpu.memory_space<vmem>>, vector<16xf32>,
          %add3A_348 = arith.addf %add3A_343, %get3A_347 : vector<16xf32>
          %add3A_349 = arith.constant 11264 : i32
          %add3A_350 = arith.addi %add3A_349, %mul3A_296 : i32
          %get3A_351 = arith.index_cast %add3A_350 : i32 to index
          %get3A_352 = tpu.vector_load %arg7[%get3A_351] {strides = array<i32>} : memref<16384xf32, #tpu.memory_space<vmem>>, vector<16xf32>,
          %add3A_353 = arith.addf %add3A_348, %get3A_352 : vector<16xf32>
          %add3A_354 = arith.constant 12288 : i32
          %add3A_355 = arith.addi %add3A_354, %mul3A_296 : i32
          %get3A_356 = arith.index_cast %add3A_355 : i32 to index
          %get3A_357 = tpu.vector_load %arg7[%get3A_356] {strides = array<i32>} : memref<16384xf32, #tpu.memory_space<vmem>>, vector<16xf32>,
          %add3A_358 = arith.addf %add3A_353, %get3A_357 : vector<16xf32>
          %add3A_359 = arith.constant 13312 : i32
          %add3A_360 = arith.addi %add3A_359, %mul3A_296 : i32
          %get3A_361 = arith.index_cast %add3A_360 : i32 to index
          %get3A_362 = tpu.vector_load %arg7[%get3A_361] {strides = array<i32>} : memref<16384xf32, #tpu.memory_space<vmem>>, vector<16xf32>,
          %add3A_363 = arith.addf %add3A_358, %get3A_362 : vector<16xf32>
          %add3A_364 = arith.constant 14336 : i32
          %add3A_365 = arith.addi %add3A_364, %mul3A_296 : i32
          %get3A_366 = arith.index_cast %add3A_365 : i32 to index
          %get3A_367 = tpu.vector_load %arg7[%get3A_366] {strides = array<i32>} : memref<16384xf32, #tpu.memory_space<vmem>>, vector<16xf32>,
          %add3A_368 = arith.addf %add3A_363, %get3A_367 : vector<16xf32>
          %add3A_369 = arith.constant 15360 : i32
          %add3A_370 = arith.addi %add3A_369, %mul3A_296 : i32
          %get3A_371 = arith.index_cast %add3A_370 : i32 to index
          %get3A_372 = tpu.vector_load %arg7[%get3A_371] {strides = array<i32>} : memref<16384xf32, #tpu.memory_space<vmem>>, vector<16xf32>,
          %add3A_373 = arith.addf %add3A_368, %get3A_372 : vector<16xf32>
          %jit3A_374 = arith.constant 4 : i32
          %eq3A_375 = arith.constant 0 : i32
          %eq3A_376 = arith.cmpi eq, %jit3A_374, %eq3A_375 : i32
          %jit3A_377 = arith.constant 1 : i32
          %select_n3A_378 = arith.select %eq3A_376, %jit3A_377, %jit3A_374 : i32
          %rem3A_379 = arith.remsi %add3A_127, %select_n3A_378 : i32
          %ne3A_380 = arith.constant 0 : i32
          %ne3A_381 = arith.cmpi ne, %rem3A_379, %ne3A_380 : i32
          %lt3A_382 = arith.constant 0 : i32
          %lt3A_383 = arith.cmpi slt, %rem3A_379, %lt3A_382 : i32
          %lt3A_384 = arith.constant 0 : i32
          %lt3A_385 = arith.cmpi slt, %select_n3A_378, %lt3A_384 : i32
          %ne3A_386 = arith.xori %lt3A_383, %lt3A_385 : i1
          %and3A_387 = arith.andi %ne3A_386, %ne3A_381 : i1
          %add3A_388 = arith.addi %rem3A_379, %select_n3A_378 : i32
          %select_n3A_389 = arith.select %and3A_387, %add3A_388, %rem3A_379 : i32
          %mul3A_390 = arith.constant 1024 : i32
          %mul3A_391 = arith.muli %select_n3A_389, %mul3A_390 : i32
          %add3A_392 = arith.addi %mul3A_391, %mul3A_296 : i32
          %swap3A_393 = arith.index_cast %add3A_392 : i32 to index
          %swap3A_394 = tpu.vector_load %arg11[%swap3A_393] {strides = array<i32>} : memref<4096xf32, #tpu.memory_space<vmem>>, vector<16xf32>,
          tpu.vector_store %arg11[%swap3A_393], %add3A_373 {strides = array<i32>} : memref<4096xf32, #tpu.memory_space<vmem>>, vector<16xf32>,
          %ge3A_395 = arith.constant 1 : i32
          %ge3A_396 = arith.cmpi sge, %add3A_127, %ge3A_395 : i32
          %convert_element_type3A_397 = arith.extui %ge3A_396 : i1 to i32
          %cond3A_398 = arith.constant 0 : i32
          %cond3A_399 = arith.cmpi ne, %convert_element_type3A_397, %cond3A_398 : i32
          scf.if %cond3A_399 {
            %sub3A_622 = arith.constant 1 : i32
            %sub3A_623 = arith.subi %add3A_127, %sub3A_622 : i32
            %jit3A_624 = arith.constant 4 : i32
            %eq3A_625 = arith.constant 0 : i32
            %eq3A_626 = arith.cmpi eq, %jit3A_624, %eq3A_625 : i32
            %jit3A_627 = arith.constant 1 : i32
            %select_n3A_628 = arith.select %eq3A_626, %jit3A_627, %jit3A_624 : i32
            %rem3A_629 = arith.remsi %sub3A_623, %select_n3A_628 : i32
            %ne3A_630 = arith.constant 0 : i32
            %ne3A_631 = arith.cmpi ne, %rem3A_629, %ne3A_630 : i32
            %lt3A_632 = arith.constant 0 : i32
            %lt3A_633 = arith.cmpi slt, %rem3A_629, %lt3A_632 : i32
            %lt3A_634 = arith.constant 0 : i32
            %lt3A_635 = arith.cmpi slt, %select_n3A_628, %lt3A_634 : i32
            %ne3A_636 = arith.xori %lt3A_633, %lt3A_635 : i1
            %and3A_637 = arith.andi %ne3A_636, %ne3A_631 : i1
            %add3A_638 = arith.addi %rem3A_629, %select_n3A_628 : i32
            %select_n3A_639 = arith.select %and3A_637, %add3A_638, %rem3A_629 : i32
            %mul3A_640 = arith.constant 1024 : i32
            %mul3A_641 = arith.muli %select_n3A_639, %mul3A_640 : i32
            %add3A_642 = arith.addi %mul3A_641, %mul3A_296 : i32
            %get3A_643 = arith.index_cast %add3A_642 : i32 to index
            %get3A_644 = tpu.vector_load %arg11[%get3A_643] {strides = array<i32>} : memref<4096xf32, #tpu.memory_space<vmem>>, vector<16xf32>,
            %add3A_645 = arith.addf %get3A_644, %add3A_373 : vector<16xf32>
            %mul3A_646 = arith.constant 3.125000e-02 : f32
            %mul3A_647 = vector.broadcast %mul3A_646 : f32 to vector<16xf32>
            %mul3A_648 = arith.mulf %add3A_645, %mul3A_647 : vector<16xf32>
            %swap3A_649 = arith.constant 0 : i32
            %swap3A_650 = arith.index_cast %swap3A_649 : i32 to index
            %swap3A_651 = arith.index_cast %mul3A_296 : i32 to index
            %swap3A_652 = tpu.vector_load %arg12[%swap3A_650, %swap3A_651] {strides = array<i32>} : memref<4x1024xf32, #tpu.memory_space<vmem>>, vector<16xf32>,
            tpu.vector_store %arg12[%swap3A_650, %swap3A_651], %mul3A_648 {strides = array<i32>} : memref<4x1024xf32, #tpu.memory_space<vmem>>, vector<16xf32>,
          } else {
          }
          %scan3A_400 = arith.constant 2 : i32
          %scan3A_401 = arith.addi %scan3A_181, %scan3A_400 : i32
          %mul3A_402 = arith.constant 1 : i32
          %mul3A_403 = arith.muli %scan3A_401, %mul3A_402 : i32
          %add3A_404 = arith.constant 0 : i32
          %add3A_405 = arith.addi %add3A_404, %mul3A_403 : i32
          %mul3A_406 = arith.constant 16 : i32
          %mul3A_407 = arith.muli %add3A_405, %mul3A_406 : i32
          %get3A_408 = arith.index_cast %mul3A_407 : i32 to index
          %get3A_409 = tpu.vector_load %arg7[%get3A_408] {strides = array<i32>} : memref<16384xf32, #tpu.memory_space<vmem>>, vector<16xf32>,
          %add3A_410 = arith.constant 1024 : i32
          %add3A_411 = arith.addi %add3A_410, %mul3A_407 : i32
          %get3A_412 = arith.index_cast %add3A_411 : i32 to index
          %get3A_413 = tpu.vector_load %arg7[%get3A_412] {strides = array<i32>} : memref<16384xf32, #tpu.memory_space<vmem>>, vector<16xf32>,
          %add3A_414 = arith.addf %get3A_409, %get3A_413 : vector<16xf32>
          %add3A_415 = arith.constant 2048 : i32
          %add3A_416 = arith.addi %add3A_415, %mul3A_407 : i32
          %get3A_417 = arith.index_cast %add3A_416 : i32 to index
          %get3A_418 = tpu.vector_load %arg7[%get3A_417] {strides = array<i32>} : memref<16384xf32, #tpu.memory_space<vmem>>, vector<16xf32>,
          %add3A_419 = arith.addf %add3A_414, %get3A_418 : vector<16xf32>
          %add3A_420 = arith.constant 3072 : i32
          %add3A_421 = arith.addi %add3A_420, %mul3A_407 : i32
          %get3A_422 = arith.index_cast %add3A_421 : i32 to index
          %get3A_423 = tpu.vector_load %arg7[%get3A_422] {strides = array<i32>} : memref<16384xf32, #tpu.memory_space<vmem>>, vector<16xf32>,
          %add3A_424 = arith.addf %add3A_419, %get3A_423 : vector<16xf32>
          %add3A_425 = arith.constant 4096 : i32
          %add3A_426 = arith.addi %add3A_425, %mul3A_407 : i32
          %get3A_427 = arith.index_cast %add3A_426 : i32 to index
          %get3A_428 = tpu.vector_load %arg7[%get3A_427] {strides = array<i32>} : memref<16384xf32, #tpu.memory_space<vmem>>, vector<16xf32>,
          %add3A_429 = arith.addf %add3A_424, %get3A_428 : vector<16xf32>
          %add3A_430 = arith.constant 5120 : i32
          %add3A_431 = arith.addi %add3A_430, %mul3A_407 : i32
          %get3A_432 = arith.index_cast %add3A_431 : i32 to index
          %get3A_433 = tpu.vector_load %arg7[%get3A_432] {strides = array<i32>} : memref<16384xf32, #tpu.memory_space<vmem>>, vector<16xf32>,
          %add3A_434 = arith.addf %add3A_429, %get3A_433 : vector<16xf32>
          %add3A_435 = arith.constant 6144 : i32
          %add3A_436 = arith.addi %add3A_435, %mul3A_407 : i32
          %get3A_437 = arith.index_cast %add3A_436 : i32 to index
          %get3A_438 = tpu.vector_load %arg7[%get3A_437] {strides = array<i32>} : memref<16384xf32, #tpu.memory_space<vmem>>, vector<16xf32>,
          %add3A_439 = arith.addf %add3A_434, %get3A_438 : vector<16xf32>
          %add3A_440 = arith.constant 7168 : i32
          %add3A_441 = arith.addi %add3A_440, %mul3A_407 : i32
          %get3A_442 = arith.index_cast %add3A_441 : i32 to index
          %get3A_443 = tpu.vector_load %arg7[%get3A_442] {strides = array<i32>} : memref<16384xf32, #tpu.memory_space<vmem>>, vector<16xf32>,
          %add3A_444 = arith.addf %add3A_439, %get3A_443 : vector<16xf32>
          %add3A_445 = arith.constant 8192 : i32
          %add3A_446 = arith.addi %add3A_445, %mul3A_407 : i32
          %get3A_447 = arith.index_cast %add3A_446 : i32 to index
          %get3A_448 = tpu.vector_load %arg7[%get3A_447] {strides = array<i32>} : memref<16384xf32, #tpu.memory_space<vmem>>, vector<16xf32>,
          %add3A_449 = arith.addf %add3A_444, %get3A_448 : vector<16xf32>
          %add3A_450 = arith.constant 9216 : i32
          %add3A_451 = arith.addi %add3A_450, %mul3A_407 : i32
          %get3A_452 = arith.index_cast %add3A_451 : i32 to index
          %get3A_453 = tpu.vector_load %arg7[%get3A_452] {strides = array<i32>} : memref<16384xf32, #tpu.memory_space<vmem>>, vector<16xf32>,
          %add3A_454 = arith.addf %add3A_449, %get3A_453 : vector<16xf32>
          %add3A_455 = arith.constant 10240 : i32
          %add3A_456 = arith.addi %add3A_455, %mul3A_407 : i32
          %get3A_457 = arith.index_cast %add3A_456 : i32 to index
          %get3A_458 = tpu.vector_load %arg7[%get3A_457] {strides = array<i32>} : memref<16384xf32, #tpu.memory_space<vmem>>, vector<16xf32>,
          %add3A_459 = arith.addf %add3A_454, %get3A_458 : vector<16xf32>
          %add3A_460 = arith.constant 11264 : i32
          %add3A_461 = arith.addi %add3A_460, %mul3A_407 : i32
          %get3A_462 = arith.index_cast %add3A_461 : i32 to index
          %get3A_463 = tpu.vector_load %arg7[%get3A_462] {strides = array<i32>} : memref<16384xf32, #tpu.memory_space<vmem>>, vector<16xf32>,
          %add3A_464 = arith.addf %add3A_459, %get3A_463 : vector<16xf32>
          %add3A_465 = arith.constant 12288 : i32
          %add3A_466 = arith.addi %add3A_465, %mul3A_407 : i32
          %get3A_467 = arith.index_cast %add3A_466 : i32 to index
          %get3A_468 = tpu.vector_load %arg7[%get3A_467] {strides = array<i32>} : memref<16384xf32, #tpu.memory_space<vmem>>, vector<16xf32>,
          %add3A_469 = arith.addf %add3A_464, %get3A_468 : vector<16xf32>
          %add3A_470 = arith.constant 13312 : i32
          %add3A_471 = arith.addi %add3A_470, %mul3A_407 : i32
          %get3A_472 = arith.index_cast %add3A_471 : i32 to index
          %get3A_473 = tpu.vector_load %arg7[%get3A_472] {strides = array<i32>} : memref<16384xf32, #tpu.memory_space<vmem>>, vector<16xf32>,
          %add3A_474 = arith.addf %add3A_469, %get3A_473 : vector<16xf32>
          %add3A_475 = arith.constant 14336 : i32
          %add3A_476 = arith.addi %add3A_475, %mul3A_407 : i32
          %get3A_477 = arith.index_cast %add3A_476 : i32 to index
          %get3A_478 = tpu.vector_load %arg7[%get3A_477] {strides = array<i32>} : memref<16384xf32, #tpu.memory_space<vmem>>, vector<16xf32>,
          %add3A_479 = arith.addf %add3A_474, %get3A_478 : vector<16xf32>
          %add3A_480 = arith.constant 15360 : i32
          %add3A_481 = arith.addi %add3A_480, %mul3A_407 : i32
          %get3A_482 = arith.index_cast %add3A_481 : i32 to index
          %get3A_483 = tpu.vector_load %arg7[%get3A_482] {strides = array<i32>} : memref<16384xf32, #tpu.memory_space<vmem>>, vector<16xf32>,
          %add3A_484 = arith.addf %add3A_479, %get3A_483 : vector<16xf32>
          %jit3A_485 = arith.constant 4 : i32
          %eq3A_486 = arith.constant 0 : i32
          %eq3A_487 = arith.cmpi eq, %jit3A_485, %eq3A_486 : i32
          %jit3A_488 = arith.constant 1 : i32
          %select_n3A_489 = arith.select %eq3A_487, %jit3A_488, %jit3A_485 : i32
          %rem3A_490 = arith.remsi %add3A_127, %select_n3A_489 : i32
          %ne3A_491 = arith.constant 0 : i32
          %ne3A_492 = arith.cmpi ne, %rem3A_490, %ne3A_491 : i32
          %lt3A_493 = arith.constant 0 : i32
          %lt3A_494 = arith.cmpi slt, %rem3A_490, %lt3A_493 : i32
          %lt3A_495 = arith.constant 0 : i32
          %lt3A_496 = arith.cmpi slt, %select_n3A_489, %lt3A_495 : i32
          %ne3A_497 = arith.xori %lt3A_494, %lt3A_496 : i1
          %and3A_498 = arith.andi %ne3A_497, %ne3A_492 : i1
          %add3A_499 = arith.addi %rem3A_490, %select_n3A_489 : i32
          %select_n3A_500 = arith.select %and3A_498, %add3A_499, %rem3A_490 : i32
          %mul3A_501 = arith.constant 1024 : i32
          %mul3A_502 = arith.muli %select_n3A_500, %mul3A_501 : i32
          %add3A_503 = arith.addi %mul3A_502, %mul3A_407 : i32
          %swap3A_504 = arith.index_cast %add3A_503 : i32 to index
          %swap3A_505 = tpu.vector_load %arg11[%swap3A_504] {strides = array<i32>} : memref<4096xf32, #tpu.memory_space<vmem>>, vector<16xf32>,
          tpu.vector_store %arg11[%swap3A_504], %add3A_484 {strides = array<i32>} : memref<4096xf32, #tpu.memory_space<vmem>>, vector<16xf32>,
          %ge3A_506 = arith.constant 1 : i32
          %ge3A_507 = arith.cmpi sge, %add3A_127, %ge3A_506 : i32
          %convert_element_type3A_508 = arith.extui %ge3A_507 : i1 to i32
          %cond3A_509 = arith.constant 0 : i32
          %cond3A_510 = arith.cmpi ne, %convert_element_type3A_508, %cond3A_509 : i32
          scf.if %cond3A_510 {
            %sub3A_622 = arith.constant 1 : i32
            %sub3A_623 = arith.subi %add3A_127, %sub3A_622 : i32
            %jit3A_624 = arith.constant 4 : i32
            %eq3A_625 = arith.constant 0 : i32
            %eq3A_626 = arith.cmpi eq, %jit3A_624, %eq3A_625 : i32
            %jit3A_627 = arith.constant 1 : i32
            %select_n3A_628 = arith.select %eq3A_626, %jit3A_627, %jit3A_624 : i32
            %rem3A_629 = arith.remsi %sub3A_623, %select_n3A_628 : i32
            %ne3A_630 = arith.constant 0 : i32
            %ne3A_631 = arith.cmpi ne, %rem3A_629, %ne3A_630 : i32
            %lt3A_632 = arith.constant 0 : i32
            %lt3A_633 = arith.cmpi slt, %rem3A_629, %lt3A_632 : i32
            %lt3A_634 = arith.constant 0 : i32
            %lt3A_635 = arith.cmpi slt, %select_n3A_628, %lt3A_634 : i32
            %ne3A_636 = arith.xori %lt3A_633, %lt3A_635 : i1
            %and3A_637 = arith.andi %ne3A_636, %ne3A_631 : i1
            %add3A_638 = arith.addi %rem3A_629, %select_n3A_628 : i32
            %select_n3A_639 = arith.select %and3A_637, %add3A_638, %rem3A_629 : i32
            %mul3A_640 = arith.constant 1024 : i32
            %mul3A_641 = arith.muli %select_n3A_639, %mul3A_640 : i32
            %add3A_642 = arith.addi %mul3A_641, %mul3A_407 : i32
            %get3A_643 = arith.index_cast %add3A_642 : i32 to index
            %get3A_644 = tpu.vector_load %arg11[%get3A_643] {strides = array<i32>} : memref<4096xf32, #tpu.memory_space<vmem>>, vector<16xf32>,
            %add3A_645 = arith.addf %get3A_644, %add3A_484 : vector<16xf32>
            %mul3A_646 = arith.constant 3.125000e-02 : f32
            %mul3A_647 = vector.broadcast %mul3A_646 : f32 to vector<16xf32>
            %mul3A_648 = arith.mulf %add3A_645, %mul3A_647 : vector<16xf32>
            %swap3A_649 = arith.constant 0 : i32
            %swap3A_650 = arith.index_cast %swap3A_649 : i32 to index
            %swap3A_651 = arith.index_cast %mul3A_407 : i32 to index
            %swap3A_652 = tpu.vector_load %arg12[%swap3A_650, %swap3A_651] {strides = array<i32>} : memref<4x1024xf32, #tpu.memory_space<vmem>>, vector<16xf32>,
            tpu.vector_store %arg12[%swap3A_650, %swap3A_651], %mul3A_648 {strides = array<i32>} : memref<4x1024xf32, #tpu.memory_space<vmem>>, vector<16xf32>,
          } else {
          }
          %scan3A_511 = arith.constant 3 : i32
          %scan3A_512 = arith.addi %scan3A_181, %scan3A_511 : i32
          %mul3A_513 = arith.constant 1 : i32
          %mul3A_514 = arith.muli %scan3A_512, %mul3A_513 : i32
          %add3A_515 = arith.constant 0 : i32
          %add3A_516 = arith.addi %add3A_515, %mul3A_514 : i32
          %mul3A_517 = arith.constant 16 : i32
          %mul3A_518 = arith.muli %add3A_516, %mul3A_517 : i32
          %get3A_519 = arith.index_cast %mul3A_518 : i32 to index
          %get3A_520 = tpu.vector_load %arg7[%get3A_519] {strides = array<i32>} : memref<16384xf32, #tpu.memory_space<vmem>>, vector<16xf32>,
          %add3A_521 = arith.constant 1024 : i32
          %add3A_522 = arith.addi %add3A_521, %mul3A_518 : i32
          %get3A_523 = arith.index_cast %add3A_522 : i32 to index
          %get3A_524 = tpu.vector_load %arg7[%get3A_523] {strides = array<i32>} : memref<16384xf32, #tpu.memory_space<vmem>>, vector<16xf32>,
          %add3A_525 = arith.addf %get3A_520, %get3A_524 : vector<16xf32>
          %add3A_526 = arith.constant 2048 : i32
          %add3A_527 = arith.addi %add3A_526, %mul3A_518 : i32
          %get3A_528 = arith.index_cast %add3A_527 : i32 to index
          %get3A_529 = tpu.vector_load %arg7[%get3A_528] {strides = array<i32>} : memref<16384xf32, #tpu.memory_space<vmem>>, vector<16xf32>,
          %add3A_530 = arith.addf %add3A_525, %get3A_529 : vector<16xf32>
          %add3A_531 = arith.constant 3072 : i32
          %add3A_532 = arith.addi %add3A_531, %mul3A_518 : i32
          %get3A_533 = arith.index_cast %add3A_532 : i32 to index
          %get3A_534 = tpu.vector_load %arg7[%get3A_533] {strides = array<i32>} : memref<16384xf32, #tpu.memory_space<vmem>>, vector<16xf32>,
          %add3A_535 = arith.addf %add3A_530, %get3A_534 : vector<16xf32>
          %add3A_536 = arith.constant 4096 : i32
          %add3A_537 = arith.addi %add3A_536, %mul3A_518 : i32
          %get3A_538 = arith.index_cast %add3A_537 : i32 to index
          %get3A_539 = tpu.vector_load %arg7[%get3A_538] {strides = array<i32>} : memref<16384xf32, #tpu.memory_space<vmem>>, vector<16xf32>,
          %add3A_540 = arith.addf %add3A_535, %get3A_539 : vector<16xf32>
          %add3A_541 = arith.constant 5120 : i32
          %add3A_542 = arith.addi %add3A_541, %mul3A_518 : i32
          %get3A_543 = arith.index_cast %add3A_542 : i32 to index
          %get3A_544 = tpu.vector_load %arg7[%get3A_543] {strides = array<i32>} : memref<16384xf32, #tpu.memory_space<vmem>>, vector<16xf32>,
          %add3A_545 = arith.addf %add3A_540, %get3A_544 : vector<16xf32>
          %add3A_546 = arith.constant 6144 : i32
          %add3A_547 = arith.addi %add3A_546, %mul3A_518 : i32
          %get3A_548 = arith.index_cast %add3A_547 : i32 to index
          %get3A_549 = tpu.vector_load %arg7[%get3A_548] {strides = array<i32>} : memref<16384xf32, #tpu.memory_space<vmem>>, vector<16xf32>,
          %add3A_550 = arith.addf %add3A_545, %get3A_549 : vector<16xf32>
          %add3A_551 = arith.constant 7168 : i32
          %add3A_552 = arith.addi %add3A_551, %mul3A_518 : i32
          %get3A_553 = arith.index_cast %add3A_552 : i32 to index
          %get3A_554 = tpu.vector_load %arg7[%get3A_553] {strides = array<i32>} : memref<16384xf32, #tpu.memory_space<vmem>>, vector<16xf32>,
          %add3A_555 = arith.addf %add3A_550, %get3A_554 : vector<16xf32>
          %add3A_556 = arith.constant 8192 : i32
          %add3A_557 = arith.addi %add3A_556, %mul3A_518 : i32
          %get3A_558 = arith.index_cast %add3A_557 : i32 to index
          %get3A_559 = tpu.vector_load %arg7[%get3A_558] {strides = array<i32>} : memref<16384xf32, #tpu.memory_space<vmem>>, vector<16xf32>,
          %add3A_560 = arith.addf %add3A_555, %get3A_559 : vector<16xf32>
          %add3A_561 = arith.constant 9216 : i32
          %add3A_562 = arith.addi %add3A_561, %mul3A_518 : i32
          %get3A_563 = arith.index_cast %add3A_562 : i32 to index
          %get3A_564 = tpu.vector_load %arg7[%get3A_563] {strides = array<i32>} : memref<16384xf32, #tpu.memory_space<vmem>>, vector<16xf32>,
          %add3A_565 = arith.addf %add3A_560, %get3A_564 : vector<16xf32>
          %add3A_566 = arith.constant 10240 : i32
          %add3A_567 = arith.addi %add3A_566, %mul3A_518 : i32
          %get3A_568 = arith.index_cast %add3A_567 : i32 to index
          %get3A_569 = tpu.vector_load %arg7[%get3A_568] {strides = array<i32>} : memref<16384xf32, #tpu.memory_space<vmem>>, vector<16xf32>,
          %add3A_570 = arith.addf %add3A_565, %get3A_569 : vector<16xf32>
          %add3A_571 = arith.constant 11264 : i32
          %add3A_572 = arith.addi %add3A_571, %mul3A_518 : i32
          %get3A_573 = arith.index_cast %add3A_572 : i32 to index
          %get3A_574 = tpu.vector_load %arg7[%get3A_573] {strides = array<i32>} : memref<16384xf32, #tpu.memory_space<vmem>>, vector<16xf32>,
          %add3A_575 = arith.addf %add3A_570, %get3A_574 : vector<16xf32>
          %add3A_576 = arith.constant 12288 : i32
          %add3A_577 = arith.addi %add3A_576, %mul3A_518 : i32
          %get3A_578 = arith.index_cast %add3A_577 : i32 to index
          %get3A_579 = tpu.vector_load %arg7[%get3A_578] {strides = array<i32>} : memref<16384xf32, #tpu.memory_space<vmem>>, vector<16xf32>,
          %add3A_580 = arith.addf %add3A_575, %get3A_579 : vector<16xf32>
          %add3A_581 = arith.constant 13312 : i32
          %add3A_582 = arith.addi %add3A_581, %mul3A_518 : i32
          %get3A_583 = arith.index_cast %add3A_582 : i32 to index
          %get3A_584 = tpu.vector_load %arg7[%get3A_583] {strides = array<i32>} : memref<16384xf32, #tpu.memory_space<vmem>>, vector<16xf32>,
          %add3A_585 = arith.addf %add3A_580, %get3A_584 : vector<16xf32>
          %add3A_586 = arith.constant 14336 : i32
          %add3A_587 = arith.addi %add3A_586, %mul3A_518 : i32
          %get3A_588 = arith.index_cast %add3A_587 : i32 to index
          %get3A_589 = tpu.vector_load %arg7[%get3A_588] {strides = array<i32>} : memref<16384xf32, #tpu.memory_space<vmem>>, vector<16xf32>,
          %add3A_590 = arith.addf %add3A_585, %get3A_589 : vector<16xf32>
          %add3A_591 = arith.constant 15360 : i32
          %add3A_592 = arith.addi %add3A_591, %mul3A_518 : i32
          %get3A_593 = arith.index_cast %add3A_592 : i32 to index
          %get3A_594 = tpu.vector_load %arg7[%get3A_593] {strides = array<i32>} : memref<16384xf32, #tpu.memory_space<vmem>>, vector<16xf32>,
          %add3A_595 = arith.addf %add3A_590, %get3A_594 : vector<16xf32>
          %jit3A_596 = arith.constant 4 : i32
          %eq3A_597 = arith.constant 0 : i32
          %eq3A_598 = arith.cmpi eq, %jit3A_596, %eq3A_597 : i32
          %jit3A_599 = arith.constant 1 : i32
          %select_n3A_600 = arith.select %eq3A_598, %jit3A_599, %jit3A_596 : i32
          %rem3A_601 = arith.remsi %add3A_127, %select_n3A_600 : i32
          %ne3A_602 = arith.constant 0 : i32
          %ne3A_603 = arith.cmpi ne, %rem3A_601, %ne3A_602 : i32
          %lt3A_604 = arith.constant 0 : i32
          %lt3A_605 = arith.cmpi slt, %rem3A_601, %lt3A_604 : i32
          %lt3A_606 = arith.constant 0 : i32
          %lt3A_607 = arith.cmpi slt, %select_n3A_600, %lt3A_606 : i32
          %ne3A_608 = arith.xori %lt3A_605, %lt3A_607 : i1
          %and3A_609 = arith.andi %ne3A_608, %ne3A_603 : i1
          %add3A_610 = arith.addi %rem3A_601, %select_n3A_600 : i32
          %select_n3A_611 = arith.select %and3A_609, %add3A_610, %rem3A_601 : i32
          %mul3A_612 = arith.constant 1024 : i32
          %mul3A_613 = arith.muli %select_n3A_611, %mul3A_612 : i32
          %add3A_614 = arith.addi %mul3A_613, %mul3A_518 : i32
          %swap3A_615 = arith.index_cast %add3A_614 : i32 to index
          %swap3A_616 = tpu.vector_load %arg11[%swap3A_615] {strides = array<i32>} : memref<4096xf32, #tpu.memory_space<vmem>>, vector<16xf32>,
          tpu.vector_store %arg11[%swap3A_615], %add3A_595 {strides = array<i32>} : memref<4096xf32, #tpu.memory_space<vmem>>, vector<16xf32>,
          %ge3A_617 = arith.constant 1 : i32
          %ge3A_618 = arith.cmpi sge, %add3A_127, %ge3A_617 : i32
          %convert_element_type3A_619 = arith.extui %ge3A_618 : i1 to i32
          %cond3A_620 = arith.constant 0 : i32
          %cond3A_621 = arith.cmpi ne, %convert_element_type3A_619, %cond3A_620 : i32
          scf.if %cond3A_621 {
            %sub3A_622 = arith.constant 1 : i32
            %sub3A_623 = arith.subi %add3A_127, %sub3A_622 : i32
            %jit3A_624 = arith.constant 4 : i32
            %eq3A_625 = arith.constant 0 : i32
            %eq3A_626 = arith.cmpi eq, %jit3A_624, %eq3A_625 : i32
            %jit3A_627 = arith.constant 1 : i32
            %select_n3A_628 = arith.select %eq3A_626, %jit3A_627, %jit3A_624 : i32
            %rem3A_629 = arith.remsi %sub3A_623, %select_n3A_628 : i32
            %ne3A_630 = arith.constant 0 : i32
            %ne3A_631 = arith.cmpi ne, %rem3A_629, %ne3A_630 : i32
            %lt3A_632 = arith.constant 0 : i32
            %lt3A_633 = arith.cmpi slt, %rem3A_629, %lt3A_632 : i32
            %lt3A_634 = arith.constant 0 : i32
            %lt3A_635 = arith.cmpi slt, %select_n3A_628, %lt3A_634 : i32
            %ne3A_636 = arith.xori %lt3A_633, %lt3A_635 : i1
            %and3A_637 = arith.andi %ne3A_636, %ne3A_631 : i1
            %add3A_638 = arith.addi %rem3A_629, %select_n3A_628 : i32
            %select_n3A_639 = arith.select %and3A_637, %add3A_638, %rem3A_629 : i32
            %mul3A_640 = arith.constant 1024 : i32
            %mul3A_641 = arith.muli %select_n3A_639, %mul3A_640 : i32
            %add3A_642 = arith.addi %mul3A_641, %mul3A_518 : i32
            %get3A_643 = arith.index_cast %add3A_642 : i32 to index
            %get3A_644 = tpu.vector_load %arg11[%get3A_643] {strides = array<i32>} : memref<4096xf32, #tpu.memory_space<vmem>>, vector<16xf32>,
            %add3A_645 = arith.addf %get3A_644, %add3A_595 : vector<16xf32>
            %mul3A_646 = arith.constant 3.125000e-02 : f32
            %mul3A_647 = vector.broadcast %mul3A_646 : f32 to vector<16xf32>
            %mul3A_648 = arith.mulf %add3A_645, %mul3A_647 : vector<16xf32>
            %swap3A_649 = arith.constant 0 : i32
            %swap3A_650 = arith.index_cast %swap3A_649 : i32 to index
            %swap3A_651 = arith.index_cast %mul3A_518 : i32 to index
            %swap3A_652 = tpu.vector_load %arg12[%swap3A_650, %swap3A_651] {strides = array<i32>} : memref<4x1024xf32, #tpu.memory_space<vmem>>, vector<16xf32>,
            tpu.vector_store %arg12[%swap3A_650, %swap3A_651], %mul3A_648 {strides = array<i32>} : memref<4x1024xf32, #tpu.memory_space<vmem>>, vector<16xf32>,
          } else {
          }
        }
        %scan3A_169 = arith.constant 64 : i32
        %ge3A_170 = arith.constant 1 : i32
        %ge3A_171 = arith.cmpi sge, %add3A_127, %ge3A_170 : i32
        %convert_element_type3A_172 = arith.extui %ge3A_171 : i1 to i32
        %cond3A_173 = arith.constant 0 : i32
        %cond3A_174 = arith.cmpi ne, %convert_element_type3A_172, %cond3A_173 : i32
        scf.if %cond3A_174 {
          %add3A_181 = arith.addi %add3A_40, %add3A_127 : i32
          %sub3A_182 = arith.constant 1 : i32
          %sub3A_183 = arith.subi %add3A_181, %sub3A_182 : i32
          %mul3A_184 = arith.constant 1024 : i32
          %mul3A_185 = arith.muli %sub3A_183, %mul3A_184 : i32
          %dma_start3A_186 = arith.constant 0 : i32
          %dma_start3A_187 = arith.constant 0 : i32
          %dma_start3A_188 = tpu.memref_slice %arg12[%dma_start3A_186, %dma_start3A_187] : memref<4x1024xf32, #tpu.memory_space<vmem>> -> memref<1x1024xf32, #tpu.memory_space<vmem>>
          %dma_start3A_189 = tpu.memref_squeeze %dma_start3A_188 : memref<1x1024xf32, #tpu.memory_space<vmem>> -> memref<1024xf32, #tpu.memory_space<vmem>>
          %dma_start3A_190 = tpu.memref_slice %arg5[%mul3A_185] : memref<260096xf32, #tpu.memory_space<hbm>> -> memref<1024xf32, #tpu.memory_space<hbm>>
          %dma_start3A_191 = tpu.memref_slice %arg5[%mul3A_185] : memref<260096xf32, #tpu.memory_space<hbm>> -> memref<1024xf32, #tpu.memory_space<hbm>>
          %dma_start3A_192 = arith.constant 0 : i32
          %dma_start3A_193 = tpu.memref_slice %arg12[%dma_start3A_186, %dma_start3A_192] : memref<4x1024xf32, #tpu.memory_space<vmem>> -> memref<1x1024xf32, #tpu.memory_space<vmem>>
          %dma_start3A_194 = tpu.memref_squeeze %dma_start3A_193 : memref<1x1024xf32, #tpu.memory_space<vmem>> -> memref<1024xf32, #tpu.memory_space<vmem>>
          tpu.enqueue_dma source(%dma_start3A_194 : memref<1024xf32, #tpu.memory_space<vmem>>) target(%dma_start3A_191 : memref<1024xf32, #tpu.memory_space<hbm>>) target_semaphore(%arg19 : memref<!tpu.dma_semaphore, #tpu.memory_space<semaphore_mem>>)
        } else {
        }
        %add3A_175 = arith.constant 4 : i32
        %add3A_176 = arith.addi %add3A_127, %add3A_175 : i32
        %lt3A_177 = arith.cmpi slt, %add3A_176, %sub3A_44 : i32
        %convert_element_type3A_178 = arith.extui %lt3A_177 : i1 to i32
        %cond3A_179 = arith.constant 0 : i32
        %cond3A_180 = arith.cmpi ne, %convert_element_type3A_178, %cond3A_179 : i32
        scf.if %cond3A_180 {
          %add3A_181 = arith.constant 4 : i32
          %add3A_182 = arith.addi %add3A_127, %add3A_181 : i32
          %add3A_183 = arith.addi %add3A_35, %add3A_182 : i32
          %mul3A_184 = arith.constant 16384 : i32
          %mul3A_185 = arith.muli %add3A_183, %mul3A_184 : i32
          %dma_start3A_186 = tpu.memref_slice %arg2[%mul3A_185] : memref<33554432xf32, #tpu.memory_space<hbm>> -> memref<16384xf32, #tpu.memory_space<hbm>>
          %dma_start3A_187 = tpu.memref_slice %arg2[%mul3A_185] : memref<33554432xf32, #tpu.memory_space<hbm>> -> memref<16384xf32, #tpu.memory_space<hbm>>
          tpu.enqueue_dma source(%dma_start3A_187 : memref<16384xf32, #tpu.memory_space<hbm>>) target(%arg7 : memref<16384xf32, #tpu.memory_space<vmem>>) target_semaphore(%arg15 : memref<!tpu.dma_semaphore, #tpu.memory_space<semaphore_mem>>)
        } else {
        }
      } else {
      }
      %mul3A_132 = arith.constant 4 : i32
      %mul3A_133 = arith.muli %add3A_123, %mul3A_132 : i32
      %add3A_134 = arith.constant 1 : i32
      %add3A_135 = arith.addi %mul3A_133, %add3A_134 : i32
      %lt3A_136 = arith.cmpi slt, %add3A_135, %sub3A_44 : i32
      %convert_element_type3A_137 = arith.extui %lt3A_136 : i1 to i32
      %cond3A_138 = arith.constant 0 : i32
      %cond3A_139 = arith.cmpi ne, %convert_element_type3A_137, %cond3A_138 : i32
      scf.if %cond3A_139 {
        %add3A_156 = arith.addi %add3A_35, %add3A_135 : i32
        %mul3A_157 = arith.constant 16384 : i32
        %mul3A_158 = arith.muli %add3A_156, %mul3A_157 : i32
        %dma_wait3A_159 = tpu.memref_slice %arg2[%mul3A_158] : memref<33554432xf32, #tpu.memory_space<hbm>> -> memref<16384xf32, #tpu.memory_space<hbm>>
        %dma_wait3A_160 = tpu.memref_slice %arg2[%mul3A_158] : memref<33554432xf32, #tpu.memory_space<hbm>> -> memref<16384xf32, #tpu.memory_space<hbm>>
        tpu.wait_dma2 semaphore(%arg16 : memref<!tpu.dma_semaphore, #tpu.memory_space<semaphore_mem>>) src(%dma_wait3A_160 : memref<16384xf32, #tpu.memory_space<hbm>>) dst(%arg8 : memref<16384xf32, #tpu.memory_space<vmem>>)
        %ge3A = arith.constant 5 : i32
        %ge3A_161 = arith.cmpi sge, %add3A_135, %ge3A : i32
        %convert_element_type3A_162 = arith.extui %ge3A_161 : i1 to i32
        %cond3A_163 = arith.constant 0 : i32
        %cond3A_164 = arith.cmpi ne, %convert_element_type3A_162, %cond3A_163 : i32
        scf.if %cond3A_164 {
          %dma_wait3A_181 = arith.constant 1 : i32
          %dma_wait3A_182 = arith.constant 0 : i32
          %dma_wait3A_183 = tpu.memref_slice %arg12[%dma_wait3A_181, %dma_wait3A_182] : memref<4x1024xf32, #tpu.memory_space<vmem>> -> memref<1x1024xf32, #tpu.memory_space<vmem>>
          %dma_wait3A_184 = tpu.memref_squeeze %dma_wait3A_183 : memref<1x1024xf32, #tpu.memory_space<vmem>> -> memref<1024xf32, #tpu.memory_space<vmem>>
          %dma_wait3A_185 = arith.constant 0 : i32
          %dma_wait3A_186 = tpu.memref_slice %arg5[%dma_wait3A_185] : memref<260096xf32, #tpu.memory_space<hbm>> -> memref<1024xf32, #tpu.memory_space<hbm>>
          %dma_wait3A_187 = arith.constant 0 : i32
          %dma_wait3A_188 = tpu.memref_slice %arg5[%dma_wait3A_187] : memref<260096xf32, #tpu.memory_space<hbm>> -> memref<1024xf32, #tpu.memory_space<hbm>>
          %dma_wait3A_189 = arith.constant 0 : i32
          %dma_wait3A_190 = tpu.memref_slice %arg12[%dma_wait3A_181, %dma_wait3A_189] : memref<4x1024xf32, #tpu.memory_space<vmem>> -> memref<1x1024xf32, #tpu.memory_space<vmem>>
          %dma_wait3A_191 = tpu.memref_squeeze %dma_wait3A_190 : memref<1x1024xf32, #tpu.memory_space<vmem>> -> memref<1024xf32, #tpu.memory_space<vmem>>
          tpu.wait_dma2 semaphore(%arg20 : memref<!tpu.dma_semaphore, #tpu.memory_space<semaphore_mem>>) src(%dma_wait3A_191 : memref<1024xf32, #tpu.memory_space<vmem>>) dst(%dma_wait3A_188 : memref<1024xf32, #tpu.memory_space<hbm>>)
        } else {
        }
        %scan3A_165 = arith.constant 0 : i32
        %scan3A_166 = arith.constant 64 : i32
        %scan3A_167 = arith.addi %scan3A_165, %scan3A_166 : i32
        %scan3A_168 = arith.constant 4 : i32
        scf.for %scan3A_181 = %scan3A_165 to %scan3A_167 step %scan3A_168  : i32 {
          %mul3A_182 = arith.constant 1 : i32
          %mul3A_183 = arith.muli %scan3A_181, %mul3A_182 : i32
          %add3A_184 = arith.constant 0 : i32
          %add3A_185 = arith.addi %add3A_184, %mul3A_183 : i32
          %mul3A_186 = arith.constant 16 : i32
          %mul3A_187 = arith.muli %add3A_185, %mul3A_186 : i32
          %get3A = arith.index_cast %mul3A_187 : i32 to index
          %get3A_188 = tpu.vector_load %arg8[%get3A] {strides = array<i32>} : memref<16384xf32, #tpu.memory_space<vmem>>, vector<16xf32>,
          %add3A_189 = arith.constant 1024 : i32
          %add3A_190 = arith.addi %add3A_189, %mul3A_187 : i32
          %get3A_191 = arith.index_cast %add3A_190 : i32 to index
          %get3A_192 = tpu.vector_load %arg8[%get3A_191] {strides = array<i32>} : memref<16384xf32, #tpu.memory_space<vmem>>, vector<16xf32>,
          %add3A_193 = arith.addf %get3A_188, %get3A_192 : vector<16xf32>
          %add3A_194 = arith.constant 2048 : i32
          %add3A_195 = arith.addi %add3A_194, %mul3A_187 : i32
          %get3A_196 = arith.index_cast %add3A_195 : i32 to index
          %get3A_197 = tpu.vector_load %arg8[%get3A_196] {strides = array<i32>} : memref<16384xf32, #tpu.memory_space<vmem>>, vector<16xf32>,
          %add3A_198 = arith.addf %add3A_193, %get3A_197 : vector<16xf32>
          %add3A_199 = arith.constant 3072 : i32
          %add3A_200 = arith.addi %add3A_199, %mul3A_187 : i32
          %get3A_201 = arith.index_cast %add3A_200 : i32 to index
          %get3A_202 = tpu.vector_load %arg8[%get3A_201] {strides = array<i32>} : memref<16384xf32, #tpu.memory_space<vmem>>, vector<16xf32>,
          %add3A_203 = arith.addf %add3A_198, %get3A_202 : vector<16xf32>
          %add3A_204 = arith.constant 4096 : i32
          %add3A_205 = arith.addi %add3A_204, %mul3A_187 : i32
          %get3A_206 = arith.index_cast %add3A_205 : i32 to index
          %get3A_207 = tpu.vector_load %arg8[%get3A_206] {strides = array<i32>} : memref<16384xf32, #tpu.memory_space<vmem>>, vector<16xf32>,
          %add3A_208 = arith.addf %add3A_203, %get3A_207 : vector<16xf32>
          %add3A_209 = arith.constant 5120 : i32
          %add3A_210 = arith.addi %add3A_209, %mul3A_187 : i32
          %get3A_211 = arith.index_cast %add3A_210 : i32 to index
          %get3A_212 = tpu.vector_load %arg8[%get3A_211] {strides = array<i32>} : memref<16384xf32, #tpu.memory_space<vmem>>, vector<16xf32>,
          %add3A_213 = arith.addf %add3A_208, %get3A_212 : vector<16xf32>
          %add3A_214 = arith.constant 6144 : i32
          %add3A_215 = arith.addi %add3A_214, %mul3A_187 : i32
          %get3A_216 = arith.index_cast %add3A_215 : i32 to index
          %get3A_217 = tpu.vector_load %arg8[%get3A_216] {strides = array<i32>} : memref<16384xf32, #tpu.memory_space<vmem>>, vector<16xf32>,
          %add3A_218 = arith.addf %add3A_213, %get3A_217 : vector<16xf32>
          %add3A_219 = arith.constant 7168 : i32
          %add3A_220 = arith.addi %add3A_219, %mul3A_187 : i32
          %get3A_221 = arith.index_cast %add3A_220 : i32 to index
          %get3A_222 = tpu.vector_load %arg8[%get3A_221] {strides = array<i32>} : memref<16384xf32, #tpu.memory_space<vmem>>, vector<16xf32>,
          %add3A_223 = arith.addf %add3A_218, %get3A_222 : vector<16xf32>
          %add3A_224 = arith.constant 8192 : i32
          %add3A_225 = arith.addi %add3A_224, %mul3A_187 : i32
          %get3A_226 = arith.index_cast %add3A_225 : i32 to index
          %get3A_227 = tpu.vector_load %arg8[%get3A_226] {strides = array<i32>} : memref<16384xf32, #tpu.memory_space<vmem>>, vector<16xf32>,
          %add3A_228 = arith.addf %add3A_223, %get3A_227 : vector<16xf32>
          %add3A_229 = arith.constant 9216 : i32
          %add3A_230 = arith.addi %add3A_229, %mul3A_187 : i32
          %get3A_231 = arith.index_cast %add3A_230 : i32 to index
          %get3A_232 = tpu.vector_load %arg8[%get3A_231] {strides = array<i32>} : memref<16384xf32, #tpu.memory_space<vmem>>, vector<16xf32>,
          %add3A_233 = arith.addf %add3A_228, %get3A_232 : vector<16xf32>
          %add3A_234 = arith.constant 10240 : i32
          %add3A_235 = arith.addi %add3A_234, %mul3A_187 : i32
          %get3A_236 = arith.index_cast %add3A_235 : i32 to index
          %get3A_237 = tpu.vector_load %arg8[%get3A_236] {strides = array<i32>} : memref<16384xf32, #tpu.memory_space<vmem>>, vector<16xf32>,
          %add3A_238 = arith.addf %add3A_233, %get3A_237 : vector<16xf32>
          %add3A_239 = arith.constant 11264 : i32
          %add3A_240 = arith.addi %add3A_239, %mul3A_187 : i32
          %get3A_241 = arith.index_cast %add3A_240 : i32 to index
          %get3A_242 = tpu.vector_load %arg8[%get3A_241] {strides = array<i32>} : memref<16384xf32, #tpu.memory_space<vmem>>, vector<16xf32>,
          %add3A_243 = arith.addf %add3A_238, %get3A_242 : vector<16xf32>
          %add3A_244 = arith.constant 12288 : i32
          %add3A_245 = arith.addi %add3A_244, %mul3A_187 : i32
          %get3A_246 = arith.index_cast %add3A_245 : i32 to index
          %get3A_247 = tpu.vector_load %arg8[%get3A_246] {strides = array<i32>} : memref<16384xf32, #tpu.memory_space<vmem>>, vector<16xf32>,
          %add3A_248 = arith.addf %add3A_243, %get3A_247 : vector<16xf32>
          %add3A_249 = arith.constant 13312 : i32
          %add3A_250 = arith.addi %add3A_249, %mul3A_187 : i32
          %get3A_251 = arith.index_cast %add3A_250 : i32 to index
          %get3A_252 = tpu.vector_load %arg8[%get3A_251] {strides = array<i32>} : memref<16384xf32, #tpu.memory_space<vmem>>, vector<16xf32>,
          %add3A_253 = arith.addf %add3A_248, %get3A_252 : vector<16xf32>
          %add3A_254 = arith.constant 14336 : i32
          %add3A_255 = arith.addi %add3A_254, %mul3A_187 : i32
          %get3A_256 = arith.index_cast %add3A_255 : i32 to index
          %get3A_257 = tpu.vector_load %arg8[%get3A_256] {strides = array<i32>} : memref<16384xf32, #tpu.memory_space<vmem>>, vector<16xf32>,
          %add3A_258 = arith.addf %add3A_253, %get3A_257 : vector<16xf32>
          %add3A_259 = arith.constant 15360 : i32
          %add3A_260 = arith.addi %add3A_259, %mul3A_187 : i32
          %get3A_261 = arith.index_cast %add3A_260 : i32 to index
          %get3A_262 = tpu.vector_load %arg8[%get3A_261] {strides = array<i32>} : memref<16384xf32, #tpu.memory_space<vmem>>, vector<16xf32>,
          %add3A_263 = arith.addf %add3A_258, %get3A_262 : vector<16xf32>
          %jit3A_264 = arith.constant 4 : i32
          %eq3A_265 = arith.constant 0 : i32
          %eq3A_266 = arith.cmpi eq, %jit3A_264, %eq3A_265 : i32
          %jit3A_267 = arith.constant 1 : i32
          %select_n3A_268 = arith.select %eq3A_266, %jit3A_267, %jit3A_264 : i32
          %rem3A_269 = arith.remsi %add3A_135, %select_n3A_268 : i32
          %ne3A_270 = arith.constant 0 : i32
          %ne3A_271 = arith.cmpi ne, %rem3A_269, %ne3A_270 : i32
          %lt3A_272 = arith.constant 0 : i32
          %lt3A_273 = arith.cmpi slt, %rem3A_269, %lt3A_272 : i32
          %lt3A_274 = arith.constant 0 : i32
          %lt3A_275 = arith.cmpi slt, %select_n3A_268, %lt3A_274 : i32
          %ne3A_276 = arith.xori %lt3A_273, %lt3A_275 : i1
          %and3A_277 = arith.andi %ne3A_276, %ne3A_271 : i1
          %add3A_278 = arith.addi %rem3A_269, %select_n3A_268 : i32
          %select_n3A_279 = arith.select %and3A_277, %add3A_278, %rem3A_269 : i32
          %mul3A_280 = arith.constant 1024 : i32
          %mul3A_281 = arith.muli %select_n3A_279, %mul3A_280 : i32
          %add3A_282 = arith.addi %mul3A_281, %mul3A_187 : i32
          %swap3A = arith.index_cast %add3A_282 : i32 to index
          %swap3A_283 = tpu.vector_load %arg11[%swap3A] {strides = array<i32>} : memref<4096xf32, #tpu.memory_space<vmem>>, vector<16xf32>,
          tpu.vector_store %arg11[%swap3A], %add3A_263 {strides = array<i32>} : memref<4096xf32, #tpu.memory_space<vmem>>, vector<16xf32>,
          %ge3A_284 = arith.constant 1 : i32
          %ge3A_285 = arith.cmpi sge, %add3A_135, %ge3A_284 : i32
          %convert_element_type3A_286 = arith.extui %ge3A_285 : i1 to i32
          %cond3A_287 = arith.constant 0 : i32
          %cond3A_288 = arith.cmpi ne, %convert_element_type3A_286, %cond3A_287 : i32
          scf.if %cond3A_288 {
            %sub3A_622 = arith.constant 1 : i32
            %sub3A_623 = arith.subi %add3A_135, %sub3A_622 : i32
            %jit3A_624 = arith.constant 4 : i32
            %eq3A_625 = arith.constant 0 : i32
            %eq3A_626 = arith.cmpi eq, %jit3A_624, %eq3A_625 : i32
            %jit3A_627 = arith.constant 1 : i32
            %select_n3A_628 = arith.select %eq3A_626, %jit3A_627, %jit3A_624 : i32
            %rem3A_629 = arith.remsi %sub3A_623, %select_n3A_628 : i32
            %ne3A_630 = arith.constant 0 : i32
            %ne3A_631 = arith.cmpi ne, %rem3A_629, %ne3A_630 : i32
            %lt3A_632 = arith.constant 0 : i32
            %lt3A_633 = arith.cmpi slt, %rem3A_629, %lt3A_632 : i32
            %lt3A_634 = arith.constant 0 : i32
            %lt3A_635 = arith.cmpi slt, %select_n3A_628, %lt3A_634 : i32
            %ne3A_636 = arith.xori %lt3A_633, %lt3A_635 : i1
            %and3A_637 = arith.andi %ne3A_636, %ne3A_631 : i1
            %add3A_638 = arith.addi %rem3A_629, %select_n3A_628 : i32
            %select_n3A_639 = arith.select %and3A_637, %add3A_638, %rem3A_629 : i32
            %mul3A_640 = arith.constant 1024 : i32
            %mul3A_641 = arith.muli %select_n3A_639, %mul3A_640 : i32
            %add3A_642 = arith.addi %mul3A_641, %mul3A_187 : i32
            %get3A_643 = arith.index_cast %add3A_642 : i32 to index
            %get3A_644 = tpu.vector_load %arg11[%get3A_643] {strides = array<i32>} : memref<4096xf32, #tpu.memory_space<vmem>>, vector<16xf32>,
            %add3A_645 = arith.addf %get3A_644, %add3A_263 : vector<16xf32>
            %mul3A_646 = arith.constant 3.125000e-02 : f32
            %mul3A_647 = vector.broadcast %mul3A_646 : f32 to vector<16xf32>
            %mul3A_648 = arith.mulf %add3A_645, %mul3A_647 : vector<16xf32>
            %swap3A_649 = arith.constant 1 : i32
            %swap3A_650 = arith.index_cast %swap3A_649 : i32 to index
            %swap3A_651 = arith.index_cast %mul3A_187 : i32 to index
            %swap3A_652 = tpu.vector_load %arg12[%swap3A_650, %swap3A_651] {strides = array<i32>} : memref<4x1024xf32, #tpu.memory_space<vmem>>, vector<16xf32>,
            tpu.vector_store %arg12[%swap3A_650, %swap3A_651], %mul3A_648 {strides = array<i32>} : memref<4x1024xf32, #tpu.memory_space<vmem>>, vector<16xf32>,
          } else {
          }
          %scan3A_289 = arith.constant 1 : i32
          %scan3A_290 = arith.addi %scan3A_181, %scan3A_289 : i32
          %mul3A_291 = arith.constant 1 : i32
          %mul3A_292 = arith.muli %scan3A_290, %mul3A_291 : i32
          %add3A_293 = arith.constant 0 : i32
          %add3A_294 = arith.addi %add3A_293, %mul3A_292 : i32
          %mul3A_295 = arith.constant 16 : i32
          %mul3A_296 = arith.muli %add3A_294, %mul3A_295 : i32
          %get3A_297 = arith.index_cast %mul3A_296 : i32 to index
          %get3A_298 = tpu.vector_load %arg8[%get3A_297] {strides = array<i32>} : memref<16384xf32, #tpu.memory_space<vmem>>, vector<16xf32>,
          %add3A_299 = arith.constant 1024 : i32
          %add3A_300 = arith.addi %add3A_299, %mul3A_296 : i32
          %get3A_301 = arith.index_cast %add3A_300 : i32 to index
          %get3A_302 = tpu.vector_load %arg8[%get3A_301] {strides = array<i32>} : memref<16384xf32, #tpu.memory_space<vmem>>, vector<16xf32>,
          %add3A_303 = arith.addf %get3A_298, %get3A_302 : vector<16xf32>
          %add3A_304 = arith.constant 2048 : i32
          %add3A_305 = arith.addi %add3A_304, %mul3A_296 : i32
          %get3A_306 = arith.index_cast %add3A_305 : i32 to index
          %get3A_307 = tpu.vector_load %arg8[%get3A_306] {strides = array<i32>} : memref<16384xf32, #tpu.memory_space<vmem>>, vector<16xf32>,
          %add3A_308 = arith.addf %add3A_303, %get3A_307 : vector<16xf32>
          %add3A_309 = arith.constant 3072 : i32
          %add3A_310 = arith.addi %add3A_309, %mul3A_296 : i32
          %get3A_311 = arith.index_cast %add3A_310 : i32 to index
          %get3A_312 = tpu.vector_load %arg8[%get3A_311] {strides = array<i32>} : memref<16384xf32, #tpu.memory_space<vmem>>, vector<16xf32>,
          %add3A_313 = arith.addf %add3A_308, %get3A_312 : vector<16xf32>
          %add3A_314 = arith.constant 4096 : i32
          %add3A_315 = arith.addi %add3A_314, %mul3A_296 : i32
          %get3A_316 = arith.index_cast %add3A_315 : i32 to index
          %get3A_317 = tpu.vector_load %arg8[%get3A_316] {strides = array<i32>} : memref<16384xf32, #tpu.memory_space<vmem>>, vector<16xf32>,
          %add3A_318 = arith.addf %add3A_313, %get3A_317 : vector<16xf32>
          %add3A_319 = arith.constant 5120 : i32
          %add3A_320 = arith.addi %add3A_319, %mul3A_296 : i32
          %get3A_321 = arith.index_cast %add3A_320 : i32 to index
          %get3A_322 = tpu.vector_load %arg8[%get3A_321] {strides = array<i32>} : memref<16384xf32, #tpu.memory_space<vmem>>, vector<16xf32>,
          %add3A_323 = arith.addf %add3A_318, %get3A_322 : vector<16xf32>
          %add3A_324 = arith.constant 6144 : i32
          %add3A_325 = arith.addi %add3A_324, %mul3A_296 : i32
          %get3A_326 = arith.index_cast %add3A_325 : i32 to index
          %get3A_327 = tpu.vector_load %arg8[%get3A_326] {strides = array<i32>} : memref<16384xf32, #tpu.memory_space<vmem>>, vector<16xf32>,
          %add3A_328 = arith.addf %add3A_323, %get3A_327 : vector<16xf32>
          %add3A_329 = arith.constant 7168 : i32
          %add3A_330 = arith.addi %add3A_329, %mul3A_296 : i32
          %get3A_331 = arith.index_cast %add3A_330 : i32 to index
          %get3A_332 = tpu.vector_load %arg8[%get3A_331] {strides = array<i32>} : memref<16384xf32, #tpu.memory_space<vmem>>, vector<16xf32>,
          %add3A_333 = arith.addf %add3A_328, %get3A_332 : vector<16xf32>
          %add3A_334 = arith.constant 8192 : i32
          %add3A_335 = arith.addi %add3A_334, %mul3A_296 : i32
          %get3A_336 = arith.index_cast %add3A_335 : i32 to index
          %get3A_337 = tpu.vector_load %arg8[%get3A_336] {strides = array<i32>} : memref<16384xf32, #tpu.memory_space<vmem>>, vector<16xf32>,
          %add3A_338 = arith.addf %add3A_333, %get3A_337 : vector<16xf32>
          %add3A_339 = arith.constant 9216 : i32
          %add3A_340 = arith.addi %add3A_339, %mul3A_296 : i32
          %get3A_341 = arith.index_cast %add3A_340 : i32 to index
          %get3A_342 = tpu.vector_load %arg8[%get3A_341] {strides = array<i32>} : memref<16384xf32, #tpu.memory_space<vmem>>, vector<16xf32>,
          %add3A_343 = arith.addf %add3A_338, %get3A_342 : vector<16xf32>
          %add3A_344 = arith.constant 10240 : i32
          %add3A_345 = arith.addi %add3A_344, %mul3A_296 : i32
          %get3A_346 = arith.index_cast %add3A_345 : i32 to index
          %get3A_347 = tpu.vector_load %arg8[%get3A_346] {strides = array<i32>} : memref<16384xf32, #tpu.memory_space<vmem>>, vector<16xf32>,
          %add3A_348 = arith.addf %add3A_343, %get3A_347 : vector<16xf32>
          %add3A_349 = arith.constant 11264 : i32
          %add3A_350 = arith.addi %add3A_349, %mul3A_296 : i32
          %get3A_351 = arith.index_cast %add3A_350 : i32 to index
          %get3A_352 = tpu.vector_load %arg8[%get3A_351] {strides = array<i32>} : memref<16384xf32, #tpu.memory_space<vmem>>, vector<16xf32>,
          %add3A_353 = arith.addf %add3A_348, %get3A_352 : vector<16xf32>
          %add3A_354 = arith.constant 12288 : i32
          %add3A_355 = arith.addi %add3A_354, %mul3A_296 : i32
          %get3A_356 = arith.index_cast %add3A_355 : i32 to index
          %get3A_357 = tpu.vector_load %arg8[%get3A_356] {strides = array<i32>} : memref<16384xf32, #tpu.memory_space<vmem>>, vector<16xf32>,
          %add3A_358 = arith.addf %add3A_353, %get3A_357 : vector<16xf32>
          %add3A_359 = arith.constant 13312 : i32
          %add3A_360 = arith.addi %add3A_359, %mul3A_296 : i32
          %get3A_361 = arith.index_cast %add3A_360 : i32 to index
          %get3A_362 = tpu.vector_load %arg8[%get3A_361] {strides = array<i32>} : memref<16384xf32, #tpu.memory_space<vmem>>, vector<16xf32>,
          %add3A_363 = arith.addf %add3A_358, %get3A_362 : vector<16xf32>
          %add3A_364 = arith.constant 14336 : i32
          %add3A_365 = arith.addi %add3A_364, %mul3A_296 : i32
          %get3A_366 = arith.index_cast %add3A_365 : i32 to index
          %get3A_367 = tpu.vector_load %arg8[%get3A_366] {strides = array<i32>} : memref<16384xf32, #tpu.memory_space<vmem>>, vector<16xf32>,
          %add3A_368 = arith.addf %add3A_363, %get3A_367 : vector<16xf32>
          %add3A_369 = arith.constant 15360 : i32
          %add3A_370 = arith.addi %add3A_369, %mul3A_296 : i32
          %get3A_371 = arith.index_cast %add3A_370 : i32 to index
          %get3A_372 = tpu.vector_load %arg8[%get3A_371] {strides = array<i32>} : memref<16384xf32, #tpu.memory_space<vmem>>, vector<16xf32>,
          %add3A_373 = arith.addf %add3A_368, %get3A_372 : vector<16xf32>
          %jit3A_374 = arith.constant 4 : i32
          %eq3A_375 = arith.constant 0 : i32
          %eq3A_376 = arith.cmpi eq, %jit3A_374, %eq3A_375 : i32
          %jit3A_377 = arith.constant 1 : i32
          %select_n3A_378 = arith.select %eq3A_376, %jit3A_377, %jit3A_374 : i32
          %rem3A_379 = arith.remsi %add3A_135, %select_n3A_378 : i32
          %ne3A_380 = arith.constant 0 : i32
          %ne3A_381 = arith.cmpi ne, %rem3A_379, %ne3A_380 : i32
          %lt3A_382 = arith.constant 0 : i32
          %lt3A_383 = arith.cmpi slt, %rem3A_379, %lt3A_382 : i32
          %lt3A_384 = arith.constant 0 : i32
          %lt3A_385 = arith.cmpi slt, %select_n3A_378, %lt3A_384 : i32
          %ne3A_386 = arith.xori %lt3A_383, %lt3A_385 : i1
          %and3A_387 = arith.andi %ne3A_386, %ne3A_381 : i1
          %add3A_388 = arith.addi %rem3A_379, %select_n3A_378 : i32
          %select_n3A_389 = arith.select %and3A_387, %add3A_388, %rem3A_379 : i32
          %mul3A_390 = arith.constant 1024 : i32
          %mul3A_391 = arith.muli %select_n3A_389, %mul3A_390 : i32
          %add3A_392 = arith.addi %mul3A_391, %mul3A_296 : i32
          %swap3A_393 = arith.index_cast %add3A_392 : i32 to index
          %swap3A_394 = tpu.vector_load %arg11[%swap3A_393] {strides = array<i32>} : memref<4096xf32, #tpu.memory_space<vmem>>, vector<16xf32>,
          tpu.vector_store %arg11[%swap3A_393], %add3A_373 {strides = array<i32>} : memref<4096xf32, #tpu.memory_space<vmem>>, vector<16xf32>,
          %ge3A_395 = arith.constant 1 : i32
          %ge3A_396 = arith.cmpi sge, %add3A_135, %ge3A_395 : i32
          %convert_element_type3A_397 = arith.extui %ge3A_396 : i1 to i32
          %cond3A_398 = arith.constant 0 : i32
          %cond3A_399 = arith.cmpi ne, %convert_element_type3A_397, %cond3A_398 : i32
          scf.if %cond3A_399 {
            %sub3A_622 = arith.constant 1 : i32
            %sub3A_623 = arith.subi %add3A_135, %sub3A_622 : i32
            %jit3A_624 = arith.constant 4 : i32
            %eq3A_625 = arith.constant 0 : i32
            %eq3A_626 = arith.cmpi eq, %jit3A_624, %eq3A_625 : i32
            %jit3A_627 = arith.constant 1 : i32
            %select_n3A_628 = arith.select %eq3A_626, %jit3A_627, %jit3A_624 : i32
            %rem3A_629 = arith.remsi %sub3A_623, %select_n3A_628 : i32
            %ne3A_630 = arith.constant 0 : i32
            %ne3A_631 = arith.cmpi ne, %rem3A_629, %ne3A_630 : i32
            %lt3A_632 = arith.constant 0 : i32
            %lt3A_633 = arith.cmpi slt, %rem3A_629, %lt3A_632 : i32
            %lt3A_634 = arith.constant 0 : i32
            %lt3A_635 = arith.cmpi slt, %select_n3A_628, %lt3A_634 : i32
            %ne3A_636 = arith.xori %lt3A_633, %lt3A_635 : i1
            %and3A_637 = arith.andi %ne3A_636, %ne3A_631 : i1
            %add3A_638 = arith.addi %rem3A_629, %select_n3A_628 : i32
            %select_n3A_639 = arith.select %and3A_637, %add3A_638, %rem3A_629 : i32
            %mul3A_640 = arith.constant 1024 : i32
            %mul3A_641 = arith.muli %select_n3A_639, %mul3A_640 : i32
            %add3A_642 = arith.addi %mul3A_641, %mul3A_296 : i32
            %get3A_643 = arith.index_cast %add3A_642 : i32 to index
            %get3A_644 = tpu.vector_load %arg11[%get3A_643] {strides = array<i32>} : memref<4096xf32, #tpu.memory_space<vmem>>, vector<16xf32>,
            %add3A_645 = arith.addf %get3A_644, %add3A_373 : vector<16xf32>
            %mul3A_646 = arith.constant 3.125000e-02 : f32
            %mul3A_647 = vector.broadcast %mul3A_646 : f32 to vector<16xf32>
            %mul3A_648 = arith.mulf %add3A_645, %mul3A_647 : vector<16xf32>
            %swap3A_649 = arith.constant 1 : i32
            %swap3A_650 = arith.index_cast %swap3A_649 : i32 to index
            %swap3A_651 = arith.index_cast %mul3A_296 : i32 to index
            %swap3A_652 = tpu.vector_load %arg12[%swap3A_650, %swap3A_651] {strides = array<i32>} : memref<4x1024xf32, #tpu.memory_space<vmem>>, vector<16xf32>,
            tpu.vector_store %arg12[%swap3A_650, %swap3A_651], %mul3A_648 {strides = array<i32>} : memref<4x1024xf32, #tpu.memory_space<vmem>>, vector<16xf32>,
          } else {
          }
          %scan3A_400 = arith.constant 2 : i32
          %scan3A_401 = arith.addi %scan3A_181, %scan3A_400 : i32
          %mul3A_402 = arith.constant 1 : i32
          %mul3A_403 = arith.muli %scan3A_401, %mul3A_402 : i32
          %add3A_404 = arith.constant 0 : i32
          %add3A_405 = arith.addi %add3A_404, %mul3A_403 : i32
          %mul3A_406 = arith.constant 16 : i32
          %mul3A_407 = arith.muli %add3A_405, %mul3A_406 : i32
          %get3A_408 = arith.index_cast %mul3A_407 : i32 to index
          %get3A_409 = tpu.vector_load %arg8[%get3A_408] {strides = array<i32>} : memref<16384xf32, #tpu.memory_space<vmem>>, vector<16xf32>,
          %add3A_410 = arith.constant 1024 : i32
          %add3A_411 = arith.addi %add3A_410, %mul3A_407 : i32
          %get3A_412 = arith.index_cast %add3A_411 : i32 to index
          %get3A_413 = tpu.vector_load %arg8[%get3A_412] {strides = array<i32>} : memref<16384xf32, #tpu.memory_space<vmem>>, vector<16xf32>,
          %add3A_414 = arith.addf %get3A_409, %get3A_413 : vector<16xf32>
          %add3A_415 = arith.constant 2048 : i32
          %add3A_416 = arith.addi %add3A_415, %mul3A_407 : i32
          %get3A_417 = arith.index_cast %add3A_416 : i32 to index
          %get3A_418 = tpu.vector_load %arg8[%get3A_417] {strides = array<i32>} : memref<16384xf32, #tpu.memory_space<vmem>>, vector<16xf32>,
          %add3A_419 = arith.addf %add3A_414, %get3A_418 : vector<16xf32>
          %add3A_420 = arith.constant 3072 : i32
          %add3A_421 = arith.addi %add3A_420, %mul3A_407 : i32
          %get3A_422 = arith.index_cast %add3A_421 : i32 to index
          %get3A_423 = tpu.vector_load %arg8[%get3A_422] {strides = array<i32>} : memref<16384xf32, #tpu.memory_space<vmem>>, vector<16xf32>,
          %add3A_424 = arith.addf %add3A_419, %get3A_423 : vector<16xf32>
          %add3A_425 = arith.constant 4096 : i32
          %add3A_426 = arith.addi %add3A_425, %mul3A_407 : i32
          %get3A_427 = arith.index_cast %add3A_426 : i32 to index
          %get3A_428 = tpu.vector_load %arg8[%get3A_427] {strides = array<i32>} : memref<16384xf32, #tpu.memory_space<vmem>>, vector<16xf32>,
          %add3A_429 = arith.addf %add3A_424, %get3A_428 : vector<16xf32>
          %add3A_430 = arith.constant 5120 : i32
          %add3A_431 = arith.addi %add3A_430, %mul3A_407 : i32
          %get3A_432 = arith.index_cast %add3A_431 : i32 to index
          %get3A_433 = tpu.vector_load %arg8[%get3A_432] {strides = array<i32>} : memref<16384xf32, #tpu.memory_space<vmem>>, vector<16xf32>,
          %add3A_434 = arith.addf %add3A_429, %get3A_433 : vector<16xf32>
          %add3A_435 = arith.constant 6144 : i32
          %add3A_436 = arith.addi %add3A_435, %mul3A_407 : i32
          %get3A_437 = arith.index_cast %add3A_436 : i32 to index
          %get3A_438 = tpu.vector_load %arg8[%get3A_437] {strides = array<i32>} : memref<16384xf32, #tpu.memory_space<vmem>>, vector<16xf32>,
          %add3A_439 = arith.addf %add3A_434, %get3A_438 : vector<16xf32>
          %add3A_440 = arith.constant 7168 : i32
          %add3A_441 = arith.addi %add3A_440, %mul3A_407 : i32
          %get3A_442 = arith.index_cast %add3A_441 : i32 to index
          %get3A_443 = tpu.vector_load %arg8[%get3A_442] {strides = array<i32>} : memref<16384xf32, #tpu.memory_space<vmem>>, vector<16xf32>,
          %add3A_444 = arith.addf %add3A_439, %get3A_443 : vector<16xf32>
          %add3A_445 = arith.constant 8192 : i32
          %add3A_446 = arith.addi %add3A_445, %mul3A_407 : i32
          %get3A_447 = arith.index_cast %add3A_446 : i32 to index
          %get3A_448 = tpu.vector_load %arg8[%get3A_447] {strides = array<i32>} : memref<16384xf32, #tpu.memory_space<vmem>>, vector<16xf32>,
          %add3A_449 = arith.addf %add3A_444, %get3A_448 : vector<16xf32>
          %add3A_450 = arith.constant 9216 : i32
          %add3A_451 = arith.addi %add3A_450, %mul3A_407 : i32
          %get3A_452 = arith.index_cast %add3A_451 : i32 to index
          %get3A_453 = tpu.vector_load %arg8[%get3A_452] {strides = array<i32>} : memref<16384xf32, #tpu.memory_space<vmem>>, vector<16xf32>,
          %add3A_454 = arith.addf %add3A_449, %get3A_453 : vector<16xf32>
          %add3A_455 = arith.constant 10240 : i32
          %add3A_456 = arith.addi %add3A_455, %mul3A_407 : i32
          %get3A_457 = arith.index_cast %add3A_456 : i32 to index
          %get3A_458 = tpu.vector_load %arg8[%get3A_457] {strides = array<i32>} : memref<16384xf32, #tpu.memory_space<vmem>>, vector<16xf32>,
          %add3A_459 = arith.addf %add3A_454, %get3A_458 : vector<16xf32>
          %add3A_460 = arith.constant 11264 : i32
          %add3A_461 = arith.addi %add3A_460, %mul3A_407 : i32
          %get3A_462 = arith.index_cast %add3A_461 : i32 to index
          %get3A_463 = tpu.vector_load %arg8[%get3A_462] {strides = array<i32>} : memref<16384xf32, #tpu.memory_space<vmem>>, vector<16xf32>,
          %add3A_464 = arith.addf %add3A_459, %get3A_463 : vector<16xf32>
          %add3A_465 = arith.constant 12288 : i32
          %add3A_466 = arith.addi %add3A_465, %mul3A_407 : i32
          %get3A_467 = arith.index_cast %add3A_466 : i32 to index
          %get3A_468 = tpu.vector_load %arg8[%get3A_467] {strides = array<i32>} : memref<16384xf32, #tpu.memory_space<vmem>>, vector<16xf32>,
          %add3A_469 = arith.addf %add3A_464, %get3A_468 : vector<16xf32>
          %add3A_470 = arith.constant 13312 : i32
          %add3A_471 = arith.addi %add3A_470, %mul3A_407 : i32
          %get3A_472 = arith.index_cast %add3A_471 : i32 to index
          %get3A_473 = tpu.vector_load %arg8[%get3A_472] {strides = array<i32>} : memref<16384xf32, #tpu.memory_space<vmem>>, vector<16xf32>,
          %add3A_474 = arith.addf %add3A_469, %get3A_473 : vector<16xf32>
          %add3A_475 = arith.constant 14336 : i32
          %add3A_476 = arith.addi %add3A_475, %mul3A_407 : i32
          %get3A_477 = arith.index_cast %add3A_476 : i32 to index
          %get3A_478 = tpu.vector_load %arg8[%get3A_477] {strides = array<i32>} : memref<16384xf32, #tpu.memory_space<vmem>>, vector<16xf32>,
          %add3A_479 = arith.addf %add3A_474, %get3A_478 : vector<16xf32>
          %add3A_480 = arith.constant 15360 : i32
          %add3A_481 = arith.addi %add3A_480, %mul3A_407 : i32
          %get3A_482 = arith.index_cast %add3A_481 : i32 to index
          %get3A_483 = tpu.vector_load %arg8[%get3A_482] {strides = array<i32>} : memref<16384xf32, #tpu.memory_space<vmem>>, vector<16xf32>,
          %add3A_484 = arith.addf %add3A_479, %get3A_483 : vector<16xf32>
          %jit3A_485 = arith.constant 4 : i32
          %eq3A_486 = arith.constant 0 : i32
          %eq3A_487 = arith.cmpi eq, %jit3A_485, %eq3A_486 : i32
          %jit3A_488 = arith.constant 1 : i32
          %select_n3A_489 = arith.select %eq3A_487, %jit3A_488, %jit3A_485 : i32
          %rem3A_490 = arith.remsi %add3A_135, %select_n3A_489 : i32
          %ne3A_491 = arith.constant 0 : i32
          %ne3A_492 = arith.cmpi ne, %rem3A_490, %ne3A_491 : i32
          %lt3A_493 = arith.constant 0 : i32
          %lt3A_494 = arith.cmpi slt, %rem3A_490, %lt3A_493 : i32
          %lt3A_495 = arith.constant 0 : i32
          %lt3A_496 = arith.cmpi slt, %select_n3A_489, %lt3A_495 : i32
          %ne3A_497 = arith.xori %lt3A_494, %lt3A_496 : i1
          %and3A_498 = arith.andi %ne3A_497, %ne3A_492 : i1
          %add3A_499 = arith.addi %rem3A_490, %select_n3A_489 : i32
          %select_n3A_500 = arith.select %and3A_498, %add3A_499, %rem3A_490 : i32
          %mul3A_501 = arith.constant 1024 : i32
          %mul3A_502 = arith.muli %select_n3A_500, %mul3A_501 : i32
          %add3A_503 = arith.addi %mul3A_502, %mul3A_407 : i32
          %swap3A_504 = arith.index_cast %add3A_503 : i32 to index
          %swap3A_505 = tpu.vector_load %arg11[%swap3A_504] {strides = array<i32>} : memref<4096xf32, #tpu.memory_space<vmem>>, vector<16xf32>,
          tpu.vector_store %arg11[%swap3A_504], %add3A_484 {strides = array<i32>} : memref<4096xf32, #tpu.memory_space<vmem>>, vector<16xf32>,
          %ge3A_506 = arith.constant 1 : i32
          %ge3A_507 = arith.cmpi sge, %add3A_135, %ge3A_506 : i32
          %convert_element_type3A_508 = arith.extui %ge3A_507 : i1 to i32
          %cond3A_509 = arith.constant 0 : i32
          %cond3A_510 = arith.cmpi ne, %convert_element_type3A_508, %cond3A_509 : i32
          scf.if %cond3A_510 {
            %sub3A_622 = arith.constant 1 : i32
            %sub3A_623 = arith.subi %add3A_135, %sub3A_622 : i32
            %jit3A_624 = arith.constant 4 : i32
            %eq3A_625 = arith.constant 0 : i32
            %eq3A_626 = arith.cmpi eq, %jit3A_624, %eq3A_625 : i32
            %jit3A_627 = arith.constant 1 : i32
            %select_n3A_628 = arith.select %eq3A_626, %jit3A_627, %jit3A_624 : i32
            %rem3A_629 = arith.remsi %sub3A_623, %select_n3A_628 : i32
            %ne3A_630 = arith.constant 0 : i32
            %ne3A_631 = arith.cmpi ne, %rem3A_629, %ne3A_630 : i32
            %lt3A_632 = arith.constant 0 : i32
            %lt3A_633 = arith.cmpi slt, %rem3A_629, %lt3A_632 : i32
            %lt3A_634 = arith.constant 0 : i32
            %lt3A_635 = arith.cmpi slt, %select_n3A_628, %lt3A_634 : i32
            %ne3A_636 = arith.xori %lt3A_633, %lt3A_635 : i1
            %and3A_637 = arith.andi %ne3A_636, %ne3A_631 : i1
            %add3A_638 = arith.addi %rem3A_629, %select_n3A_628 : i32
            %select_n3A_639 = arith.select %and3A_637, %add3A_638, %rem3A_629 : i32
            %mul3A_640 = arith.constant 1024 : i32
            %mul3A_641 = arith.muli %select_n3A_639, %mul3A_640 : i32
            %add3A_642 = arith.addi %mul3A_641, %mul3A_407 : i32
            %get3A_643 = arith.index_cast %add3A_642 : i32 to index
            %get3A_644 = tpu.vector_load %arg11[%get3A_643] {strides = array<i32>} : memref<4096xf32, #tpu.memory_space<vmem>>, vector<16xf32>,
            %add3A_645 = arith.addf %get3A_644, %add3A_484 : vector<16xf32>
            %mul3A_646 = arith.constant 3.125000e-02 : f32
            %mul3A_647 = vector.broadcast %mul3A_646 : f32 to vector<16xf32>
            %mul3A_648 = arith.mulf %add3A_645, %mul3A_647 : vector<16xf32>
            %swap3A_649 = arith.constant 1 : i32
            %swap3A_650 = arith.index_cast %swap3A_649 : i32 to index
            %swap3A_651 = arith.index_cast %mul3A_407 : i32 to index
            %swap3A_652 = tpu.vector_load %arg12[%swap3A_650, %swap3A_651] {strides = array<i32>} : memref<4x1024xf32, #tpu.memory_space<vmem>>, vector<16xf32>,
            tpu.vector_store %arg12[%swap3A_650, %swap3A_651], %mul3A_648 {strides = array<i32>} : memref<4x1024xf32, #tpu.memory_space<vmem>>, vector<16xf32>,
          } else {
          }
          %scan3A_511 = arith.constant 3 : i32
          %scan3A_512 = arith.addi %scan3A_181, %scan3A_511 : i32
          %mul3A_513 = arith.constant 1 : i32
          %mul3A_514 = arith.muli %scan3A_512, %mul3A_513 : i32
          %add3A_515 = arith.constant 0 : i32
          %add3A_516 = arith.addi %add3A_515, %mul3A_514 : i32
          %mul3A_517 = arith.constant 16 : i32
          %mul3A_518 = arith.muli %add3A_516, %mul3A_517 : i32
          %get3A_519 = arith.index_cast %mul3A_518 : i32 to index
          %get3A_520 = tpu.vector_load %arg8[%get3A_519] {strides = array<i32>} : memref<16384xf32, #tpu.memory_space<vmem>>, vector<16xf32>,
          %add3A_521 = arith.constant 1024 : i32
          %add3A_522 = arith.addi %add3A_521, %mul3A_518 : i32
          %get3A_523 = arith.index_cast %add3A_522 : i32 to index
          %get3A_524 = tpu.vector_load %arg8[%get3A_523] {strides = array<i32>} : memref<16384xf32, #tpu.memory_space<vmem>>, vector<16xf32>,
          %add3A_525 = arith.addf %get3A_520, %get3A_524 : vector<16xf32>
          %add3A_526 = arith.constant 2048 : i32
          %add3A_527 = arith.addi %add3A_526, %mul3A_518 : i32
          %get3A_528 = arith.index_cast %add3A_527 : i32 to index
          %get3A_529 = tpu.vector_load %arg8[%get3A_528] {strides = array<i32>} : memref<16384xf32, #tpu.memory_space<vmem>>, vector<16xf32>,
          %add3A_530 = arith.addf %add3A_525, %get3A_529 : vector<16xf32>
          %add3A_531 = arith.constant 3072 : i32
          %add3A_532 = arith.addi %add3A_531, %mul3A_518 : i32
          %get3A_533 = arith.index_cast %add3A_532 : i32 to index
          %get3A_534 = tpu.vector_load %arg8[%get3A_533] {strides = array<i32>} : memref<16384xf32, #tpu.memory_space<vmem>>, vector<16xf32>,
          %add3A_535 = arith.addf %add3A_530, %get3A_534 : vector<16xf32>
          %add3A_536 = arith.constant 4096 : i32
          %add3A_537 = arith.addi %add3A_536, %mul3A_518 : i32
          %get3A_538 = arith.index_cast %add3A_537 : i32 to index
          %get3A_539 = tpu.vector_load %arg8[%get3A_538] {strides = array<i32>} : memref<16384xf32, #tpu.memory_space<vmem>>, vector<16xf32>,
          %add3A_540 = arith.addf %add3A_535, %get3A_539 : vector<16xf32>
          %add3A_541 = arith.constant 5120 : i32
          %add3A_542 = arith.addi %add3A_541, %mul3A_518 : i32
          %get3A_543 = arith.index_cast %add3A_542 : i32 to index
          %get3A_544 = tpu.vector_load %arg8[%get3A_543] {strides = array<i32>} : memref<16384xf32, #tpu.memory_space<vmem>>, vector<16xf32>,
          %add3A_545 = arith.addf %add3A_540, %get3A_544 : vector<16xf32>
          %add3A_546 = arith.constant 6144 : i32
          %add3A_547 = arith.addi %add3A_546, %mul3A_518 : i32
          %get3A_548 = arith.index_cast %add3A_547 : i32 to index
          %get3A_549 = tpu.vector_load %arg8[%get3A_548] {strides = array<i32>} : memref<16384xf32, #tpu.memory_space<vmem>>, vector<16xf32>,
          %add3A_550 = arith.addf %add3A_545, %get3A_549 : vector<16xf32>
          %add3A_551 = arith.constant 7168 : i32
          %add3A_552 = arith.addi %add3A_551, %mul3A_518 : i32
          %get3A_553 = arith.index_cast %add3A_552 : i32 to index
          %get3A_554 = tpu.vector_load %arg8[%get3A_553] {strides = array<i32>} : memref<16384xf32, #tpu.memory_space<vmem>>, vector<16xf32>,
          %add3A_555 = arith.addf %add3A_550, %get3A_554 : vector<16xf32>
          %add3A_556 = arith.constant 8192 : i32
          %add3A_557 = arith.addi %add3A_556, %mul3A_518 : i32
          %get3A_558 = arith.index_cast %add3A_557 : i32 to index
          %get3A_559 = tpu.vector_load %arg8[%get3A_558] {strides = array<i32>} : memref<16384xf32, #tpu.memory_space<vmem>>, vector<16xf32>,
          %add3A_560 = arith.addf %add3A_555, %get3A_559 : vector<16xf32>
          %add3A_561 = arith.constant 9216 : i32
          %add3A_562 = arith.addi %add3A_561, %mul3A_518 : i32
          %get3A_563 = arith.index_cast %add3A_562 : i32 to index
          %get3A_564 = tpu.vector_load %arg8[%get3A_563] {strides = array<i32>} : memref<16384xf32, #tpu.memory_space<vmem>>, vector<16xf32>,
          %add3A_565 = arith.addf %add3A_560, %get3A_564 : vector<16xf32>
          %add3A_566 = arith.constant 10240 : i32
          %add3A_567 = arith.addi %add3A_566, %mul3A_518 : i32
          %get3A_568 = arith.index_cast %add3A_567 : i32 to index
          %get3A_569 = tpu.vector_load %arg8[%get3A_568] {strides = array<i32>} : memref<16384xf32, #tpu.memory_space<vmem>>, vector<16xf32>,
          %add3A_570 = arith.addf %add3A_565, %get3A_569 : vector<16xf32>
          %add3A_571 = arith.constant 11264 : i32
          %add3A_572 = arith.addi %add3A_571, %mul3A_518 : i32
          %get3A_573 = arith.index_cast %add3A_572 : i32 to index
          %get3A_574 = tpu.vector_load %arg8[%get3A_573] {strides = array<i32>} : memref<16384xf32, #tpu.memory_space<vmem>>, vector<16xf32>,
          %add3A_575 = arith.addf %add3A_570, %get3A_574 : vector<16xf32>
          %add3A_576 = arith.constant 12288 : i32
          %add3A_577 = arith.addi %add3A_576, %mul3A_518 : i32
          %get3A_578 = arith.index_cast %add3A_577 : i32 to index
          %get3A_579 = tpu.vector_load %arg8[%get3A_578] {strides = array<i32>} : memref<16384xf32, #tpu.memory_space<vmem>>, vector<16xf32>,
          %add3A_580 = arith.addf %add3A_575, %get3A_579 : vector<16xf32>
          %add3A_581 = arith.constant 13312 : i32
          %add3A_582 = arith.addi %add3A_581, %mul3A_518 : i32
          %get3A_583 = arith.index_cast %add3A_582 : i32 to index
          %get3A_584 = tpu.vector_load %arg8[%get3A_583] {strides = array<i32>} : memref<16384xf32, #tpu.memory_space<vmem>>, vector<16xf32>,
          %add3A_585 = arith.addf %add3A_580, %get3A_584 : vector<16xf32>
          %add3A_586 = arith.constant 14336 : i32
          %add3A_587 = arith.addi %add3A_586, %mul3A_518 : i32
          %get3A_588 = arith.index_cast %add3A_587 : i32 to index
          %get3A_589 = tpu.vector_load %arg8[%get3A_588] {strides = array<i32>} : memref<16384xf32, #tpu.memory_space<vmem>>, vector<16xf32>,
          %add3A_590 = arith.addf %add3A_585, %get3A_589 : vector<16xf32>
          %add3A_591 = arith.constant 15360 : i32
          %add3A_592 = arith.addi %add3A_591, %mul3A_518 : i32
          %get3A_593 = arith.index_cast %add3A_592 : i32 to index
          %get3A_594 = tpu.vector_load %arg8[%get3A_593] {strides = array<i32>} : memref<16384xf32, #tpu.memory_space<vmem>>, vector<16xf32>,
          %add3A_595 = arith.addf %add3A_590, %get3A_594 : vector<16xf32>
          %jit3A_596 = arith.constant 4 : i32
          %eq3A_597 = arith.constant 0 : i32
          %eq3A_598 = arith.cmpi eq, %jit3A_596, %eq3A_597 : i32
          %jit3A_599 = arith.constant 1 : i32
          %select_n3A_600 = arith.select %eq3A_598, %jit3A_599, %jit3A_596 : i32
          %rem3A_601 = arith.remsi %add3A_135, %select_n3A_600 : i32
          %ne3A_602 = arith.constant 0 : i32
          %ne3A_603 = arith.cmpi ne, %rem3A_601, %ne3A_602 : i32
          %lt3A_604 = arith.constant 0 : i32
          %lt3A_605 = arith.cmpi slt, %rem3A_601, %lt3A_604 : i32
          %lt3A_606 = arith.constant 0 : i32
          %lt3A_607 = arith.cmpi slt, %select_n3A_600, %lt3A_606 : i32
          %ne3A_608 = arith.xori %lt3A_605, %lt3A_607 : i1
          %and3A_609 = arith.andi %ne3A_608, %ne3A_603 : i1
          %add3A_610 = arith.addi %rem3A_601, %select_n3A_600 : i32
          %select_n3A_611 = arith.select %and3A_609, %add3A_610, %rem3A_601 : i32
          %mul3A_612 = arith.constant 1024 : i32
          %mul3A_613 = arith.muli %select_n3A_611, %mul3A_612 : i32
          %add3A_614 = arith.addi %mul3A_613, %mul3A_518 : i32
          %swap3A_615 = arith.index_cast %add3A_614 : i32 to index
          %swap3A_616 = tpu.vector_load %arg11[%swap3A_615] {strides = array<i32>} : memref<4096xf32, #tpu.memory_space<vmem>>, vector<16xf32>,
          tpu.vector_store %arg11[%swap3A_615], %add3A_595 {strides = array<i32>} : memref<4096xf32, #tpu.memory_space<vmem>>, vector<16xf32>,
          %ge3A_617 = arith.constant 1 : i32
          %ge3A_618 = arith.cmpi sge, %add3A_135, %ge3A_617 : i32
          %convert_element_type3A_619 = arith.extui %ge3A_618 : i1 to i32
          %cond3A_620 = arith.constant 0 : i32
          %cond3A_621 = arith.cmpi ne, %convert_element_type3A_619, %cond3A_620 : i32
          scf.if %cond3A_621 {
            %sub3A_622 = arith.constant 1 : i32
            %sub3A_623 = arith.subi %add3A_135, %sub3A_622 : i32
            %jit3A_624 = arith.constant 4 : i32
            %eq3A_625 = arith.constant 0 : i32
            %eq3A_626 = arith.cmpi eq, %jit3A_624, %eq3A_625 : i32
            %jit3A_627 = arith.constant 1 : i32
            %select_n3A_628 = arith.select %eq3A_626, %jit3A_627, %jit3A_624 : i32
            %rem3A_629 = arith.remsi %sub3A_623, %select_n3A_628 : i32
            %ne3A_630 = arith.constant 0 : i32
            %ne3A_631 = arith.cmpi ne, %rem3A_629, %ne3A_630 : i32
            %lt3A_632 = arith.constant 0 : i32
            %lt3A_633 = arith.cmpi slt, %rem3A_629, %lt3A_632 : i32
            %lt3A_634 = arith.constant 0 : i32
            %lt3A_635 = arith.cmpi slt, %select_n3A_628, %lt3A_634 : i32
            %ne3A_636 = arith.xori %lt3A_633, %lt3A_635 : i1
            %and3A_637 = arith.andi %ne3A_636, %ne3A_631 : i1
            %add3A_638 = arith.addi %rem3A_629, %select_n3A_628 : i32
            %select_n3A_639 = arith.select %and3A_637, %add3A_638, %rem3A_629 : i32
            %mul3A_640 = arith.constant 1024 : i32
            %mul3A_641 = arith.muli %select_n3A_639, %mul3A_640 : i32
            %add3A_642 = arith.addi %mul3A_641, %mul3A_518 : i32
            %get3A_643 = arith.index_cast %add3A_642 : i32 to index
            %get3A_644 = tpu.vector_load %arg11[%get3A_643] {strides = array<i32>} : memref<4096xf32, #tpu.memory_space<vmem>>, vector<16xf32>,
            %add3A_645 = arith.addf %get3A_644, %add3A_595 : vector<16xf32>
            %mul3A_646 = arith.constant 3.125000e-02 : f32
            %mul3A_647 = vector.broadcast %mul3A_646 : f32 to vector<16xf32>
            %mul3A_648 = arith.mulf %add3A_645, %mul3A_647 : vector<16xf32>
            %swap3A_649 = arith.constant 1 : i32
            %swap3A_650 = arith.index_cast %swap3A_649 : i32 to index
            %swap3A_651 = arith.index_cast %mul3A_518 : i32 to index
            %swap3A_652 = tpu.vector_load %arg12[%swap3A_650, %swap3A_651] {strides = array<i32>} : memref<4x1024xf32, #tpu.memory_space<vmem>>, vector<16xf32>,
            tpu.vector_store %arg12[%swap3A_650, %swap3A_651], %mul3A_648 {strides = array<i32>} : memref<4x1024xf32, #tpu.memory_space<vmem>>, vector<16xf32>,
          } else {
          }
        }
        %scan3A_169 = arith.constant 64 : i32
        %ge3A_170 = arith.constant 1 : i32
        %ge3A_171 = arith.cmpi sge, %add3A_135, %ge3A_170 : i32
        %convert_element_type3A_172 = arith.extui %ge3A_171 : i1 to i32
        %cond3A_173 = arith.constant 0 : i32
        %cond3A_174 = arith.cmpi ne, %convert_element_type3A_172, %cond3A_173 : i32
        scf.if %cond3A_174 {
          %add3A_181 = arith.addi %add3A_40, %add3A_135 : i32
          %sub3A_182 = arith.constant 1 : i32
          %sub3A_183 = arith.subi %add3A_181, %sub3A_182 : i32
          %mul3A_184 = arith.constant 1024 : i32
          %mul3A_185 = arith.muli %sub3A_183, %mul3A_184 : i32
          %dma_start3A_186 = arith.constant 1 : i32
          %dma_start3A_187 = arith.constant 0 : i32
          %dma_start3A_188 = tpu.memref_slice %arg12[%dma_start3A_186, %dma_start3A_187] : memref<4x1024xf32, #tpu.memory_space<vmem>> -> memref<1x1024xf32, #tpu.memory_space<vmem>>
          %dma_start3A_189 = tpu.memref_squeeze %dma_start3A_188 : memref<1x1024xf32, #tpu.memory_space<vmem>> -> memref<1024xf32, #tpu.memory_space<vmem>>
          %dma_start3A_190 = tpu.memref_slice %arg5[%mul3A_185] : memref<260096xf32, #tpu.memory_space<hbm>> -> memref<1024xf32, #tpu.memory_space<hbm>>
          %dma_start3A_191 = tpu.memref_slice %arg5[%mul3A_185] : memref<260096xf32, #tpu.memory_space<hbm>> -> memref<1024xf32, #tpu.memory_space<hbm>>
          %dma_start3A_192 = arith.constant 0 : i32
          %dma_start3A_193 = tpu.memref_slice %arg12[%dma_start3A_186, %dma_start3A_192] : memref<4x1024xf32, #tpu.memory_space<vmem>> -> memref<1x1024xf32, #tpu.memory_space<vmem>>
          %dma_start3A_194 = tpu.memref_squeeze %dma_start3A_193 : memref<1x1024xf32, #tpu.memory_space<vmem>> -> memref<1024xf32, #tpu.memory_space<vmem>>
          tpu.enqueue_dma source(%dma_start3A_194 : memref<1024xf32, #tpu.memory_space<vmem>>) target(%dma_start3A_191 : memref<1024xf32, #tpu.memory_space<hbm>>) target_semaphore(%arg20 : memref<!tpu.dma_semaphore, #tpu.memory_space<semaphore_mem>>)
        } else {
        }
        %add3A_175 = arith.constant 4 : i32
        %add3A_176 = arith.addi %add3A_135, %add3A_175 : i32
        %lt3A_177 = arith.cmpi slt, %add3A_176, %sub3A_44 : i32
        %convert_element_type3A_178 = arith.extui %lt3A_177 : i1 to i32
        %cond3A_179 = arith.constant 0 : i32
        %cond3A_180 = arith.cmpi ne, %convert_element_type3A_178, %cond3A_179 : i32
        scf.if %cond3A_180 {
          %add3A_181 = arith.constant 4 : i32
          %add3A_182 = arith.addi %add3A_135, %add3A_181 : i32
          %add3A_183 = arith.addi %add3A_35, %add3A_182 : i32
          %mul3A_184 = arith.constant 16384 : i32
          %mul3A_185 = arith.muli %add3A_183, %mul3A_184 : i32
          %dma_start3A_186 = tpu.memref_slice %arg2[%mul3A_185] : memref<33554432xf32, #tpu.memory_space<hbm>> -> memref<16384xf32, #tpu.memory_space<hbm>>
          %dma_start3A_187 = tpu.memref_slice %arg2[%mul3A_185] : memref<33554432xf32, #tpu.memory_space<hbm>> -> memref<16384xf32, #tpu.memory_space<hbm>>
          tpu.enqueue_dma source(%dma_start3A_187 : memref<16384xf32, #tpu.memory_space<hbm>>) target(%arg8 : memref<16384xf32, #tpu.memory_space<vmem>>) target_semaphore(%arg16 : memref<!tpu.dma_semaphore, #tpu.memory_space<semaphore_mem>>)
        } else {
        }
      } else {
      }
      %mul3A_140 = arith.constant 4 : i32
      %mul3A_141 = arith.muli %add3A_123, %mul3A_140 : i32
      %add3A_142 = arith.constant 2 : i32
      %add3A_143 = arith.addi %mul3A_141, %add3A_142 : i32
      %lt3A_144 = arith.cmpi slt, %add3A_143, %sub3A_44 : i32
      %convert_element_type3A_145 = arith.extui %lt3A_144 : i1 to i32
      %cond3A_146 = arith.constant 0 : i32
      %cond3A_147 = arith.cmpi ne, %convert_element_type3A_145, %cond3A_146 : i32
      scf.if %cond3A_147 {
        %add3A_156 = arith.addi %add3A_35, %add3A_143 : i32
        %mul3A_157 = arith.constant 16384 : i32
        %mul3A_158 = arith.muli %add3A_156, %mul3A_157 : i32
        %dma_wait3A_159 = tpu.memref_slice %arg2[%mul3A_158] : memref<33554432xf32, #tpu.memory_space<hbm>> -> memref<16384xf32, #tpu.memory_space<hbm>>
        %dma_wait3A_160 = tpu.memref_slice %arg2[%mul3A_158] : memref<33554432xf32, #tpu.memory_space<hbm>> -> memref<16384xf32, #tpu.memory_space<hbm>>
        tpu.wait_dma2 semaphore(%arg17 : memref<!tpu.dma_semaphore, #tpu.memory_space<semaphore_mem>>) src(%dma_wait3A_160 : memref<16384xf32, #tpu.memory_space<hbm>>) dst(%arg9 : memref<16384xf32, #tpu.memory_space<vmem>>)
        %ge3A = arith.constant 5 : i32
        %ge3A_161 = arith.cmpi sge, %add3A_143, %ge3A : i32
        %convert_element_type3A_162 = arith.extui %ge3A_161 : i1 to i32
        %cond3A_163 = arith.constant 0 : i32
        %cond3A_164 = arith.cmpi ne, %convert_element_type3A_162, %cond3A_163 : i32
        scf.if %cond3A_164 {
          %dma_wait3A_181 = arith.constant 2 : i32
          %dma_wait3A_182 = arith.constant 0 : i32
          %dma_wait3A_183 = tpu.memref_slice %arg12[%dma_wait3A_181, %dma_wait3A_182] : memref<4x1024xf32, #tpu.memory_space<vmem>> -> memref<1x1024xf32, #tpu.memory_space<vmem>>
          %dma_wait3A_184 = tpu.memref_squeeze %dma_wait3A_183 : memref<1x1024xf32, #tpu.memory_space<vmem>> -> memref<1024xf32, #tpu.memory_space<vmem>>
          %dma_wait3A_185 = arith.constant 0 : i32
          %dma_wait3A_186 = tpu.memref_slice %arg5[%dma_wait3A_185] : memref<260096xf32, #tpu.memory_space<hbm>> -> memref<1024xf32, #tpu.memory_space<hbm>>
          %dma_wait3A_187 = arith.constant 0 : i32
          %dma_wait3A_188 = tpu.memref_slice %arg5[%dma_wait3A_187] : memref<260096xf32, #tpu.memory_space<hbm>> -> memref<1024xf32, #tpu.memory_space<hbm>>
          %dma_wait3A_189 = arith.constant 0 : i32
          %dma_wait3A_190 = tpu.memref_slice %arg12[%dma_wait3A_181, %dma_wait3A_189] : memref<4x1024xf32, #tpu.memory_space<vmem>> -> memref<1x1024xf32, #tpu.memory_space<vmem>>
          %dma_wait3A_191 = tpu.memref_squeeze %dma_wait3A_190 : memref<1x1024xf32, #tpu.memory_space<vmem>> -> memref<1024xf32, #tpu.memory_space<vmem>>
          tpu.wait_dma2 semaphore(%arg21 : memref<!tpu.dma_semaphore, #tpu.memory_space<semaphore_mem>>) src(%dma_wait3A_191 : memref<1024xf32, #tpu.memory_space<vmem>>) dst(%dma_wait3A_188 : memref<1024xf32, #tpu.memory_space<hbm>>)
        } else {
        }
        %scan3A_165 = arith.constant 0 : i32
        %scan3A_166 = arith.constant 64 : i32
        %scan3A_167 = arith.addi %scan3A_165, %scan3A_166 : i32
        %scan3A_168 = arith.constant 4 : i32
        scf.for %scan3A_181 = %scan3A_165 to %scan3A_167 step %scan3A_168  : i32 {
          %mul3A_182 = arith.constant 1 : i32
          %mul3A_183 = arith.muli %scan3A_181, %mul3A_182 : i32
          %add3A_184 = arith.constant 0 : i32
          %add3A_185 = arith.addi %add3A_184, %mul3A_183 : i32
          %mul3A_186 = arith.constant 16 : i32
          %mul3A_187 = arith.muli %add3A_185, %mul3A_186 : i32
          %get3A = arith.index_cast %mul3A_187 : i32 to index
          %get3A_188 = tpu.vector_load %arg9[%get3A] {strides = array<i32>} : memref<16384xf32, #tpu.memory_space<vmem>>, vector<16xf32>,
          %add3A_189 = arith.constant 1024 : i32
          %add3A_190 = arith.addi %add3A_189, %mul3A_187 : i32
          %get3A_191 = arith.index_cast %add3A_190 : i32 to index
          %get3A_192 = tpu.vector_load %arg9[%get3A_191] {strides = array<i32>} : memref<16384xf32, #tpu.memory_space<vmem>>, vector<16xf32>,
          %add3A_193 = arith.addf %get3A_188, %get3A_192 : vector<16xf32>
          %add3A_194 = arith.constant 2048 : i32
          %add3A_195 = arith.addi %add3A_194, %mul3A_187 : i32
          %get3A_196 = arith.index_cast %add3A_195 : i32 to index
          %get3A_197 = tpu.vector_load %arg9[%get3A_196] {strides = array<i32>} : memref<16384xf32, #tpu.memory_space<vmem>>, vector<16xf32>,
          %add3A_198 = arith.addf %add3A_193, %get3A_197 : vector<16xf32>
          %add3A_199 = arith.constant 3072 : i32
          %add3A_200 = arith.addi %add3A_199, %mul3A_187 : i32
          %get3A_201 = arith.index_cast %add3A_200 : i32 to index
          %get3A_202 = tpu.vector_load %arg9[%get3A_201] {strides = array<i32>} : memref<16384xf32, #tpu.memory_space<vmem>>, vector<16xf32>,
          %add3A_203 = arith.addf %add3A_198, %get3A_202 : vector<16xf32>
          %add3A_204 = arith.constant 4096 : i32
          %add3A_205 = arith.addi %add3A_204, %mul3A_187 : i32
          %get3A_206 = arith.index_cast %add3A_205 : i32 to index
          %get3A_207 = tpu.vector_load %arg9[%get3A_206] {strides = array<i32>} : memref<16384xf32, #tpu.memory_space<vmem>>, vector<16xf32>,
          %add3A_208 = arith.addf %add3A_203, %get3A_207 : vector<16xf32>
          %add3A_209 = arith.constant 5120 : i32
          %add3A_210 = arith.addi %add3A_209, %mul3A_187 : i32
          %get3A_211 = arith.index_cast %add3A_210 : i32 to index
          %get3A_212 = tpu.vector_load %arg9[%get3A_211] {strides = array<i32>} : memref<16384xf32, #tpu.memory_space<vmem>>, vector<16xf32>,
          %add3A_213 = arith.addf %add3A_208, %get3A_212 : vector<16xf32>
          %add3A_214 = arith.constant 6144 : i32
          %add3A_215 = arith.addi %add3A_214, %mul3A_187 : i32
          %get3A_216 = arith.index_cast %add3A_215 : i32 to index
          %get3A_217 = tpu.vector_load %arg9[%get3A_216] {strides = array<i32>} : memref<16384xf32, #tpu.memory_space<vmem>>, vector<16xf32>,
          %add3A_218 = arith.addf %add3A_213, %get3A_217 : vector<16xf32>
          %add3A_219 = arith.constant 7168 : i32
          %add3A_220 = arith.addi %add3A_219, %mul3A_187 : i32
          %get3A_221 = arith.index_cast %add3A_220 : i32 to index
          %get3A_222 = tpu.vector_load %arg9[%get3A_221] {strides = array<i32>} : memref<16384xf32, #tpu.memory_space<vmem>>, vector<16xf32>,
          %add3A_223 = arith.addf %add3A_218, %get3A_222 : vector<16xf32>
          %add3A_224 = arith.constant 8192 : i32
          %add3A_225 = arith.addi %add3A_224, %mul3A_187 : i32
          %get3A_226 = arith.index_cast %add3A_225 : i32 to index
          %get3A_227 = tpu.vector_load %arg9[%get3A_226] {strides = array<i32>} : memref<16384xf32, #tpu.memory_space<vmem>>, vector<16xf32>,
          %add3A_228 = arith.addf %add3A_223, %get3A_227 : vector<16xf32>
          %add3A_229 = arith.constant 9216 : i32
          %add3A_230 = arith.addi %add3A_229, %mul3A_187 : i32
          %get3A_231 = arith.index_cast %add3A_230 : i32 to index
          %get3A_232 = tpu.vector_load %arg9[%get3A_231] {strides = array<i32>} : memref<16384xf32, #tpu.memory_space<vmem>>, vector<16xf32>,
          %add3A_233 = arith.addf %add3A_228, %get3A_232 : vector<16xf32>
          %add3A_234 = arith.constant 10240 : i32
          %add3A_235 = arith.addi %add3A_234, %mul3A_187 : i32
          %get3A_236 = arith.index_cast %add3A_235 : i32 to index
          %get3A_237 = tpu.vector_load %arg9[%get3A_236] {strides = array<i32>} : memref<16384xf32, #tpu.memory_space<vmem>>, vector<16xf32>,
          %add3A_238 = arith.addf %add3A_233, %get3A_237 : vector<16xf32>
          %add3A_239 = arith.constant 11264 : i32
          %add3A_240 = arith.addi %add3A_239, %mul3A_187 : i32
          %get3A_241 = arith.index_cast %add3A_240 : i32 to index
          %get3A_242 = tpu.vector_load %arg9[%get3A_241] {strides = array<i32>} : memref<16384xf32, #tpu.memory_space<vmem>>, vector<16xf32>,
          %add3A_243 = arith.addf %add3A_238, %get3A_242 : vector<16xf32>
          %add3A_244 = arith.constant 12288 : i32
          %add3A_245 = arith.addi %add3A_244, %mul3A_187 : i32
          %get3A_246 = arith.index_cast %add3A_245 : i32 to index
          %get3A_247 = tpu.vector_load %arg9[%get3A_246] {strides = array<i32>} : memref<16384xf32, #tpu.memory_space<vmem>>, vector<16xf32>,
          %add3A_248 = arith.addf %add3A_243, %get3A_247 : vector<16xf32>
          %add3A_249 = arith.constant 13312 : i32
          %add3A_250 = arith.addi %add3A_249, %mul3A_187 : i32
          %get3A_251 = arith.index_cast %add3A_250 : i32 to index
          %get3A_252 = tpu.vector_load %arg9[%get3A_251] {strides = array<i32>} : memref<16384xf32, #tpu.memory_space<vmem>>, vector<16xf32>,
          %add3A_253 = arith.addf %add3A_248, %get3A_252 : vector<16xf32>
          %add3A_254 = arith.constant 14336 : i32
          %add3A_255 = arith.addi %add3A_254, %mul3A_187 : i32
          %get3A_256 = arith.index_cast %add3A_255 : i32 to index
          %get3A_257 = tpu.vector_load %arg9[%get3A_256] {strides = array<i32>} : memref<16384xf32, #tpu.memory_space<vmem>>, vector<16xf32>,
          %add3A_258 = arith.addf %add3A_253, %get3A_257 : vector<16xf32>
          %add3A_259 = arith.constant 15360 : i32
          %add3A_260 = arith.addi %add3A_259, %mul3A_187 : i32
          %get3A_261 = arith.index_cast %add3A_260 : i32 to index
          %get3A_262 = tpu.vector_load %arg9[%get3A_261] {strides = array<i32>} : memref<16384xf32, #tpu.memory_space<vmem>>, vector<16xf32>,
          %add3A_263 = arith.addf %add3A_258, %get3A_262 : vector<16xf32>
          %jit3A_264 = arith.constant 4 : i32
          %eq3A_265 = arith.constant 0 : i32
          %eq3A_266 = arith.cmpi eq, %jit3A_264, %eq3A_265 : i32
          %jit3A_267 = arith.constant 1 : i32
          %select_n3A_268 = arith.select %eq3A_266, %jit3A_267, %jit3A_264 : i32
          %rem3A_269 = arith.remsi %add3A_143, %select_n3A_268 : i32
          %ne3A_270 = arith.constant 0 : i32
          %ne3A_271 = arith.cmpi ne, %rem3A_269, %ne3A_270 : i32
          %lt3A_272 = arith.constant 0 : i32
          %lt3A_273 = arith.cmpi slt, %rem3A_269, %lt3A_272 : i32
          %lt3A_274 = arith.constant 0 : i32
          %lt3A_275 = arith.cmpi slt, %select_n3A_268, %lt3A_274 : i32
          %ne3A_276 = arith.xori %lt3A_273, %lt3A_275 : i1
          %and3A_277 = arith.andi %ne3A_276, %ne3A_271 : i1
          %add3A_278 = arith.addi %rem3A_269, %select_n3A_268 : i32
          %select_n3A_279 = arith.select %and3A_277, %add3A_278, %rem3A_269 : i32
          %mul3A_280 = arith.constant 1024 : i32
          %mul3A_281 = arith.muli %select_n3A_279, %mul3A_280 : i32
          %add3A_282 = arith.addi %mul3A_281, %mul3A_187 : i32
          %swap3A = arith.index_cast %add3A_282 : i32 to index
          %swap3A_283 = tpu.vector_load %arg11[%swap3A] {strides = array<i32>} : memref<4096xf32, #tpu.memory_space<vmem>>, vector<16xf32>,
          tpu.vector_store %arg11[%swap3A], %add3A_263 {strides = array<i32>} : memref<4096xf32, #tpu.memory_space<vmem>>, vector<16xf32>,
          %ge3A_284 = arith.constant 1 : i32
          %ge3A_285 = arith.cmpi sge, %add3A_143, %ge3A_284 : i32
          %convert_element_type3A_286 = arith.extui %ge3A_285 : i1 to i32
          %cond3A_287 = arith.constant 0 : i32
          %cond3A_288 = arith.cmpi ne, %convert_element_type3A_286, %cond3A_287 : i32
          scf.if %cond3A_288 {
            %sub3A_622 = arith.constant 1 : i32
            %sub3A_623 = arith.subi %add3A_143, %sub3A_622 : i32
            %jit3A_624 = arith.constant 4 : i32
            %eq3A_625 = arith.constant 0 : i32
            %eq3A_626 = arith.cmpi eq, %jit3A_624, %eq3A_625 : i32
            %jit3A_627 = arith.constant 1 : i32
            %select_n3A_628 = arith.select %eq3A_626, %jit3A_627, %jit3A_624 : i32
            %rem3A_629 = arith.remsi %sub3A_623, %select_n3A_628 : i32
            %ne3A_630 = arith.constant 0 : i32
            %ne3A_631 = arith.cmpi ne, %rem3A_629, %ne3A_630 : i32
            %lt3A_632 = arith.constant 0 : i32
            %lt3A_633 = arith.cmpi slt, %rem3A_629, %lt3A_632 : i32
            %lt3A_634 = arith.constant 0 : i32
            %lt3A_635 = arith.cmpi slt, %select_n3A_628, %lt3A_634 : i32
            %ne3A_636 = arith.xori %lt3A_633, %lt3A_635 : i1
            %and3A_637 = arith.andi %ne3A_636, %ne3A_631 : i1
            %add3A_638 = arith.addi %rem3A_629, %select_n3A_628 : i32
            %select_n3A_639 = arith.select %and3A_637, %add3A_638, %rem3A_629 : i32
            %mul3A_640 = arith.constant 1024 : i32
            %mul3A_641 = arith.muli %select_n3A_639, %mul3A_640 : i32
            %add3A_642 = arith.addi %mul3A_641, %mul3A_187 : i32
            %get3A_643 = arith.index_cast %add3A_642 : i32 to index
            %get3A_644 = tpu.vector_load %arg11[%get3A_643] {strides = array<i32>} : memref<4096xf32, #tpu.memory_space<vmem>>, vector<16xf32>,
            %add3A_645 = arith.addf %get3A_644, %add3A_263 : vector<16xf32>
            %mul3A_646 = arith.constant 3.125000e-02 : f32
            %mul3A_647 = vector.broadcast %mul3A_646 : f32 to vector<16xf32>
            %mul3A_648 = arith.mulf %add3A_645, %mul3A_647 : vector<16xf32>
            %swap3A_649 = arith.constant 2 : i32
            %swap3A_650 = arith.index_cast %swap3A_649 : i32 to index
            %swap3A_651 = arith.index_cast %mul3A_187 : i32 to index
            %swap3A_652 = tpu.vector_load %arg12[%swap3A_650, %swap3A_651] {strides = array<i32>} : memref<4x1024xf32, #tpu.memory_space<vmem>>, vector<16xf32>,
            tpu.vector_store %arg12[%swap3A_650, %swap3A_651], %mul3A_648 {strides = array<i32>} : memref<4x1024xf32, #tpu.memory_space<vmem>>, vector<16xf32>,
          } else {
          }
          %scan3A_289 = arith.constant 1 : i32
          %scan3A_290 = arith.addi %scan3A_181, %scan3A_289 : i32
          %mul3A_291 = arith.constant 1 : i32
          %mul3A_292 = arith.muli %scan3A_290, %mul3A_291 : i32
          %add3A_293 = arith.constant 0 : i32
          %add3A_294 = arith.addi %add3A_293, %mul3A_292 : i32
          %mul3A_295 = arith.constant 16 : i32
          %mul3A_296 = arith.muli %add3A_294, %mul3A_295 : i32
          %get3A_297 = arith.index_cast %mul3A_296 : i32 to index
          %get3A_298 = tpu.vector_load %arg9[%get3A_297] {strides = array<i32>} : memref<16384xf32, #tpu.memory_space<vmem>>, vector<16xf32>,
          %add3A_299 = arith.constant 1024 : i32
          %add3A_300 = arith.addi %add3A_299, %mul3A_296 : i32
          %get3A_301 = arith.index_cast %add3A_300 : i32 to index
          %get3A_302 = tpu.vector_load %arg9[%get3A_301] {strides = array<i32>} : memref<16384xf32, #tpu.memory_space<vmem>>, vector<16xf32>,
          %add3A_303 = arith.addf %get3A_298, %get3A_302 : vector<16xf32>
          %add3A_304 = arith.constant 2048 : i32
          %add3A_305 = arith.addi %add3A_304, %mul3A_296 : i32
          %get3A_306 = arith.index_cast %add3A_305 : i32 to index
          %get3A_307 = tpu.vector_load %arg9[%get3A_306] {strides = array<i32>} : memref<16384xf32, #tpu.memory_space<vmem>>, vector<16xf32>,
          %add3A_308 = arith.addf %add3A_303, %get3A_307 : vector<16xf32>
          %add3A_309 = arith.constant 3072 : i32
          %add3A_310 = arith.addi %add3A_309, %mul3A_296 : i32
          %get3A_311 = arith.index_cast %add3A_310 : i32 to index
          %get3A_312 = tpu.vector_load %arg9[%get3A_311] {strides = array<i32>} : memref<16384xf32, #tpu.memory_space<vmem>>, vector<16xf32>,
          %add3A_313 = arith.addf %add3A_308, %get3A_312 : vector<16xf32>
          %add3A_314 = arith.constant 4096 : i32
          %add3A_315 = arith.addi %add3A_314, %mul3A_296 : i32
          %get3A_316 = arith.index_cast %add3A_315 : i32 to index
          %get3A_317 = tpu.vector_load %arg9[%get3A_316] {strides = array<i32>} : memref<16384xf32, #tpu.memory_space<vmem>>, vector<16xf32>,
          %add3A_318 = arith.addf %add3A_313, %get3A_317 : vector<16xf32>
          %add3A_319 = arith.constant 5120 : i32
          %add3A_320 = arith.addi %add3A_319, %mul3A_296 : i32
          %get3A_321 = arith.index_cast %add3A_320 : i32 to index
          %get3A_322 = tpu.vector_load %arg9[%get3A_321] {strides = array<i32>} : memref<16384xf32, #tpu.memory_space<vmem>>, vector<16xf32>,
          %add3A_323 = arith.addf %add3A_318, %get3A_322 : vector<16xf32>
          %add3A_324 = arith.constant 6144 : i32
          %add3A_325 = arith.addi %add3A_324, %mul3A_296 : i32
          %get3A_326 = arith.index_cast %add3A_325 : i32 to index
          %get3A_327 = tpu.vector_load %arg9[%get3A_326] {strides = array<i32>} : memref<16384xf32, #tpu.memory_space<vmem>>, vector<16xf32>,
          %add3A_328 = arith.addf %add3A_323, %get3A_327 : vector<16xf32>
          %add3A_329 = arith.constant 7168 : i32
          %add3A_330 = arith.addi %add3A_329, %mul3A_296 : i32
          %get3A_331 = arith.index_cast %add3A_330 : i32 to index
          %get3A_332 = tpu.vector_load %arg9[%get3A_331] {strides = array<i32>} : memref<16384xf32, #tpu.memory_space<vmem>>, vector<16xf32>,
          %add3A_333 = arith.addf %add3A_328, %get3A_332 : vector<16xf32>
          %add3A_334 = arith.constant 8192 : i32
          %add3A_335 = arith.addi %add3A_334, %mul3A_296 : i32
          %get3A_336 = arith.index_cast %add3A_335 : i32 to index
          %get3A_337 = tpu.vector_load %arg9[%get3A_336] {strides = array<i32>} : memref<16384xf32, #tpu.memory_space<vmem>>, vector<16xf32>,
          %add3A_338 = arith.addf %add3A_333, %get3A_337 : vector<16xf32>
          %add3A_339 = arith.constant 9216 : i32
          %add3A_340 = arith.addi %add3A_339, %mul3A_296 : i32
          %get3A_341 = arith.index_cast %add3A_340 : i32 to index
          %get3A_342 = tpu.vector_load %arg9[%get3A_341] {strides = array<i32>} : memref<16384xf32, #tpu.memory_space<vmem>>, vector<16xf32>,
          %add3A_343 = arith.addf %add3A_338, %get3A_342 : vector<16xf32>
          %add3A_344 = arith.constant 10240 : i32
          %add3A_345 = arith.addi %add3A_344, %mul3A_296 : i32
          %get3A_346 = arith.index_cast %add3A_345 : i32 to index
          %get3A_347 = tpu.vector_load %arg9[%get3A_346] {strides = array<i32>} : memref<16384xf32, #tpu.memory_space<vmem>>, vector<16xf32>,
          %add3A_348 = arith.addf %add3A_343, %get3A_347 : vector<16xf32>
          %add3A_349 = arith.constant 11264 : i32
          %add3A_350 = arith.addi %add3A_349, %mul3A_296 : i32
          %get3A_351 = arith.index_cast %add3A_350 : i32 to index
          %get3A_352 = tpu.vector_load %arg9[%get3A_351] {strides = array<i32>} : memref<16384xf32, #tpu.memory_space<vmem>>, vector<16xf32>,
          %add3A_353 = arith.addf %add3A_348, %get3A_352 : vector<16xf32>
          %add3A_354 = arith.constant 12288 : i32
          %add3A_355 = arith.addi %add3A_354, %mul3A_296 : i32
          %get3A_356 = arith.index_cast %add3A_355 : i32 to index
          %get3A_357 = tpu.vector_load %arg9[%get3A_356] {strides = array<i32>} : memref<16384xf32, #tpu.memory_space<vmem>>, vector<16xf32>,
          %add3A_358 = arith.addf %add3A_353, %get3A_357 : vector<16xf32>
          %add3A_359 = arith.constant 13312 : i32
          %add3A_360 = arith.addi %add3A_359, %mul3A_296 : i32
          %get3A_361 = arith.index_cast %add3A_360 : i32 to index
          %get3A_362 = tpu.vector_load %arg9[%get3A_361] {strides = array<i32>} : memref<16384xf32, #tpu.memory_space<vmem>>, vector<16xf32>,
          %add3A_363 = arith.addf %add3A_358, %get3A_362 : vector<16xf32>
          %add3A_364 = arith.constant 14336 : i32
          %add3A_365 = arith.addi %add3A_364, %mul3A_296 : i32
          %get3A_366 = arith.index_cast %add3A_365 : i32 to index
          %get3A_367 = tpu.vector_load %arg9[%get3A_366] {strides = array<i32>} : memref<16384xf32, #tpu.memory_space<vmem>>, vector<16xf32>,
          %add3A_368 = arith.addf %add3A_363, %get3A_367 : vector<16xf32>
          %add3A_369 = arith.constant 15360 : i32
          %add3A_370 = arith.addi %add3A_369, %mul3A_296 : i32
          %get3A_371 = arith.index_cast %add3A_370 : i32 to index
          %get3A_372 = tpu.vector_load %arg9[%get3A_371] {strides = array<i32>} : memref<16384xf32, #tpu.memory_space<vmem>>, vector<16xf32>,
          %add3A_373 = arith.addf %add3A_368, %get3A_372 : vector<16xf32>
          %jit3A_374 = arith.constant 4 : i32
          %eq3A_375 = arith.constant 0 : i32
          %eq3A_376 = arith.cmpi eq, %jit3A_374, %eq3A_375 : i32
          %jit3A_377 = arith.constant 1 : i32
          %select_n3A_378 = arith.select %eq3A_376, %jit3A_377, %jit3A_374 : i32
          %rem3A_379 = arith.remsi %add3A_143, %select_n3A_378 : i32
          %ne3A_380 = arith.constant 0 : i32
          %ne3A_381 = arith.cmpi ne, %rem3A_379, %ne3A_380 : i32
          %lt3A_382 = arith.constant 0 : i32
          %lt3A_383 = arith.cmpi slt, %rem3A_379, %lt3A_382 : i32
          %lt3A_384 = arith.constant 0 : i32
          %lt3A_385 = arith.cmpi slt, %select_n3A_378, %lt3A_384 : i32
          %ne3A_386 = arith.xori %lt3A_383, %lt3A_385 : i1
          %and3A_387 = arith.andi %ne3A_386, %ne3A_381 : i1
          %add3A_388 = arith.addi %rem3A_379, %select_n3A_378 : i32
          %select_n3A_389 = arith.select %and3A_387, %add3A_388, %rem3A_379 : i32
          %mul3A_390 = arith.constant 1024 : i32
          %mul3A_391 = arith.muli %select_n3A_389, %mul3A_390 : i32
          %add3A_392 = arith.addi %mul3A_391, %mul3A_296 : i32
          %swap3A_393 = arith.index_cast %add3A_392 : i32 to index
          %swap3A_394 = tpu.vector_load %arg11[%swap3A_393] {strides = array<i32>} : memref<4096xf32, #tpu.memory_space<vmem>>, vector<16xf32>,
          tpu.vector_store %arg11[%swap3A_393], %add3A_373 {strides = array<i32>} : memref<4096xf32, #tpu.memory_space<vmem>>, vector<16xf32>,
          %ge3A_395 = arith.constant 1 : i32
          %ge3A_396 = arith.cmpi sge, %add3A_143, %ge3A_395 : i32
          %convert_element_type3A_397 = arith.extui %ge3A_396 : i1 to i32
          %cond3A_398 = arith.constant 0 : i32
          %cond3A_399 = arith.cmpi ne, %convert_element_type3A_397, %cond3A_398 : i32
          scf.if %cond3A_399 {
            %sub3A_622 = arith.constant 1 : i32
            %sub3A_623 = arith.subi %add3A_143, %sub3A_622 : i32
            %jit3A_624 = arith.constant 4 : i32
            %eq3A_625 = arith.constant 0 : i32
            %eq3A_626 = arith.cmpi eq, %jit3A_624, %eq3A_625 : i32
            %jit3A_627 = arith.constant 1 : i32
            %select_n3A_628 = arith.select %eq3A_626, %jit3A_627, %jit3A_624 : i32
            %rem3A_629 = arith.remsi %sub3A_623, %select_n3A_628 : i32
            %ne3A_630 = arith.constant 0 : i32
            %ne3A_631 = arith.cmpi ne, %rem3A_629, %ne3A_630 : i32
            %lt3A_632 = arith.constant 0 : i32
            %lt3A_633 = arith.cmpi slt, %rem3A_629, %lt3A_632 : i32
            %lt3A_634 = arith.constant 0 : i32
            %lt3A_635 = arith.cmpi slt, %select_n3A_628, %lt3A_634 : i32
            %ne3A_636 = arith.xori %lt3A_633, %lt3A_635 : i1
            %and3A_637 = arith.andi %ne3A_636, %ne3A_631 : i1
            %add3A_638 = arith.addi %rem3A_629, %select_n3A_628 : i32
            %select_n3A_639 = arith.select %and3A_637, %add3A_638, %rem3A_629 : i32
            %mul3A_640 = arith.constant 1024 : i32
            %mul3A_641 = arith.muli %select_n3A_639, %mul3A_640 : i32
            %add3A_642 = arith.addi %mul3A_641, %mul3A_296 : i32
            %get3A_643 = arith.index_cast %add3A_642 : i32 to index
            %get3A_644 = tpu.vector_load %arg11[%get3A_643] {strides = array<i32>} : memref<4096xf32, #tpu.memory_space<vmem>>, vector<16xf32>,
            %add3A_645 = arith.addf %get3A_644, %add3A_373 : vector<16xf32>
            %mul3A_646 = arith.constant 3.125000e-02 : f32
            %mul3A_647 = vector.broadcast %mul3A_646 : f32 to vector<16xf32>
            %mul3A_648 = arith.mulf %add3A_645, %mul3A_647 : vector<16xf32>
            %swap3A_649 = arith.constant 2 : i32
            %swap3A_650 = arith.index_cast %swap3A_649 : i32 to index
            %swap3A_651 = arith.index_cast %mul3A_296 : i32 to index
            %swap3A_652 = tpu.vector_load %arg12[%swap3A_650, %swap3A_651] {strides = array<i32>} : memref<4x1024xf32, #tpu.memory_space<vmem>>, vector<16xf32>,
            tpu.vector_store %arg12[%swap3A_650, %swap3A_651], %mul3A_648 {strides = array<i32>} : memref<4x1024xf32, #tpu.memory_space<vmem>>, vector<16xf32>,
          } else {
          }
          %scan3A_400 = arith.constant 2 : i32
          %scan3A_401 = arith.addi %scan3A_181, %scan3A_400 : i32
          %mul3A_402 = arith.constant 1 : i32
          %mul3A_403 = arith.muli %scan3A_401, %mul3A_402 : i32
          %add3A_404 = arith.constant 0 : i32
          %add3A_405 = arith.addi %add3A_404, %mul3A_403 : i32
          %mul3A_406 = arith.constant 16 : i32
          %mul3A_407 = arith.muli %add3A_405, %mul3A_406 : i32
          %get3A_408 = arith.index_cast %mul3A_407 : i32 to index
          %get3A_409 = tpu.vector_load %arg9[%get3A_408] {strides = array<i32>} : memref<16384xf32, #tpu.memory_space<vmem>>, vector<16xf32>,
          %add3A_410 = arith.constant 1024 : i32
          %add3A_411 = arith.addi %add3A_410, %mul3A_407 : i32
          %get3A_412 = arith.index_cast %add3A_411 : i32 to index
          %get3A_413 = tpu.vector_load %arg9[%get3A_412] {strides = array<i32>} : memref<16384xf32, #tpu.memory_space<vmem>>, vector<16xf32>,
          %add3A_414 = arith.addf %get3A_409, %get3A_413 : vector<16xf32>
          %add3A_415 = arith.constant 2048 : i32
          %add3A_416 = arith.addi %add3A_415, %mul3A_407 : i32
          %get3A_417 = arith.index_cast %add3A_416 : i32 to index
          %get3A_418 = tpu.vector_load %arg9[%get3A_417] {strides = array<i32>} : memref<16384xf32, #tpu.memory_space<vmem>>, vector<16xf32>,
          %add3A_419 = arith.addf %add3A_414, %get3A_418 : vector<16xf32>
          %add3A_420 = arith.constant 3072 : i32
          %add3A_421 = arith.addi %add3A_420, %mul3A_407 : i32
          %get3A_422 = arith.index_cast %add3A_421 : i32 to index
          %get3A_423 = tpu.vector_load %arg9[%get3A_422] {strides = array<i32>} : memref<16384xf32, #tpu.memory_space<vmem>>, vector<16xf32>,
          %add3A_424 = arith.addf %add3A_419, %get3A_423 : vector<16xf32>
          %add3A_425 = arith.constant 4096 : i32
          %add3A_426 = arith.addi %add3A_425, %mul3A_407 : i32
          %get3A_427 = arith.index_cast %add3A_426 : i32 to index
          %get3A_428 = tpu.vector_load %arg9[%get3A_427] {strides = array<i32>} : memref<16384xf32, #tpu.memory_space<vmem>>, vector<16xf32>,
          %add3A_429 = arith.addf %add3A_424, %get3A_428 : vector<16xf32>
          %add3A_430 = arith.constant 5120 : i32
          %add3A_431 = arith.addi %add3A_430, %mul3A_407 : i32
          %get3A_432 = arith.index_cast %add3A_431 : i32 to index
          %get3A_433 = tpu.vector_load %arg9[%get3A_432] {strides = array<i32>} : memref<16384xf32, #tpu.memory_space<vmem>>, vector<16xf32>,
          %add3A_434 = arith.addf %add3A_429, %get3A_433 : vector<16xf32>
          %add3A_435 = arith.constant 6144 : i32
          %add3A_436 = arith.addi %add3A_435, %mul3A_407 : i32
          %get3A_437 = arith.index_cast %add3A_436 : i32 to index
          %get3A_438 = tpu.vector_load %arg9[%get3A_437] {strides = array<i32>} : memref<16384xf32, #tpu.memory_space<vmem>>, vector<16xf32>,
          %add3A_439 = arith.addf %add3A_434, %get3A_438 : vector<16xf32>
          %add3A_440 = arith.constant 7168 : i32
          %add3A_441 = arith.addi %add3A_440, %mul3A_407 : i32
          %get3A_442 = arith.index_cast %add3A_441 : i32 to index
          %get3A_443 = tpu.vector_load %arg9[%get3A_442] {strides = array<i32>} : memref<16384xf32, #tpu.memory_space<vmem>>, vector<16xf32>,
          %add3A_444 = arith.addf %add3A_439, %get3A_443 : vector<16xf32>
          %add3A_445 = arith.constant 8192 : i32
          %add3A_446 = arith.addi %add3A_445, %mul3A_407 : i32
          %get3A_447 = arith.index_cast %add3A_446 : i32 to index
          %get3A_448 = tpu.vector_load %arg9[%get3A_447] {strides = array<i32>} : memref<16384xf32, #tpu.memory_space<vmem>>, vector<16xf32>,
          %add3A_449 = arith.addf %add3A_444, %get3A_448 : vector<16xf32>
          %add3A_450 = arith.constant 9216 : i32
          %add3A_451 = arith.addi %add3A_450, %mul3A_407 : i32
          %get3A_452 = arith.index_cast %add3A_451 : i32 to index
          %get3A_453 = tpu.vector_load %arg9[%get3A_452] {strides = array<i32>} : memref<16384xf32, #tpu.memory_space<vmem>>, vector<16xf32>,
          %add3A_454 = arith.addf %add3A_449, %get3A_453 : vector<16xf32>
          %add3A_455 = arith.constant 10240 : i32
          %add3A_456 = arith.addi %add3A_455, %mul3A_407 : i32
          %get3A_457 = arith.index_cast %add3A_456 : i32 to index
          %get3A_458 = tpu.vector_load %arg9[%get3A_457] {strides = array<i32>} : memref<16384xf32, #tpu.memory_space<vmem>>, vector<16xf32>,
          %add3A_459 = arith.addf %add3A_454, %get3A_458 : vector<16xf32>
          %add3A_460 = arith.constant 11264 : i32
          %add3A_461 = arith.addi %add3A_460, %mul3A_407 : i32
          %get3A_462 = arith.index_cast %add3A_461 : i32 to index
          %get3A_463 = tpu.vector_load %arg9[%get3A_462] {strides = array<i32>} : memref<16384xf32, #tpu.memory_space<vmem>>, vector<16xf32>,
          %add3A_464 = arith.addf %add3A_459, %get3A_463 : vector<16xf32>
          %add3A_465 = arith.constant 12288 : i32
          %add3A_466 = arith.addi %add3A_465, %mul3A_407 : i32
          %get3A_467 = arith.index_cast %add3A_466 : i32 to index
          %get3A_468 = tpu.vector_load %arg9[%get3A_467] {strides = array<i32>} : memref<16384xf32, #tpu.memory_space<vmem>>, vector<16xf32>,
          %add3A_469 = arith.addf %add3A_464, %get3A_468 : vector<16xf32>
          %add3A_470 = arith.constant 13312 : i32
          %add3A_471 = arith.addi %add3A_470, %mul3A_407 : i32
          %get3A_472 = arith.index_cast %add3A_471 : i32 to index
          %get3A_473 = tpu.vector_load %arg9[%get3A_472] {strides = array<i32>} : memref<16384xf32, #tpu.memory_space<vmem>>, vector<16xf32>,
          %add3A_474 = arith.addf %add3A_469, %get3A_473 : vector<16xf32>
          %add3A_475 = arith.constant 14336 : i32
          %add3A_476 = arith.addi %add3A_475, %mul3A_407 : i32
          %get3A_477 = arith.index_cast %add3A_476 : i32 to index
          %get3A_478 = tpu.vector_load %arg9[%get3A_477] {strides = array<i32>} : memref<16384xf32, #tpu.memory_space<vmem>>, vector<16xf32>,
          %add3A_479 = arith.addf %add3A_474, %get3A_478 : vector<16xf32>
          %add3A_480 = arith.constant 15360 : i32
          %add3A_481 = arith.addi %add3A_480, %mul3A_407 : i32
          %get3A_482 = arith.index_cast %add3A_481 : i32 to index
          %get3A_483 = tpu.vector_load %arg9[%get3A_482] {strides = array<i32>} : memref<16384xf32, #tpu.memory_space<vmem>>, vector<16xf32>,
          %add3A_484 = arith.addf %add3A_479, %get3A_483 : vector<16xf32>
          %jit3A_485 = arith.constant 4 : i32
          %eq3A_486 = arith.constant 0 : i32
          %eq3A_487 = arith.cmpi eq, %jit3A_485, %eq3A_486 : i32
          %jit3A_488 = arith.constant 1 : i32
          %select_n3A_489 = arith.select %eq3A_487, %jit3A_488, %jit3A_485 : i32
          %rem3A_490 = arith.remsi %add3A_143, %select_n3A_489 : i32
          %ne3A_491 = arith.constant 0 : i32
          %ne3A_492 = arith.cmpi ne, %rem3A_490, %ne3A_491 : i32
          %lt3A_493 = arith.constant 0 : i32
          %lt3A_494 = arith.cmpi slt, %rem3A_490, %lt3A_493 : i32
          %lt3A_495 = arith.constant 0 : i32
          %lt3A_496 = arith.cmpi slt, %select_n3A_489, %lt3A_495 : i32
          %ne3A_497 = arith.xori %lt3A_494, %lt3A_496 : i1
          %and3A_498 = arith.andi %ne3A_497, %ne3A_492 : i1
          %add3A_499 = arith.addi %rem3A_490, %select_n3A_489 : i32
          %select_n3A_500 = arith.select %and3A_498, %add3A_499, %rem3A_490 : i32
          %mul3A_501 = arith.constant 1024 : i32
          %mul3A_502 = arith.muli %select_n3A_500, %mul3A_501 : i32
          %add3A_503 = arith.addi %mul3A_502, %mul3A_407 : i32
          %swap3A_504 = arith.index_cast %add3A_503 : i32 to index
          %swap3A_505 = tpu.vector_load %arg11[%swap3A_504] {strides = array<i32>} : memref<4096xf32, #tpu.memory_space<vmem>>, vector<16xf32>,
          tpu.vector_store %arg11[%swap3A_504], %add3A_484 {strides = array<i32>} : memref<4096xf32, #tpu.memory_space<vmem>>, vector<16xf32>,
          %ge3A_506 = arith.constant 1 : i32
          %ge3A_507 = arith.cmpi sge, %add3A_143, %ge3A_506 : i32
          %convert_element_type3A_508 = arith.extui %ge3A_507 : i1 to i32
          %cond3A_509 = arith.constant 0 : i32
          %cond3A_510 = arith.cmpi ne, %convert_element_type3A_508, %cond3A_509 : i32
          scf.if %cond3A_510 {
            %sub3A_622 = arith.constant 1 : i32
            %sub3A_623 = arith.subi %add3A_143, %sub3A_622 : i32
            %jit3A_624 = arith.constant 4 : i32
            %eq3A_625 = arith.constant 0 : i32
            %eq3A_626 = arith.cmpi eq, %jit3A_624, %eq3A_625 : i32
            %jit3A_627 = arith.constant 1 : i32
            %select_n3A_628 = arith.select %eq3A_626, %jit3A_627, %jit3A_624 : i32
            %rem3A_629 = arith.remsi %sub3A_623, %select_n3A_628 : i32
            %ne3A_630 = arith.constant 0 : i32
            %ne3A_631 = arith.cmpi ne, %rem3A_629, %ne3A_630 : i32
            %lt3A_632 = arith.constant 0 : i32
            %lt3A_633 = arith.cmpi slt, %rem3A_629, %lt3A_632 : i32
            %lt3A_634 = arith.constant 0 : i32
            %lt3A_635 = arith.cmpi slt, %select_n3A_628, %lt3A_634 : i32
            %ne3A_636 = arith.xori %lt3A_633, %lt3A_635 : i1
            %and3A_637 = arith.andi %ne3A_636, %ne3A_631 : i1
            %add3A_638 = arith.addi %rem3A_629, %select_n3A_628 : i32
            %select_n3A_639 = arith.select %and3A_637, %add3A_638, %rem3A_629 : i32
            %mul3A_640 = arith.constant 1024 : i32
            %mul3A_641 = arith.muli %select_n3A_639, %mul3A_640 : i32
            %add3A_642 = arith.addi %mul3A_641, %mul3A_407 : i32
            %get3A_643 = arith.index_cast %add3A_642 : i32 to index
            %get3A_644 = tpu.vector_load %arg11[%get3A_643] {strides = array<i32>} : memref<4096xf32, #tpu.memory_space<vmem>>, vector<16xf32>,
            %add3A_645 = arith.addf %get3A_644, %add3A_484 : vector<16xf32>
            %mul3A_646 = arith.constant 3.125000e-02 : f32
            %mul3A_647 = vector.broadcast %mul3A_646 : f32 to vector<16xf32>
            %mul3A_648 = arith.mulf %add3A_645, %mul3A_647 : vector<16xf32>
            %swap3A_649 = arith.constant 2 : i32
            %swap3A_650 = arith.index_cast %swap3A_649 : i32 to index
            %swap3A_651 = arith.index_cast %mul3A_407 : i32 to index
            %swap3A_652 = tpu.vector_load %arg12[%swap3A_650, %swap3A_651] {strides = array<i32>} : memref<4x1024xf32, #tpu.memory_space<vmem>>, vector<16xf32>,
            tpu.vector_store %arg12[%swap3A_650, %swap3A_651], %mul3A_648 {strides = array<i32>} : memref<4x1024xf32, #tpu.memory_space<vmem>>, vector<16xf32>,
          } else {
          }
          %scan3A_511 = arith.constant 3 : i32
          %scan3A_512 = arith.addi %scan3A_181, %scan3A_511 : i32
          %mul3A_513 = arith.constant 1 : i32
          %mul3A_514 = arith.muli %scan3A_512, %mul3A_513 : i32
          %add3A_515 = arith.constant 0 : i32
          %add3A_516 = arith.addi %add3A_515, %mul3A_514 : i32
          %mul3A_517 = arith.constant 16 : i32
          %mul3A_518 = arith.muli %add3A_516, %mul3A_517 : i32
          %get3A_519 = arith.index_cast %mul3A_518 : i32 to index
          %get3A_520 = tpu.vector_load %arg9[%get3A_519] {strides = array<i32>} : memref<16384xf32, #tpu.memory_space<vmem>>, vector<16xf32>,
          %add3A_521 = arith.constant 1024 : i32
          %add3A_522 = arith.addi %add3A_521, %mul3A_518 : i32
          %get3A_523 = arith.index_cast %add3A_522 : i32 to index
          %get3A_524 = tpu.vector_load %arg9[%get3A_523] {strides = array<i32>} : memref<16384xf32, #tpu.memory_space<vmem>>, vector<16xf32>,
          %add3A_525 = arith.addf %get3A_520, %get3A_524 : vector<16xf32>
          %add3A_526 = arith.constant 2048 : i32
          %add3A_527 = arith.addi %add3A_526, %mul3A_518 : i32
          %get3A_528 = arith.index_cast %add3A_527 : i32 to index
          %get3A_529 = tpu.vector_load %arg9[%get3A_528] {strides = array<i32>} : memref<16384xf32, #tpu.memory_space<vmem>>, vector<16xf32>,
          %add3A_530 = arith.addf %add3A_525, %get3A_529 : vector<16xf32>
          %add3A_531 = arith.constant 3072 : i32
          %add3A_532 = arith.addi %add3A_531, %mul3A_518 : i32
          %get3A_533 = arith.index_cast %add3A_532 : i32 to index
          %get3A_534 = tpu.vector_load %arg9[%get3A_533] {strides = array<i32>} : memref<16384xf32, #tpu.memory_space<vmem>>, vector<16xf32>,
          %add3A_535 = arith.addf %add3A_530, %get3A_534 : vector<16xf32>
          %add3A_536 = arith.constant 4096 : i32
          %add3A_537 = arith.addi %add3A_536, %mul3A_518 : i32
          %get3A_538 = arith.index_cast %add3A_537 : i32 to index
          %get3A_539 = tpu.vector_load %arg9[%get3A_538] {strides = array<i32>} : memref<16384xf32, #tpu.memory_space<vmem>>, vector<16xf32>,
          %add3A_540 = arith.addf %add3A_535, %get3A_539 : vector<16xf32>
          %add3A_541 = arith.constant 5120 : i32
          %add3A_542 = arith.addi %add3A_541, %mul3A_518 : i32
          %get3A_543 = arith.index_cast %add3A_542 : i32 to index
          %get3A_544 = tpu.vector_load %arg9[%get3A_543] {strides = array<i32>} : memref<16384xf32, #tpu.memory_space<vmem>>, vector<16xf32>,
          %add3A_545 = arith.addf %add3A_540, %get3A_544 : vector<16xf32>
          %add3A_546 = arith.constant 6144 : i32
          %add3A_547 = arith.addi %add3A_546, %mul3A_518 : i32
          %get3A_548 = arith.index_cast %add3A_547 : i32 to index
          %get3A_549 = tpu.vector_load %arg9[%get3A_548] {strides = array<i32>} : memref<16384xf32, #tpu.memory_space<vmem>>, vector<16xf32>,
          %add3A_550 = arith.addf %add3A_545, %get3A_549 : vector<16xf32>
          %add3A_551 = arith.constant 7168 : i32
          %add3A_552 = arith.addi %add3A_551, %mul3A_518 : i32
          %get3A_553 = arith.index_cast %add3A_552 : i32 to index
          %get3A_554 = tpu.vector_load %arg9[%get3A_553] {strides = array<i32>} : memref<16384xf32, #tpu.memory_space<vmem>>, vector<16xf32>,
          %add3A_555 = arith.addf %add3A_550, %get3A_554 : vector<16xf32>
          %add3A_556 = arith.constant 8192 : i32
          %add3A_557 = arith.addi %add3A_556, %mul3A_518 : i32
          %get3A_558 = arith.index_cast %add3A_557 : i32 to index
          %get3A_559 = tpu.vector_load %arg9[%get3A_558] {strides = array<i32>} : memref<16384xf32, #tpu.memory_space<vmem>>, vector<16xf32>,
          %add3A_560 = arith.addf %add3A_555, %get3A_559 : vector<16xf32>
          %add3A_561 = arith.constant 9216 : i32
          %add3A_562 = arith.addi %add3A_561, %mul3A_518 : i32
          %get3A_563 = arith.index_cast %add3A_562 : i32 to index
          %get3A_564 = tpu.vector_load %arg9[%get3A_563] {strides = array<i32>} : memref<16384xf32, #tpu.memory_space<vmem>>, vector<16xf32>,
          %add3A_565 = arith.addf %add3A_560, %get3A_564 : vector<16xf32>
          %add3A_566 = arith.constant 10240 : i32
          %add3A_567 = arith.addi %add3A_566, %mul3A_518 : i32
          %get3A_568 = arith.index_cast %add3A_567 : i32 to index
          %get3A_569 = tpu.vector_load %arg9[%get3A_568] {strides = array<i32>} : memref<16384xf32, #tpu.memory_space<vmem>>, vector<16xf32>,
          %add3A_570 = arith.addf %add3A_565, %get3A_569 : vector<16xf32>
          %add3A_571 = arith.constant 11264 : i32
          %add3A_572 = arith.addi %add3A_571, %mul3A_518 : i32
          %get3A_573 = arith.index_cast %add3A_572 : i32 to index
          %get3A_574 = tpu.vector_load %arg9[%get3A_573] {strides = array<i32>} : memref<16384xf32, #tpu.memory_space<vmem>>, vector<16xf32>,
          %add3A_575 = arith.addf %add3A_570, %get3A_574 : vector<16xf32>
          %add3A_576 = arith.constant 12288 : i32
          %add3A_577 = arith.addi %add3A_576, %mul3A_518 : i32
          %get3A_578 = arith.index_cast %add3A_577 : i32 to index
          %get3A_579 = tpu.vector_load %arg9[%get3A_578] {strides = array<i32>} : memref<16384xf32, #tpu.memory_space<vmem>>, vector<16xf32>,
          %add3A_580 = arith.addf %add3A_575, %get3A_579 : vector<16xf32>
          %add3A_581 = arith.constant 13312 : i32
          %add3A_582 = arith.addi %add3A_581, %mul3A_518 : i32
          %get3A_583 = arith.index_cast %add3A_582 : i32 to index
          %get3A_584 = tpu.vector_load %arg9[%get3A_583] {strides = array<i32>} : memref<16384xf32, #tpu.memory_space<vmem>>, vector<16xf32>,
          %add3A_585 = arith.addf %add3A_580, %get3A_584 : vector<16xf32>
          %add3A_586 = arith.constant 14336 : i32
          %add3A_587 = arith.addi %add3A_586, %mul3A_518 : i32
          %get3A_588 = arith.index_cast %add3A_587 : i32 to index
          %get3A_589 = tpu.vector_load %arg9[%get3A_588] {strides = array<i32>} : memref<16384xf32, #tpu.memory_space<vmem>>, vector<16xf32>,
          %add3A_590 = arith.addf %add3A_585, %get3A_589 : vector<16xf32>
          %add3A_591 = arith.constant 15360 : i32
          %add3A_592 = arith.addi %add3A_591, %mul3A_518 : i32
          %get3A_593 = arith.index_cast %add3A_592 : i32 to index
          %get3A_594 = tpu.vector_load %arg9[%get3A_593] {strides = array<i32>} : memref<16384xf32, #tpu.memory_space<vmem>>, vector<16xf32>,
          %add3A_595 = arith.addf %add3A_590, %get3A_594 : vector<16xf32>
          %jit3A_596 = arith.constant 4 : i32
          %eq3A_597 = arith.constant 0 : i32
          %eq3A_598 = arith.cmpi eq, %jit3A_596, %eq3A_597 : i32
          %jit3A_599 = arith.constant 1 : i32
          %select_n3A_600 = arith.select %eq3A_598, %jit3A_599, %jit3A_596 : i32
          %rem3A_601 = arith.remsi %add3A_143, %select_n3A_600 : i32
          %ne3A_602 = arith.constant 0 : i32
          %ne3A_603 = arith.cmpi ne, %rem3A_601, %ne3A_602 : i32
          %lt3A_604 = arith.constant 0 : i32
          %lt3A_605 = arith.cmpi slt, %rem3A_601, %lt3A_604 : i32
          %lt3A_606 = arith.constant 0 : i32
          %lt3A_607 = arith.cmpi slt, %select_n3A_600, %lt3A_606 : i32
          %ne3A_608 = arith.xori %lt3A_605, %lt3A_607 : i1
          %and3A_609 = arith.andi %ne3A_608, %ne3A_603 : i1
          %add3A_610 = arith.addi %rem3A_601, %select_n3A_600 : i32
          %select_n3A_611 = arith.select %and3A_609, %add3A_610, %rem3A_601 : i32
          %mul3A_612 = arith.constant 1024 : i32
          %mul3A_613 = arith.muli %select_n3A_611, %mul3A_612 : i32
          %add3A_614 = arith.addi %mul3A_613, %mul3A_518 : i32
          %swap3A_615 = arith.index_cast %add3A_614 : i32 to index
          %swap3A_616 = tpu.vector_load %arg11[%swap3A_615] {strides = array<i32>} : memref<4096xf32, #tpu.memory_space<vmem>>, vector<16xf32>,
          tpu.vector_store %arg11[%swap3A_615], %add3A_595 {strides = array<i32>} : memref<4096xf32, #tpu.memory_space<vmem>>, vector<16xf32>,
          %ge3A_617 = arith.constant 1 : i32
          %ge3A_618 = arith.cmpi sge, %add3A_143, %ge3A_617 : i32
          %convert_element_type3A_619 = arith.extui %ge3A_618 : i1 to i32
          %cond3A_620 = arith.constant 0 : i32
          %cond3A_621 = arith.cmpi ne, %convert_element_type3A_619, %cond3A_620 : i32
          scf.if %cond3A_621 {
            %sub3A_622 = arith.constant 1 : i32
            %sub3A_623 = arith.subi %add3A_143, %sub3A_622 : i32
            %jit3A_624 = arith.constant 4 : i32
            %eq3A_625 = arith.constant 0 : i32
            %eq3A_626 = arith.cmpi eq, %jit3A_624, %eq3A_625 : i32
            %jit3A_627 = arith.constant 1 : i32
            %select_n3A_628 = arith.select %eq3A_626, %jit3A_627, %jit3A_624 : i32
            %rem3A_629 = arith.remsi %sub3A_623, %select_n3A_628 : i32
            %ne3A_630 = arith.constant 0 : i32
            %ne3A_631 = arith.cmpi ne, %rem3A_629, %ne3A_630 : i32
            %lt3A_632 = arith.constant 0 : i32
            %lt3A_633 = arith.cmpi slt, %rem3A_629, %lt3A_632 : i32
            %lt3A_634 = arith.constant 0 : i32
            %lt3A_635 = arith.cmpi slt, %select_n3A_628, %lt3A_634 : i32
            %ne3A_636 = arith.xori %lt3A_633, %lt3A_635 : i1
            %and3A_637 = arith.andi %ne3A_636, %ne3A_631 : i1
            %add3A_638 = arith.addi %rem3A_629, %select_n3A_628 : i32
            %select_n3A_639 = arith.select %and3A_637, %add3A_638, %rem3A_629 : i32
            %mul3A_640 = arith.constant 1024 : i32
            %mul3A_641 = arith.muli %select_n3A_639, %mul3A_640 : i32
            %add3A_642 = arith.addi %mul3A_641, %mul3A_518 : i32
            %get3A_643 = arith.index_cast %add3A_642 : i32 to index
            %get3A_644 = tpu.vector_load %arg11[%get3A_643] {strides = array<i32>} : memref<4096xf32, #tpu.memory_space<vmem>>, vector<16xf32>,
            %add3A_645 = arith.addf %get3A_644, %add3A_595 : vector<16xf32>
            %mul3A_646 = arith.constant 3.125000e-02 : f32
            %mul3A_647 = vector.broadcast %mul3A_646 : f32 to vector<16xf32>
            %mul3A_648 = arith.mulf %add3A_645, %mul3A_647 : vector<16xf32>
            %swap3A_649 = arith.constant 2 : i32
            %swap3A_650 = arith.index_cast %swap3A_649 : i32 to index
            %swap3A_651 = arith.index_cast %mul3A_518 : i32 to index
            %swap3A_652 = tpu.vector_load %arg12[%swap3A_650, %swap3A_651] {strides = array<i32>} : memref<4x1024xf32, #tpu.memory_space<vmem>>, vector<16xf32>,
            tpu.vector_store %arg12[%swap3A_650, %swap3A_651], %mul3A_648 {strides = array<i32>} : memref<4x1024xf32, #tpu.memory_space<vmem>>, vector<16xf32>,
          } else {
          }
        }
        %scan3A_169 = arith.constant 64 : i32
        %ge3A_170 = arith.constant 1 : i32
        %ge3A_171 = arith.cmpi sge, %add3A_143, %ge3A_170 : i32
        %convert_element_type3A_172 = arith.extui %ge3A_171 : i1 to i32
        %cond3A_173 = arith.constant 0 : i32
        %cond3A_174 = arith.cmpi ne, %convert_element_type3A_172, %cond3A_173 : i32
        scf.if %cond3A_174 {
          %add3A_181 = arith.addi %add3A_40, %add3A_143 : i32
          %sub3A_182 = arith.constant 1 : i32
          %sub3A_183 = arith.subi %add3A_181, %sub3A_182 : i32
          %mul3A_184 = arith.constant 1024 : i32
          %mul3A_185 = arith.muli %sub3A_183, %mul3A_184 : i32
          %dma_start3A_186 = arith.constant 2 : i32
          %dma_start3A_187 = arith.constant 0 : i32
          %dma_start3A_188 = tpu.memref_slice %arg12[%dma_start3A_186, %dma_start3A_187] : memref<4x1024xf32, #tpu.memory_space<vmem>> -> memref<1x1024xf32, #tpu.memory_space<vmem>>
          %dma_start3A_189 = tpu.memref_squeeze %dma_start3A_188 : memref<1x1024xf32, #tpu.memory_space<vmem>> -> memref<1024xf32, #tpu.memory_space<vmem>>
          %dma_start3A_190 = tpu.memref_slice %arg5[%mul3A_185] : memref<260096xf32, #tpu.memory_space<hbm>> -> memref<1024xf32, #tpu.memory_space<hbm>>
          %dma_start3A_191 = tpu.memref_slice %arg5[%mul3A_185] : memref<260096xf32, #tpu.memory_space<hbm>> -> memref<1024xf32, #tpu.memory_space<hbm>>
          %dma_start3A_192 = arith.constant 0 : i32
          %dma_start3A_193 = tpu.memref_slice %arg12[%dma_start3A_186, %dma_start3A_192] : memref<4x1024xf32, #tpu.memory_space<vmem>> -> memref<1x1024xf32, #tpu.memory_space<vmem>>
          %dma_start3A_194 = tpu.memref_squeeze %dma_start3A_193 : memref<1x1024xf32, #tpu.memory_space<vmem>> -> memref<1024xf32, #tpu.memory_space<vmem>>
          tpu.enqueue_dma source(%dma_start3A_194 : memref<1024xf32, #tpu.memory_space<vmem>>) target(%dma_start3A_191 : memref<1024xf32, #tpu.memory_space<hbm>>) target_semaphore(%arg21 : memref<!tpu.dma_semaphore, #tpu.memory_space<semaphore_mem>>)
        } else {
        }
        %add3A_175 = arith.constant 4 : i32
        %add3A_176 = arith.addi %add3A_143, %add3A_175 : i32
        %lt3A_177 = arith.cmpi slt, %add3A_176, %sub3A_44 : i32
        %convert_element_type3A_178 = arith.extui %lt3A_177 : i1 to i32
        %cond3A_179 = arith.constant 0 : i32
        %cond3A_180 = arith.cmpi ne, %convert_element_type3A_178, %cond3A_179 : i32
        scf.if %cond3A_180 {
          %add3A_181 = arith.constant 4 : i32
          %add3A_182 = arith.addi %add3A_143, %add3A_181 : i32
          %add3A_183 = arith.addi %add3A_35, %add3A_182 : i32
          %mul3A_184 = arith.constant 16384 : i32
          %mul3A_185 = arith.muli %add3A_183, %mul3A_184 : i32
          %dma_start3A_186 = tpu.memref_slice %arg2[%mul3A_185] : memref<33554432xf32, #tpu.memory_space<hbm>> -> memref<16384xf32, #tpu.memory_space<hbm>>
          %dma_start3A_187 = tpu.memref_slice %arg2[%mul3A_185] : memref<33554432xf32, #tpu.memory_space<hbm>> -> memref<16384xf32, #tpu.memory_space<hbm>>
          tpu.enqueue_dma source(%dma_start3A_187 : memref<16384xf32, #tpu.memory_space<hbm>>) target(%arg9 : memref<16384xf32, #tpu.memory_space<vmem>>) target_semaphore(%arg17 : memref<!tpu.dma_semaphore, #tpu.memory_space<semaphore_mem>>)
        } else {
        }
      } else {
      }
      %mul3A_148 = arith.constant 4 : i32
      %mul3A_149 = arith.muli %add3A_123, %mul3A_148 : i32
      %add3A_150 = arith.constant 3 : i32
      %add3A_151 = arith.addi %mul3A_149, %add3A_150 : i32
      %lt3A_152 = arith.cmpi slt, %add3A_151, %sub3A_44 : i32
      %convert_element_type3A_153 = arith.extui %lt3A_152 : i1 to i32
      %cond3A_154 = arith.constant 0 : i32
      %cond3A_155 = arith.cmpi ne, %convert_element_type3A_153, %cond3A_154 : i32
      scf.if %cond3A_155 {
        %add3A_156 = arith.addi %add3A_35, %add3A_151 : i32
        %mul3A_157 = arith.constant 16384 : i32
        %mul3A_158 = arith.muli %add3A_156, %mul3A_157 : i32
        %dma_wait3A_159 = tpu.memref_slice %arg2[%mul3A_158] : memref<33554432xf32, #tpu.memory_space<hbm>> -> memref<16384xf32, #tpu.memory_space<hbm>>
        %dma_wait3A_160 = tpu.memref_slice %arg2[%mul3A_158] : memref<33554432xf32, #tpu.memory_space<hbm>> -> memref<16384xf32, #tpu.memory_space<hbm>>
        tpu.wait_dma2 semaphore(%arg18 : memref<!tpu.dma_semaphore, #tpu.memory_space<semaphore_mem>>) src(%dma_wait3A_160 : memref<16384xf32, #tpu.memory_space<hbm>>) dst(%arg10 : memref<16384xf32, #tpu.memory_space<vmem>>)
        %ge3A = arith.constant 5 : i32
        %ge3A_161 = arith.cmpi sge, %add3A_151, %ge3A : i32
        %convert_element_type3A_162 = arith.extui %ge3A_161 : i1 to i32
        %cond3A_163 = arith.constant 0 : i32
        %cond3A_164 = arith.cmpi ne, %convert_element_type3A_162, %cond3A_163 : i32
        scf.if %cond3A_164 {
          %dma_wait3A_181 = arith.constant 3 : i32
          %dma_wait3A_182 = arith.constant 0 : i32
          %dma_wait3A_183 = tpu.memref_slice %arg12[%dma_wait3A_181, %dma_wait3A_182] : memref<4x1024xf32, #tpu.memory_space<vmem>> -> memref<1x1024xf32, #tpu.memory_space<vmem>>
          %dma_wait3A_184 = tpu.memref_squeeze %dma_wait3A_183 : memref<1x1024xf32, #tpu.memory_space<vmem>> -> memref<1024xf32, #tpu.memory_space<vmem>>
          %dma_wait3A_185 = arith.constant 0 : i32
          %dma_wait3A_186 = tpu.memref_slice %arg5[%dma_wait3A_185] : memref<260096xf32, #tpu.memory_space<hbm>> -> memref<1024xf32, #tpu.memory_space<hbm>>
          %dma_wait3A_187 = arith.constant 0 : i32
          %dma_wait3A_188 = tpu.memref_slice %arg5[%dma_wait3A_187] : memref<260096xf32, #tpu.memory_space<hbm>> -> memref<1024xf32, #tpu.memory_space<hbm>>
          %dma_wait3A_189 = arith.constant 0 : i32
          %dma_wait3A_190 = tpu.memref_slice %arg12[%dma_wait3A_181, %dma_wait3A_189] : memref<4x1024xf32, #tpu.memory_space<vmem>> -> memref<1x1024xf32, #tpu.memory_space<vmem>>
          %dma_wait3A_191 = tpu.memref_squeeze %dma_wait3A_190 : memref<1x1024xf32, #tpu.memory_space<vmem>> -> memref<1024xf32, #tpu.memory_space<vmem>>
          tpu.wait_dma2 semaphore(%arg22 : memref<!tpu.dma_semaphore, #tpu.memory_space<semaphore_mem>>) src(%dma_wait3A_191 : memref<1024xf32, #tpu.memory_space<vmem>>) dst(%dma_wait3A_188 : memref<1024xf32, #tpu.memory_space<hbm>>)
        } else {
        }
        %scan3A_165 = arith.constant 0 : i32
        %scan3A_166 = arith.constant 64 : i32
        %scan3A_167 = arith.addi %scan3A_165, %scan3A_166 : i32
        %scan3A_168 = arith.constant 4 : i32
        scf.for %scan3A_181 = %scan3A_165 to %scan3A_167 step %scan3A_168  : i32 {
          %mul3A_182 = arith.constant 1 : i32
          %mul3A_183 = arith.muli %scan3A_181, %mul3A_182 : i32
          %add3A_184 = arith.constant 0 : i32
          %add3A_185 = arith.addi %add3A_184, %mul3A_183 : i32
          %mul3A_186 = arith.constant 16 : i32
          %mul3A_187 = arith.muli %add3A_185, %mul3A_186 : i32
          %get3A = arith.index_cast %mul3A_187 : i32 to index
          %get3A_188 = tpu.vector_load %arg10[%get3A] {strides = array<i32>} : memref<16384xf32, #tpu.memory_space<vmem>>, vector<16xf32>,
          %add3A_189 = arith.constant 1024 : i32
          %add3A_190 = arith.addi %add3A_189, %mul3A_187 : i32
          %get3A_191 = arith.index_cast %add3A_190 : i32 to index
          %get3A_192 = tpu.vector_load %arg10[%get3A_191] {strides = array<i32>} : memref<16384xf32, #tpu.memory_space<vmem>>, vector<16xf32>,
          %add3A_193 = arith.addf %get3A_188, %get3A_192 : vector<16xf32>
          %add3A_194 = arith.constant 2048 : i32
          %add3A_195 = arith.addi %add3A_194, %mul3A_187 : i32
          %get3A_196 = arith.index_cast %add3A_195 : i32 to index
          %get3A_197 = tpu.vector_load %arg10[%get3A_196] {strides = array<i32>} : memref<16384xf32, #tpu.memory_space<vmem>>, vector<16xf32>,
          %add3A_198 = arith.addf %add3A_193, %get3A_197 : vector<16xf32>
          %add3A_199 = arith.constant 3072 : i32
          %add3A_200 = arith.addi %add3A_199, %mul3A_187 : i32
          %get3A_201 = arith.index_cast %add3A_200 : i32 to index
          %get3A_202 = tpu.vector_load %arg10[%get3A_201] {strides = array<i32>} : memref<16384xf32, #tpu.memory_space<vmem>>, vector<16xf32>,
          %add3A_203 = arith.addf %add3A_198, %get3A_202 : vector<16xf32>
          %add3A_204 = arith.constant 4096 : i32
          %add3A_205 = arith.addi %add3A_204, %mul3A_187 : i32
          %get3A_206 = arith.index_cast %add3A_205 : i32 to index
          %get3A_207 = tpu.vector_load %arg10[%get3A_206] {strides = array<i32>} : memref<16384xf32, #tpu.memory_space<vmem>>, vector<16xf32>,
          %add3A_208 = arith.addf %add3A_203, %get3A_207 : vector<16xf32>
          %add3A_209 = arith.constant 5120 : i32
          %add3A_210 = arith.addi %add3A_209, %mul3A_187 : i32
          %get3A_211 = arith.index_cast %add3A_210 : i32 to index
          %get3A_212 = tpu.vector_load %arg10[%get3A_211] {strides = array<i32>} : memref<16384xf32, #tpu.memory_space<vmem>>, vector<16xf32>,
          %add3A_213 = arith.addf %add3A_208, %get3A_212 : vector<16xf32>
          %add3A_214 = arith.constant 6144 : i32
          %add3A_215 = arith.addi %add3A_214, %mul3A_187 : i32
          %get3A_216 = arith.index_cast %add3A_215 : i32 to index
          %get3A_217 = tpu.vector_load %arg10[%get3A_216] {strides = array<i32>} : memref<16384xf32, #tpu.memory_space<vmem>>, vector<16xf32>,
          %add3A_218 = arith.addf %add3A_213, %get3A_217 : vector<16xf32>
          %add3A_219 = arith.constant 7168 : i32
          %add3A_220 = arith.addi %add3A_219, %mul3A_187 : i32
          %get3A_221 = arith.index_cast %add3A_220 : i32 to index
          %get3A_222 = tpu.vector_load %arg10[%get3A_221] {strides = array<i32>} : memref<16384xf32, #tpu.memory_space<vmem>>, vector<16xf32>,
          %add3A_223 = arith.addf %add3A_218, %get3A_222 : vector<16xf32>
          %add3A_224 = arith.constant 8192 : i32
          %add3A_225 = arith.addi %add3A_224, %mul3A_187 : i32
          %get3A_226 = arith.index_cast %add3A_225 : i32 to index
          %get3A_227 = tpu.vector_load %arg10[%get3A_226] {strides = array<i32>} : memref<16384xf32, #tpu.memory_space<vmem>>, vector<16xf32>,
          %add3A_228 = arith.addf %add3A_223, %get3A_227 : vector<16xf32>
          %add3A_229 = arith.constant 9216 : i32
          %add3A_230 = arith.addi %add3A_229, %mul3A_187 : i32
          %get3A_231 = arith.index_cast %add3A_230 : i32 to index
          %get3A_232 = tpu.vector_load %arg10[%get3A_231] {strides = array<i32>} : memref<16384xf32, #tpu.memory_space<vmem>>, vector<16xf32>,
          %add3A_233 = arith.addf %add3A_228, %get3A_232 : vector<16xf32>
          %add3A_234 = arith.constant 10240 : i32
          %add3A_235 = arith.addi %add3A_234, %mul3A_187 : i32
          %get3A_236 = arith.index_cast %add3A_235 : i32 to index
          %get3A_237 = tpu.vector_load %arg10[%get3A_236] {strides = array<i32>} : memref<16384xf32, #tpu.memory_space<vmem>>, vector<16xf32>,
          %add3A_238 = arith.addf %add3A_233, %get3A_237 : vector<16xf32>
          %add3A_239 = arith.constant 11264 : i32
          %add3A_240 = arith.addi %add3A_239, %mul3A_187 : i32
          %get3A_241 = arith.index_cast %add3A_240 : i32 to index
          %get3A_242 = tpu.vector_load %arg10[%get3A_241] {strides = array<i32>} : memref<16384xf32, #tpu.memory_space<vmem>>, vector<16xf32>,
          %add3A_243 = arith.addf %add3A_238, %get3A_242 : vector<16xf32>
          %add3A_244 = arith.constant 12288 : i32
          %add3A_245 = arith.addi %add3A_244, %mul3A_187 : i32
          %get3A_246 = arith.index_cast %add3A_245 : i32 to index
          %get3A_247 = tpu.vector_load %arg10[%get3A_246] {strides = array<i32>} : memref<16384xf32, #tpu.memory_space<vmem>>, vector<16xf32>,
          %add3A_248 = arith.addf %add3A_243, %get3A_247 : vector<16xf32>
          %add3A_249 = arith.constant 13312 : i32
          %add3A_250 = arith.addi %add3A_249, %mul3A_187 : i32
          %get3A_251 = arith.index_cast %add3A_250 : i32 to index
          %get3A_252 = tpu.vector_load %arg10[%get3A_251] {strides = array<i32>} : memref<16384xf32, #tpu.memory_space<vmem>>, vector<16xf32>,
          %add3A_253 = arith.addf %add3A_248, %get3A_252 : vector<16xf32>
          %add3A_254 = arith.constant 14336 : i32
          %add3A_255 = arith.addi %add3A_254, %mul3A_187 : i32
          %get3A_256 = arith.index_cast %add3A_255 : i32 to index
          %get3A_257 = tpu.vector_load %arg10[%get3A_256] {strides = array<i32>} : memref<16384xf32, #tpu.memory_space<vmem>>, vector<16xf32>,
          %add3A_258 = arith.addf %add3A_253, %get3A_257 : vector<16xf32>
          %add3A_259 = arith.constant 15360 : i32
          %add3A_260 = arith.addi %add3A_259, %mul3A_187 : i32
          %get3A_261 = arith.index_cast %add3A_260 : i32 to index
          %get3A_262 = tpu.vector_load %arg10[%get3A_261] {strides = array<i32>} : memref<16384xf32, #tpu.memory_space<vmem>>, vector<16xf32>,
          %add3A_263 = arith.addf %add3A_258, %get3A_262 : vector<16xf32>
          %jit3A_264 = arith.constant 4 : i32
          %eq3A_265 = arith.constant 0 : i32
          %eq3A_266 = arith.cmpi eq, %jit3A_264, %eq3A_265 : i32
          %jit3A_267 = arith.constant 1 : i32
          %select_n3A_268 = arith.select %eq3A_266, %jit3A_267, %jit3A_264 : i32
          %rem3A_269 = arith.remsi %add3A_151, %select_n3A_268 : i32
          %ne3A_270 = arith.constant 0 : i32
          %ne3A_271 = arith.cmpi ne, %rem3A_269, %ne3A_270 : i32
          %lt3A_272 = arith.constant 0 : i32
          %lt3A_273 = arith.cmpi slt, %rem3A_269, %lt3A_272 : i32
          %lt3A_274 = arith.constant 0 : i32
          %lt3A_275 = arith.cmpi slt, %select_n3A_268, %lt3A_274 : i32
          %ne3A_276 = arith.xori %lt3A_273, %lt3A_275 : i1
          %and3A_277 = arith.andi %ne3A_276, %ne3A_271 : i1
          %add3A_278 = arith.addi %rem3A_269, %select_n3A_268 : i32
          %select_n3A_279 = arith.select %and3A_277, %add3A_278, %rem3A_269 : i32
          %mul3A_280 = arith.constant 1024 : i32
          %mul3A_281 = arith.muli %select_n3A_279, %mul3A_280 : i32
          %add3A_282 = arith.addi %mul3A_281, %mul3A_187 : i32
          %swap3A = arith.index_cast %add3A_282 : i32 to index
          %swap3A_283 = tpu.vector_load %arg11[%swap3A] {strides = array<i32>} : memref<4096xf32, #tpu.memory_space<vmem>>, vector<16xf32>,
          tpu.vector_store %arg11[%swap3A], %add3A_263 {strides = array<i32>} : memref<4096xf32, #tpu.memory_space<vmem>>, vector<16xf32>,
          %ge3A_284 = arith.constant 1 : i32
          %ge3A_285 = arith.cmpi sge, %add3A_151, %ge3A_284 : i32
          %convert_element_type3A_286 = arith.extui %ge3A_285 : i1 to i32
          %cond3A_287 = arith.constant 0 : i32
          %cond3A_288 = arith.cmpi ne, %convert_element_type3A_286, %cond3A_287 : i32
          scf.if %cond3A_288 {
            %sub3A_622 = arith.constant 1 : i32
            %sub3A_623 = arith.subi %add3A_151, %sub3A_622 : i32
            %jit3A_624 = arith.constant 4 : i32
            %eq3A_625 = arith.constant 0 : i32
            %eq3A_626 = arith.cmpi eq, %jit3A_624, %eq3A_625 : i32
            %jit3A_627 = arith.constant 1 : i32
            %select_n3A_628 = arith.select %eq3A_626, %jit3A_627, %jit3A_624 : i32
            %rem3A_629 = arith.remsi %sub3A_623, %select_n3A_628 : i32
            %ne3A_630 = arith.constant 0 : i32
            %ne3A_631 = arith.cmpi ne, %rem3A_629, %ne3A_630 : i32
            %lt3A_632 = arith.constant 0 : i32
            %lt3A_633 = arith.cmpi slt, %rem3A_629, %lt3A_632 : i32
            %lt3A_634 = arith.constant 0 : i32
            %lt3A_635 = arith.cmpi slt, %select_n3A_628, %lt3A_634 : i32
            %ne3A_636 = arith.xori %lt3A_633, %lt3A_635 : i1
            %and3A_637 = arith.andi %ne3A_636, %ne3A_631 : i1
            %add3A_638 = arith.addi %rem3A_629, %select_n3A_628 : i32
            %select_n3A_639 = arith.select %and3A_637, %add3A_638, %rem3A_629 : i32
            %mul3A_640 = arith.constant 1024 : i32
            %mul3A_641 = arith.muli %select_n3A_639, %mul3A_640 : i32
            %add3A_642 = arith.addi %mul3A_641, %mul3A_187 : i32
            %get3A_643 = arith.index_cast %add3A_642 : i32 to index
            %get3A_644 = tpu.vector_load %arg11[%get3A_643] {strides = array<i32>} : memref<4096xf32, #tpu.memory_space<vmem>>, vector<16xf32>,
            %add3A_645 = arith.addf %get3A_644, %add3A_263 : vector<16xf32>
            %mul3A_646 = arith.constant 3.125000e-02 : f32
            %mul3A_647 = vector.broadcast %mul3A_646 : f32 to vector<16xf32>
            %mul3A_648 = arith.mulf %add3A_645, %mul3A_647 : vector<16xf32>
            %swap3A_649 = arith.constant 3 : i32
            %swap3A_650 = arith.index_cast %swap3A_649 : i32 to index
            %swap3A_651 = arith.index_cast %mul3A_187 : i32 to index
            %swap3A_652 = tpu.vector_load %arg12[%swap3A_650, %swap3A_651] {strides = array<i32>} : memref<4x1024xf32, #tpu.memory_space<vmem>>, vector<16xf32>,
            tpu.vector_store %arg12[%swap3A_650, %swap3A_651], %mul3A_648 {strides = array<i32>} : memref<4x1024xf32, #tpu.memory_space<vmem>>, vector<16xf32>,
          } else {
          }
          %scan3A_289 = arith.constant 1 : i32
          %scan3A_290 = arith.addi %scan3A_181, %scan3A_289 : i32
          %mul3A_291 = arith.constant 1 : i32
          %mul3A_292 = arith.muli %scan3A_290, %mul3A_291 : i32
          %add3A_293 = arith.constant 0 : i32
          %add3A_294 = arith.addi %add3A_293, %mul3A_292 : i32
          %mul3A_295 = arith.constant 16 : i32
          %mul3A_296 = arith.muli %add3A_294, %mul3A_295 : i32
          %get3A_297 = arith.index_cast %mul3A_296 : i32 to index
          %get3A_298 = tpu.vector_load %arg10[%get3A_297] {strides = array<i32>} : memref<16384xf32, #tpu.memory_space<vmem>>, vector<16xf32>,
          %add3A_299 = arith.constant 1024 : i32
          %add3A_300 = arith.addi %add3A_299, %mul3A_296 : i32
          %get3A_301 = arith.index_cast %add3A_300 : i32 to index
          %get3A_302 = tpu.vector_load %arg10[%get3A_301] {strides = array<i32>} : memref<16384xf32, #tpu.memory_space<vmem>>, vector<16xf32>,
          %add3A_303 = arith.addf %get3A_298, %get3A_302 : vector<16xf32>
          %add3A_304 = arith.constant 2048 : i32
          %add3A_305 = arith.addi %add3A_304, %mul3A_296 : i32
          %get3A_306 = arith.index_cast %add3A_305 : i32 to index
          %get3A_307 = tpu.vector_load %arg10[%get3A_306] {strides = array<i32>} : memref<16384xf32, #tpu.memory_space<vmem>>, vector<16xf32>,
          %add3A_308 = arith.addf %add3A_303, %get3A_307 : vector<16xf32>
          %add3A_309 = arith.constant 3072 : i32
          %add3A_310 = arith.addi %add3A_309, %mul3A_296 : i32
          %get3A_311 = arith.index_cast %add3A_310 : i32 to index
          %get3A_312 = tpu.vector_load %arg10[%get3A_311] {strides = array<i32>} : memref<16384xf32, #tpu.memory_space<vmem>>, vector<16xf32>,
          %add3A_313 = arith.addf %add3A_308, %get3A_312 : vector<16xf32>
          %add3A_314 = arith.constant 4096 : i32
          %add3A_315 = arith.addi %add3A_314, %mul3A_296 : i32
          %get3A_316 = arith.index_cast %add3A_315 : i32 to index
          %get3A_317 = tpu.vector_load %arg10[%get3A_316] {strides = array<i32>} : memref<16384xf32, #tpu.memory_space<vmem>>, vector<16xf32>,
          %add3A_318 = arith.addf %add3A_313, %get3A_317 : vector<16xf32>
          %add3A_319 = arith.constant 5120 : i32
          %add3A_320 = arith.addi %add3A_319, %mul3A_296 : i32
          %get3A_321 = arith.index_cast %add3A_320 : i32 to index
          %get3A_322 = tpu.vector_load %arg10[%get3A_321] {strides = array<i32>} : memref<16384xf32, #tpu.memory_space<vmem>>, vector<16xf32>,
          %add3A_323 = arith.addf %add3A_318, %get3A_322 : vector<16xf32>
          %add3A_324 = arith.constant 6144 : i32
          %add3A_325 = arith.addi %add3A_324, %mul3A_296 : i32
          %get3A_326 = arith.index_cast %add3A_325 : i32 to index
          %get3A_327 = tpu.vector_load %arg10[%get3A_326] {strides = array<i32>} : memref<16384xf32, #tpu.memory_space<vmem>>, vector<16xf32>,
          %add3A_328 = arith.addf %add3A_323, %get3A_327 : vector<16xf32>
          %add3A_329 = arith.constant 7168 : i32
          %add3A_330 = arith.addi %add3A_329, %mul3A_296 : i32
          %get3A_331 = arith.index_cast %add3A_330 : i32 to index
          %get3A_332 = tpu.vector_load %arg10[%get3A_331] {strides = array<i32>} : memref<16384xf32, #tpu.memory_space<vmem>>, vector<16xf32>,
          %add3A_333 = arith.addf %add3A_328, %get3A_332 : vector<16xf32>
          %add3A_334 = arith.constant 8192 : i32
          %add3A_335 = arith.addi %add3A_334, %mul3A_296 : i32
          %get3A_336 = arith.index_cast %add3A_335 : i32 to index
          %get3A_337 = tpu.vector_load %arg10[%get3A_336] {strides = array<i32>} : memref<16384xf32, #tpu.memory_space<vmem>>, vector<16xf32>,
          %add3A_338 = arith.addf %add3A_333, %get3A_337 : vector<16xf32>
          %add3A_339 = arith.constant 9216 : i32
          %add3A_340 = arith.addi %add3A_339, %mul3A_296 : i32
          %get3A_341 = arith.index_cast %add3A_340 : i32 to index
          %get3A_342 = tpu.vector_load %arg10[%get3A_341] {strides = array<i32>} : memref<16384xf32, #tpu.memory_space<vmem>>, vector<16xf32>,
          %add3A_343 = arith.addf %add3A_338, %get3A_342 : vector<16xf32>
          %add3A_344 = arith.constant 10240 : i32
          %add3A_345 = arith.addi %add3A_344, %mul3A_296 : i32
          %get3A_346 = arith.index_cast %add3A_345 : i32 to index
          %get3A_347 = tpu.vector_load %arg10[%get3A_346] {strides = array<i32>} : memref<16384xf32, #tpu.memory_space<vmem>>, vector<16xf32>,
          %add3A_348 = arith.addf %add3A_343, %get3A_347 : vector<16xf32>
          %add3A_349 = arith.constant 11264 : i32
          %add3A_350 = arith.addi %add3A_349, %mul3A_296 : i32
          %get3A_351 = arith.index_cast %add3A_350 : i32 to index
          %get3A_352 = tpu.vector_load %arg10[%get3A_351] {strides = array<i32>} : memref<16384xf32, #tpu.memory_space<vmem>>, vector<16xf32>,
          %add3A_353 = arith.addf %add3A_348, %get3A_352 : vector<16xf32>
          %add3A_354 = arith.constant 12288 : i32
          %add3A_355 = arith.addi %add3A_354, %mul3A_296 : i32
          %get3A_356 = arith.index_cast %add3A_355 : i32 to index
          %get3A_357 = tpu.vector_load %arg10[%get3A_356] {strides = array<i32>} : memref<16384xf32, #tpu.memory_space<vmem>>, vector<16xf32>,
          %add3A_358 = arith.addf %add3A_353, %get3A_357 : vector<16xf32>
          %add3A_359 = arith.constant 13312 : i32
          %add3A_360 = arith.addi %add3A_359, %mul3A_296 : i32
          %get3A_361 = arith.index_cast %add3A_360 : i32 to index
          %get3A_362 = tpu.vector_load %arg10[%get3A_361] {strides = array<i32>} : memref<16384xf32, #tpu.memory_space<vmem>>, vector<16xf32>,
          %add3A_363 = arith.addf %add3A_358, %get3A_362 : vector<16xf32>
          %add3A_364 = arith.constant 14336 : i32
          %add3A_365 = arith.addi %add3A_364, %mul3A_296 : i32
          %get3A_366 = arith.index_cast %add3A_365 : i32 to index
          %get3A_367 = tpu.vector_load %arg10[%get3A_366] {strides = array<i32>} : memref<16384xf32, #tpu.memory_space<vmem>>, vector<16xf32>,
          %add3A_368 = arith.addf %add3A_363, %get3A_367 : vector<16xf32>
          %add3A_369 = arith.constant 15360 : i32
          %add3A_370 = arith.addi %add3A_369, %mul3A_296 : i32
          %get3A_371 = arith.index_cast %add3A_370 : i32 to index
          %get3A_372 = tpu.vector_load %arg10[%get3A_371] {strides = array<i32>} : memref<16384xf32, #tpu.memory_space<vmem>>, vector<16xf32>,
          %add3A_373 = arith.addf %add3A_368, %get3A_372 : vector<16xf32>
          %jit3A_374 = arith.constant 4 : i32
          %eq3A_375 = arith.constant 0 : i32
          %eq3A_376 = arith.cmpi eq, %jit3A_374, %eq3A_375 : i32
          %jit3A_377 = arith.constant 1 : i32
          %select_n3A_378 = arith.select %eq3A_376, %jit3A_377, %jit3A_374 : i32
          %rem3A_379 = arith.remsi %add3A_151, %select_n3A_378 : i32
          %ne3A_380 = arith.constant 0 : i32
          %ne3A_381 = arith.cmpi ne, %rem3A_379, %ne3A_380 : i32
          %lt3A_382 = arith.constant 0 : i32
          %lt3A_383 = arith.cmpi slt, %rem3A_379, %lt3A_382 : i32
          %lt3A_384 = arith.constant 0 : i32
          %lt3A_385 = arith.cmpi slt, %select_n3A_378, %lt3A_384 : i32
          %ne3A_386 = arith.xori %lt3A_383, %lt3A_385 : i1
          %and3A_387 = arith.andi %ne3A_386, %ne3A_381 : i1
          %add3A_388 = arith.addi %rem3A_379, %select_n3A_378 : i32
          %select_n3A_389 = arith.select %and3A_387, %add3A_388, %rem3A_379 : i32
          %mul3A_390 = arith.constant 1024 : i32
          %mul3A_391 = arith.muli %select_n3A_389, %mul3A_390 : i32
          %add3A_392 = arith.addi %mul3A_391, %mul3A_296 : i32
          %swap3A_393 = arith.index_cast %add3A_392 : i32 to index
          %swap3A_394 = tpu.vector_load %arg11[%swap3A_393] {strides = array<i32>} : memref<4096xf32, #tpu.memory_space<vmem>>, vector<16xf32>,
          tpu.vector_store %arg11[%swap3A_393], %add3A_373 {strides = array<i32>} : memref<4096xf32, #tpu.memory_space<vmem>>, vector<16xf32>,
          %ge3A_395 = arith.constant 1 : i32
          %ge3A_396 = arith.cmpi sge, %add3A_151, %ge3A_395 : i32
          %convert_element_type3A_397 = arith.extui %ge3A_396 : i1 to i32
          %cond3A_398 = arith.constant 0 : i32
          %cond3A_399 = arith.cmpi ne, %convert_element_type3A_397, %cond3A_398 : i32
          scf.if %cond3A_399 {
            %sub3A_622 = arith.constant 1 : i32
            %sub3A_623 = arith.subi %add3A_151, %sub3A_622 : i32
            %jit3A_624 = arith.constant 4 : i32
            %eq3A_625 = arith.constant 0 : i32
            %eq3A_626 = arith.cmpi eq, %jit3A_624, %eq3A_625 : i32
            %jit3A_627 = arith.constant 1 : i32
            %select_n3A_628 = arith.select %eq3A_626, %jit3A_627, %jit3A_624 : i32
            %rem3A_629 = arith.remsi %sub3A_623, %select_n3A_628 : i32
            %ne3A_630 = arith.constant 0 : i32
            %ne3A_631 = arith.cmpi ne, %rem3A_629, %ne3A_630 : i32
            %lt3A_632 = arith.constant 0 : i32
            %lt3A_633 = arith.cmpi slt, %rem3A_629, %lt3A_632 : i32
            %lt3A_634 = arith.constant 0 : i32
            %lt3A_635 = arith.cmpi slt, %select_n3A_628, %lt3A_634 : i32
            %ne3A_636 = arith.xori %lt3A_633, %lt3A_635 : i1
            %and3A_637 = arith.andi %ne3A_636, %ne3A_631 : i1
            %add3A_638 = arith.addi %rem3A_629, %select_n3A_628 : i32
            %select_n3A_639 = arith.select %and3A_637, %add3A_638, %rem3A_629 : i32
            %mul3A_640 = arith.constant 1024 : i32
            %mul3A_641 = arith.muli %select_n3A_639, %mul3A_640 : i32
            %add3A_642 = arith.addi %mul3A_641, %mul3A_296 : i32
            %get3A_643 = arith.index_cast %add3A_642 : i32 to index
            %get3A_644 = tpu.vector_load %arg11[%get3A_643] {strides = array<i32>} : memref<4096xf32, #tpu.memory_space<vmem>>, vector<16xf32>,
            %add3A_645 = arith.addf %get3A_644, %add3A_373 : vector<16xf32>
            %mul3A_646 = arith.constant 3.125000e-02 : f32
            %mul3A_647 = vector.broadcast %mul3A_646 : f32 to vector<16xf32>
            %mul3A_648 = arith.mulf %add3A_645, %mul3A_647 : vector<16xf32>
            %swap3A_649 = arith.constant 3 : i32
            %swap3A_650 = arith.index_cast %swap3A_649 : i32 to index
            %swap3A_651 = arith.index_cast %mul3A_296 : i32 to index
            %swap3A_652 = tpu.vector_load %arg12[%swap3A_650, %swap3A_651] {strides = array<i32>} : memref<4x1024xf32, #tpu.memory_space<vmem>>, vector<16xf32>,
            tpu.vector_store %arg12[%swap3A_650, %swap3A_651], %mul3A_648 {strides = array<i32>} : memref<4x1024xf32, #tpu.memory_space<vmem>>, vector<16xf32>,
          } else {
          }
          %scan3A_400 = arith.constant 2 : i32
          %scan3A_401 = arith.addi %scan3A_181, %scan3A_400 : i32
          %mul3A_402 = arith.constant 1 : i32
          %mul3A_403 = arith.muli %scan3A_401, %mul3A_402 : i32
          %add3A_404 = arith.constant 0 : i32
          %add3A_405 = arith.addi %add3A_404, %mul3A_403 : i32
          %mul3A_406 = arith.constant 16 : i32
          %mul3A_407 = arith.muli %add3A_405, %mul3A_406 : i32
          %get3A_408 = arith.index_cast %mul3A_407 : i32 to index
          %get3A_409 = tpu.vector_load %arg10[%get3A_408] {strides = array<i32>} : memref<16384xf32, #tpu.memory_space<vmem>>, vector<16xf32>,
          %add3A_410 = arith.constant 1024 : i32
          %add3A_411 = arith.addi %add3A_410, %mul3A_407 : i32
          %get3A_412 = arith.index_cast %add3A_411 : i32 to index
          %get3A_413 = tpu.vector_load %arg10[%get3A_412] {strides = array<i32>} : memref<16384xf32, #tpu.memory_space<vmem>>, vector<16xf32>,
          %add3A_414 = arith.addf %get3A_409, %get3A_413 : vector<16xf32>
          %add3A_415 = arith.constant 2048 : i32
          %add3A_416 = arith.addi %add3A_415, %mul3A_407 : i32
          %get3A_417 = arith.index_cast %add3A_416 : i32 to index
          %get3A_418 = tpu.vector_load %arg10[%get3A_417] {strides = array<i32>} : memref<16384xf32, #tpu.memory_space<vmem>>, vector<16xf32>,
          %add3A_419 = arith.addf %add3A_414, %get3A_418 : vector<16xf32>
          %add3A_420 = arith.constant 3072 : i32
          %add3A_421 = arith.addi %add3A_420, %mul3A_407 : i32
          %get3A_422 = arith.index_cast %add3A_421 : i32 to index
          %get3A_423 = tpu.vector_load %arg10[%get3A_422] {strides = array<i32>} : memref<16384xf32, #tpu.memory_space<vmem>>, vector<16xf32>,
          %add3A_424 = arith.addf %add3A_419, %get3A_423 : vector<16xf32>
          %add3A_425 = arith.constant 4096 : i32
          %add3A_426 = arith.addi %add3A_425, %mul3A_407 : i32
          %get3A_427 = arith.index_cast %add3A_426 : i32 to index
          %get3A_428 = tpu.vector_load %arg10[%get3A_427] {strides = array<i32>} : memref<16384xf32, #tpu.memory_space<vmem>>, vector<16xf32>,
          %add3A_429 = arith.addf %add3A_424, %get3A_428 : vector<16xf32>
          %add3A_430 = arith.constant 5120 : i32
          %add3A_431 = arith.addi %add3A_430, %mul3A_407 : i32
          %get3A_432 = arith.index_cast %add3A_431 : i32 to index
          %get3A_433 = tpu.vector_load %arg10[%get3A_432] {strides = array<i32>} : memref<16384xf32, #tpu.memory_space<vmem>>, vector<16xf32>,
          %add3A_434 = arith.addf %add3A_429, %get3A_433 : vector<16xf32>
          %add3A_435 = arith.constant 6144 : i32
          %add3A_436 = arith.addi %add3A_435, %mul3A_407 : i32
          %get3A_437 = arith.index_cast %add3A_436 : i32 to index
          %get3A_438 = tpu.vector_load %arg10[%get3A_437] {strides = array<i32>} : memref<16384xf32, #tpu.memory_space<vmem>>, vector<16xf32>,
          %add3A_439 = arith.addf %add3A_434, %get3A_438 : vector<16xf32>
          %add3A_440 = arith.constant 7168 : i32
          %add3A_441 = arith.addi %add3A_440, %mul3A_407 : i32
          %get3A_442 = arith.index_cast %add3A_441 : i32 to index
          %get3A_443 = tpu.vector_load %arg10[%get3A_442] {strides = array<i32>} : memref<16384xf32, #tpu.memory_space<vmem>>, vector<16xf32>,
          %add3A_444 = arith.addf %add3A_439, %get3A_443 : vector<16xf32>
          %add3A_445 = arith.constant 8192 : i32
          %add3A_446 = arith.addi %add3A_445, %mul3A_407 : i32
          %get3A_447 = arith.index_cast %add3A_446 : i32 to index
          %get3A_448 = tpu.vector_load %arg10[%get3A_447] {strides = array<i32>} : memref<16384xf32, #tpu.memory_space<vmem>>, vector<16xf32>,
          %add3A_449 = arith.addf %add3A_444, %get3A_448 : vector<16xf32>
          %add3A_450 = arith.constant 9216 : i32
          %add3A_451 = arith.addi %add3A_450, %mul3A_407 : i32
          %get3A_452 = arith.index_cast %add3A_451 : i32 to index
          %get3A_453 = tpu.vector_load %arg10[%get3A_452] {strides = array<i32>} : memref<16384xf32, #tpu.memory_space<vmem>>, vector<16xf32>,
          %add3A_454 = arith.addf %add3A_449, %get3A_453 : vector<16xf32>
          %add3A_455 = arith.constant 10240 : i32
          %add3A_456 = arith.addi %add3A_455, %mul3A_407 : i32
          %get3A_457 = arith.index_cast %add3A_456 : i32 to index
          %get3A_458 = tpu.vector_load %arg10[%get3A_457] {strides = array<i32>} : memref<16384xf32, #tpu.memory_space<vmem>>, vector<16xf32>,
          %add3A_459 = arith.addf %add3A_454, %get3A_458 : vector<16xf32>
          %add3A_460 = arith.constant 11264 : i32
          %add3A_461 = arith.addi %add3A_460, %mul3A_407 : i32
          %get3A_462 = arith.index_cast %add3A_461 : i32 to index
          %get3A_463 = tpu.vector_load %arg10[%get3A_462] {strides = array<i32>} : memref<16384xf32, #tpu.memory_space<vmem>>, vector<16xf32>,
          %add3A_464 = arith.addf %add3A_459, %get3A_463 : vector<16xf32>
          %add3A_465 = arith.constant 12288 : i32
          %add3A_466 = arith.addi %add3A_465, %mul3A_407 : i32
          %get3A_467 = arith.index_cast %add3A_466 : i32 to index
          %get3A_468 = tpu.vector_load %arg10[%get3A_467] {strides = array<i32>} : memref<16384xf32, #tpu.memory_space<vmem>>, vector<16xf32>,
          %add3A_469 = arith.addf %add3A_464, %get3A_468 : vector<16xf32>
          %add3A_470 = arith.constant 13312 : i32
          %add3A_471 = arith.addi %add3A_470, %mul3A_407 : i32
          %get3A_472 = arith.index_cast %add3A_471 : i32 to index
          %get3A_473 = tpu.vector_load %arg10[%get3A_472] {strides = array<i32>} : memref<16384xf32, #tpu.memory_space<vmem>>, vector<16xf32>,
          %add3A_474 = arith.addf %add3A_469, %get3A_473 : vector<16xf32>
          %add3A_475 = arith.constant 14336 : i32
          %add3A_476 = arith.addi %add3A_475, %mul3A_407 : i32
          %get3A_477 = arith.index_cast %add3A_476 : i32 to index
          %get3A_478 = tpu.vector_load %arg10[%get3A_477] {strides = array<i32>} : memref<16384xf32, #tpu.memory_space<vmem>>, vector<16xf32>,
          %add3A_479 = arith.addf %add3A_474, %get3A_478 : vector<16xf32>
          %add3A_480 = arith.constant 15360 : i32
          %add3A_481 = arith.addi %add3A_480, %mul3A_407 : i32
          %get3A_482 = arith.index_cast %add3A_481 : i32 to index
          %get3A_483 = tpu.vector_load %arg10[%get3A_482] {strides = array<i32>} : memref<16384xf32, #tpu.memory_space<vmem>>, vector<16xf32>,
          %add3A_484 = arith.addf %add3A_479, %get3A_483 : vector<16xf32>
          %jit3A_485 = arith.constant 4 : i32
          %eq3A_486 = arith.constant 0 : i32
          %eq3A_487 = arith.cmpi eq, %jit3A_485, %eq3A_486 : i32
          %jit3A_488 = arith.constant 1 : i32
          %select_n3A_489 = arith.select %eq3A_487, %jit3A_488, %jit3A_485 : i32
          %rem3A_490 = arith.remsi %add3A_151, %select_n3A_489 : i32
          %ne3A_491 = arith.constant 0 : i32
          %ne3A_492 = arith.cmpi ne, %rem3A_490, %ne3A_491 : i32
          %lt3A_493 = arith.constant 0 : i32
          %lt3A_494 = arith.cmpi slt, %rem3A_490, %lt3A_493 : i32
          %lt3A_495 = arith.constant 0 : i32
          %lt3A_496 = arith.cmpi slt, %select_n3A_489, %lt3A_495 : i32
          %ne3A_497 = arith.xori %lt3A_494, %lt3A_496 : i1
          %and3A_498 = arith.andi %ne3A_497, %ne3A_492 : i1
          %add3A_499 = arith.addi %rem3A_490, %select_n3A_489 : i32
          %select_n3A_500 = arith.select %and3A_498, %add3A_499, %rem3A_490 : i32
          %mul3A_501 = arith.constant 1024 : i32
          %mul3A_502 = arith.muli %select_n3A_500, %mul3A_501 : i32
          %add3A_503 = arith.addi %mul3A_502, %mul3A_407 : i32
          %swap3A_504 = arith.index_cast %add3A_503 : i32 to index
          %swap3A_505 = tpu.vector_load %arg11[%swap3A_504] {strides = array<i32>} : memref<4096xf32, #tpu.memory_space<vmem>>, vector<16xf32>,
          tpu.vector_store %arg11[%swap3A_504], %add3A_484 {strides = array<i32>} : memref<4096xf32, #tpu.memory_space<vmem>>, vector<16xf32>,
          %ge3A_506 = arith.constant 1 : i32
          %ge3A_507 = arith.cmpi sge, %add3A_151, %ge3A_506 : i32
          %convert_element_type3A_508 = arith.extui %ge3A_507 : i1 to i32
          %cond3A_509 = arith.constant 0 : i32
          %cond3A_510 = arith.cmpi ne, %convert_element_type3A_508, %cond3A_509 : i32
          scf.if %cond3A_510 {
            %sub3A_622 = arith.constant 1 : i32
            %sub3A_623 = arith.subi %add3A_151, %sub3A_622 : i32
            %jit3A_624 = arith.constant 4 : i32
            %eq3A_625 = arith.constant 0 : i32
            %eq3A_626 = arith.cmpi eq, %jit3A_624, %eq3A_625 : i32
            %jit3A_627 = arith.constant 1 : i32
            %select_n3A_628 = arith.select %eq3A_626, %jit3A_627, %jit3A_624 : i32
            %rem3A_629 = arith.remsi %sub3A_623, %select_n3A_628 : i32
            %ne3A_630 = arith.constant 0 : i32
            %ne3A_631 = arith.cmpi ne, %rem3A_629, %ne3A_630 : i32
            %lt3A_632 = arith.constant 0 : i32
            %lt3A_633 = arith.cmpi slt, %rem3A_629, %lt3A_632 : i32
            %lt3A_634 = arith.constant 0 : i32
            %lt3A_635 = arith.cmpi slt, %select_n3A_628, %lt3A_634 : i32
            %ne3A_636 = arith.xori %lt3A_633, %lt3A_635 : i1
            %and3A_637 = arith.andi %ne3A_636, %ne3A_631 : i1
            %add3A_638 = arith.addi %rem3A_629, %select_n3A_628 : i32
            %select_n3A_639 = arith.select %and3A_637, %add3A_638, %rem3A_629 : i32
            %mul3A_640 = arith.constant 1024 : i32
            %mul3A_641 = arith.muli %select_n3A_639, %mul3A_640 : i32
            %add3A_642 = arith.addi %mul3A_641, %mul3A_407 : i32
            %get3A_643 = arith.index_cast %add3A_642 : i32 to index
            %get3A_644 = tpu.vector_load %arg11[%get3A_643] {strides = array<i32>} : memref<4096xf32, #tpu.memory_space<vmem>>, vector<16xf32>,
            %add3A_645 = arith.addf %get3A_644, %add3A_484 : vector<16xf32>
            %mul3A_646 = arith.constant 3.125000e-02 : f32
            %mul3A_647 = vector.broadcast %mul3A_646 : f32 to vector<16xf32>
            %mul3A_648 = arith.mulf %add3A_645, %mul3A_647 : vector<16xf32>
            %swap3A_649 = arith.constant 3 : i32
            %swap3A_650 = arith.index_cast %swap3A_649 : i32 to index
            %swap3A_651 = arith.index_cast %mul3A_407 : i32 to index
            %swap3A_652 = tpu.vector_load %arg12[%swap3A_650, %swap3A_651] {strides = array<i32>} : memref<4x1024xf32, #tpu.memory_space<vmem>>, vector<16xf32>,
            tpu.vector_store %arg12[%swap3A_650, %swap3A_651], %mul3A_648 {strides = array<i32>} : memref<4x1024xf32, #tpu.memory_space<vmem>>, vector<16xf32>,
          } else {
          }
          %scan3A_511 = arith.constant 3 : i32
          %scan3A_512 = arith.addi %scan3A_181, %scan3A_511 : i32
          %mul3A_513 = arith.constant 1 : i32
          %mul3A_514 = arith.muli %scan3A_512, %mul3A_513 : i32
          %add3A_515 = arith.constant 0 : i32
          %add3A_516 = arith.addi %add3A_515, %mul3A_514 : i32
          %mul3A_517 = arith.constant 16 : i32
          %mul3A_518 = arith.muli %add3A_516, %mul3A_517 : i32
          %get3A_519 = arith.index_cast %mul3A_518 : i32 to index
          %get3A_520 = tpu.vector_load %arg10[%get3A_519] {strides = array<i32>} : memref<16384xf32, #tpu.memory_space<vmem>>, vector<16xf32>,
          %add3A_521 = arith.constant 1024 : i32
          %add3A_522 = arith.addi %add3A_521, %mul3A_518 : i32
          %get3A_523 = arith.index_cast %add3A_522 : i32 to index
          %get3A_524 = tpu.vector_load %arg10[%get3A_523] {strides = array<i32>} : memref<16384xf32, #tpu.memory_space<vmem>>, vector<16xf32>,
          %add3A_525 = arith.addf %get3A_520, %get3A_524 : vector<16xf32>
          %add3A_526 = arith.constant 2048 : i32
          %add3A_527 = arith.addi %add3A_526, %mul3A_518 : i32
          %get3A_528 = arith.index_cast %add3A_527 : i32 to index
          %get3A_529 = tpu.vector_load %arg10[%get3A_528] {strides = array<i32>} : memref<16384xf32, #tpu.memory_space<vmem>>, vector<16xf32>,
          %add3A_530 = arith.addf %add3A_525, %get3A_529 : vector<16xf32>
          %add3A_531 = arith.constant 3072 : i32
          %add3A_532 = arith.addi %add3A_531, %mul3A_518 : i32
          %get3A_533 = arith.index_cast %add3A_532 : i32 to index
          %get3A_534 = tpu.vector_load %arg10[%get3A_533] {strides = array<i32>} : memref<16384xf32, #tpu.memory_space<vmem>>, vector<16xf32>,
          %add3A_535 = arith.addf %add3A_530, %get3A_534 : vector<16xf32>
          %add3A_536 = arith.constant 4096 : i32
          %add3A_537 = arith.addi %add3A_536, %mul3A_518 : i32
          %get3A_538 = arith.index_cast %add3A_537 : i32 to index
          %get3A_539 = tpu.vector_load %arg10[%get3A_538] {strides = array<i32>} : memref<16384xf32, #tpu.memory_space<vmem>>, vector<16xf32>,
          %add3A_540 = arith.addf %add3A_535, %get3A_539 : vector<16xf32>
          %add3A_541 = arith.constant 5120 : i32
          %add3A_542 = arith.addi %add3A_541, %mul3A_518 : i32
          %get3A_543 = arith.index_cast %add3A_542 : i32 to index
          %get3A_544 = tpu.vector_load %arg10[%get3A_543] {strides = array<i32>} : memref<16384xf32, #tpu.memory_space<vmem>>, vector<16xf32>,
          %add3A_545 = arith.addf %add3A_540, %get3A_544 : vector<16xf32>
          %add3A_546 = arith.constant 6144 : i32
          %add3A_547 = arith.addi %add3A_546, %mul3A_518 : i32
          %get3A_548 = arith.index_cast %add3A_547 : i32 to index
          %get3A_549 = tpu.vector_load %arg10[%get3A_548] {strides = array<i32>} : memref<16384xf32, #tpu.memory_space<vmem>>, vector<16xf32>,
          %add3A_550 = arith.addf %add3A_545, %get3A_549 : vector<16xf32>
          %add3A_551 = arith.constant 7168 : i32
          %add3A_552 = arith.addi %add3A_551, %mul3A_518 : i32
          %get3A_553 = arith.index_cast %add3A_552 : i32 to index
          %get3A_554 = tpu.vector_load %arg10[%get3A_553] {strides = array<i32>} : memref<16384xf32, #tpu.memory_space<vmem>>, vector<16xf32>,
          %add3A_555 = arith.addf %add3A_550, %get3A_554 : vector<16xf32>
          %add3A_556 = arith.constant 8192 : i32
          %add3A_557 = arith.addi %add3A_556, %mul3A_518 : i32
          %get3A_558 = arith.index_cast %add3A_557 : i32 to index
          %get3A_559 = tpu.vector_load %arg10[%get3A_558] {strides = array<i32>} : memref<16384xf32, #tpu.memory_space<vmem>>, vector<16xf32>,
          %add3A_560 = arith.addf %add3A_555, %get3A_559 : vector<16xf32>
          %add3A_561 = arith.constant 9216 : i32
          %add3A_562 = arith.addi %add3A_561, %mul3A_518 : i32
          %get3A_563 = arith.index_cast %add3A_562 : i32 to index
          %get3A_564 = tpu.vector_load %arg10[%get3A_563] {strides = array<i32>} : memref<16384xf32, #tpu.memory_space<vmem>>, vector<16xf32>,
          %add3A_565 = arith.addf %add3A_560, %get3A_564 : vector<16xf32>
          %add3A_566 = arith.constant 10240 : i32
          %add3A_567 = arith.addi %add3A_566, %mul3A_518 : i32
          %get3A_568 = arith.index_cast %add3A_567 : i32 to index
          %get3A_569 = tpu.vector_load %arg10[%get3A_568] {strides = array<i32>} : memref<16384xf32, #tpu.memory_space<vmem>>, vector<16xf32>,
          %add3A_570 = arith.addf %add3A_565, %get3A_569 : vector<16xf32>
          %add3A_571 = arith.constant 11264 : i32
          %add3A_572 = arith.addi %add3A_571, %mul3A_518 : i32
          %get3A_573 = arith.index_cast %add3A_572 : i32 to index
          %get3A_574 = tpu.vector_load %arg10[%get3A_573] {strides = array<i32>} : memref<16384xf32, #tpu.memory_space<vmem>>, vector<16xf32>,
          %add3A_575 = arith.addf %add3A_570, %get3A_574 : vector<16xf32>
          %add3A_576 = arith.constant 12288 : i32
          %add3A_577 = arith.addi %add3A_576, %mul3A_518 : i32
          %get3A_578 = arith.index_cast %add3A_577 : i32 to index
          %get3A_579 = tpu.vector_load %arg10[%get3A_578] {strides = array<i32>} : memref<16384xf32, #tpu.memory_space<vmem>>, vector<16xf32>,
          %add3A_580 = arith.addf %add3A_575, %get3A_579 : vector<16xf32>
          %add3A_581 = arith.constant 13312 : i32
          %add3A_582 = arith.addi %add3A_581, %mul3A_518 : i32
          %get3A_583 = arith.index_cast %add3A_582 : i32 to index
          %get3A_584 = tpu.vector_load %arg10[%get3A_583] {strides = array<i32>} : memref<16384xf32, #tpu.memory_space<vmem>>, vector<16xf32>,
          %add3A_585 = arith.addf %add3A_580, %get3A_584 : vector<16xf32>
          %add3A_586 = arith.constant 14336 : i32
          %add3A_587 = arith.addi %add3A_586, %mul3A_518 : i32
          %get3A_588 = arith.index_cast %add3A_587 : i32 to index
          %get3A_589 = tpu.vector_load %arg10[%get3A_588] {strides = array<i32>} : memref<16384xf32, #tpu.memory_space<vmem>>, vector<16xf32>,
          %add3A_590 = arith.addf %add3A_585, %get3A_589 : vector<16xf32>
          %add3A_591 = arith.constant 15360 : i32
          %add3A_592 = arith.addi %add3A_591, %mul3A_518 : i32
          %get3A_593 = arith.index_cast %add3A_592 : i32 to index
          %get3A_594 = tpu.vector_load %arg10[%get3A_593] {strides = array<i32>} : memref<16384xf32, #tpu.memory_space<vmem>>, vector<16xf32>,
          %add3A_595 = arith.addf %add3A_590, %get3A_594 : vector<16xf32>
          %jit3A_596 = arith.constant 4 : i32
          %eq3A_597 = arith.constant 0 : i32
          %eq3A_598 = arith.cmpi eq, %jit3A_596, %eq3A_597 : i32
          %jit3A_599 = arith.constant 1 : i32
          %select_n3A_600 = arith.select %eq3A_598, %jit3A_599, %jit3A_596 : i32
          %rem3A_601 = arith.remsi %add3A_151, %select_n3A_600 : i32
          %ne3A_602 = arith.constant 0 : i32
          %ne3A_603 = arith.cmpi ne, %rem3A_601, %ne3A_602 : i32
          %lt3A_604 = arith.constant 0 : i32
          %lt3A_605 = arith.cmpi slt, %rem3A_601, %lt3A_604 : i32
          %lt3A_606 = arith.constant 0 : i32
          %lt3A_607 = arith.cmpi slt, %select_n3A_600, %lt3A_606 : i32
          %ne3A_608 = arith.xori %lt3A_605, %lt3A_607 : i1
          %and3A_609 = arith.andi %ne3A_608, %ne3A_603 : i1
          %add3A_610 = arith.addi %rem3A_601, %select_n3A_600 : i32
          %select_n3A_611 = arith.select %and3A_609, %add3A_610, %rem3A_601 : i32
          %mul3A_612 = arith.constant 1024 : i32
          %mul3A_613 = arith.muli %select_n3A_611, %mul3A_612 : i32
          %add3A_614 = arith.addi %mul3A_613, %mul3A_518 : i32
          %swap3A_615 = arith.index_cast %add3A_614 : i32 to index
          %swap3A_616 = tpu.vector_load %arg11[%swap3A_615] {strides = array<i32>} : memref<4096xf32, #tpu.memory_space<vmem>>, vector<16xf32>,
          tpu.vector_store %arg11[%swap3A_615], %add3A_595 {strides = array<i32>} : memref<4096xf32, #tpu.memory_space<vmem>>, vector<16xf32>,
          %ge3A_617 = arith.constant 1 : i32
          %ge3A_618 = arith.cmpi sge, %add3A_151, %ge3A_617 : i32
          %convert_element_type3A_619 = arith.extui %ge3A_618 : i1 to i32
          %cond3A_620 = arith.constant 0 : i32
          %cond3A_621 = arith.cmpi ne, %convert_element_type3A_619, %cond3A_620 : i32
          scf.if %cond3A_621 {
            %sub3A_622 = arith.constant 1 : i32
            %sub3A_623 = arith.subi %add3A_151, %sub3A_622 : i32
            %jit3A_624 = arith.constant 4 : i32
            %eq3A_625 = arith.constant 0 : i32
            %eq3A_626 = arith.cmpi eq, %jit3A_624, %eq3A_625 : i32
            %jit3A_627 = arith.constant 1 : i32
            %select_n3A_628 = arith.select %eq3A_626, %jit3A_627, %jit3A_624 : i32
            %rem3A_629 = arith.remsi %sub3A_623, %select_n3A_628 : i32
            %ne3A_630 = arith.constant 0 : i32
            %ne3A_631 = arith.cmpi ne, %rem3A_629, %ne3A_630 : i32
            %lt3A_632 = arith.constant 0 : i32
            %lt3A_633 = arith.cmpi slt, %rem3A_629, %lt3A_632 : i32
            %lt3A_634 = arith.constant 0 : i32
            %lt3A_635 = arith.cmpi slt, %select_n3A_628, %lt3A_634 : i32
            %ne3A_636 = arith.xori %lt3A_633, %lt3A_635 : i1
            %and3A_637 = arith.andi %ne3A_636, %ne3A_631 : i1
            %add3A_638 = arith.addi %rem3A_629, %select_n3A_628 : i32
            %select_n3A_639 = arith.select %and3A_637, %add3A_638, %rem3A_629 : i32
            %mul3A_640 = arith.constant 1024 : i32
            %mul3A_641 = arith.muli %select_n3A_639, %mul3A_640 : i32
            %add3A_642 = arith.addi %mul3A_641, %mul3A_518 : i32
            %get3A_643 = arith.index_cast %add3A_642 : i32 to index
            %get3A_644 = tpu.vector_load %arg11[%get3A_643] {strides = array<i32>} : memref<4096xf32, #tpu.memory_space<vmem>>, vector<16xf32>,
            %add3A_645 = arith.addf %get3A_644, %add3A_595 : vector<16xf32>
            %mul3A_646 = arith.constant 3.125000e-02 : f32
            %mul3A_647 = vector.broadcast %mul3A_646 : f32 to vector<16xf32>
            %mul3A_648 = arith.mulf %add3A_645, %mul3A_647 : vector<16xf32>
            %swap3A_649 = arith.constant 3 : i32
            %swap3A_650 = arith.index_cast %swap3A_649 : i32 to index
            %swap3A_651 = arith.index_cast %mul3A_518 : i32 to index
            %swap3A_652 = tpu.vector_load %arg12[%swap3A_650, %swap3A_651] {strides = array<i32>} : memref<4x1024xf32, #tpu.memory_space<vmem>>, vector<16xf32>,
            tpu.vector_store %arg12[%swap3A_650, %swap3A_651], %mul3A_648 {strides = array<i32>} : memref<4x1024xf32, #tpu.memory_space<vmem>>, vector<16xf32>,
          } else {
          }
        }
        %scan3A_169 = arith.constant 64 : i32
        %ge3A_170 = arith.constant 1 : i32
        %ge3A_171 = arith.cmpi sge, %add3A_151, %ge3A_170 : i32
        %convert_element_type3A_172 = arith.extui %ge3A_171 : i1 to i32
        %cond3A_173 = arith.constant 0 : i32
        %cond3A_174 = arith.cmpi ne, %convert_element_type3A_172, %cond3A_173 : i32
        scf.if %cond3A_174 {
          %add3A_181 = arith.addi %add3A_40, %add3A_151 : i32
          %sub3A_182 = arith.constant 1 : i32
          %sub3A_183 = arith.subi %add3A_181, %sub3A_182 : i32
          %mul3A_184 = arith.constant 1024 : i32
          %mul3A_185 = arith.muli %sub3A_183, %mul3A_184 : i32
          %dma_start3A_186 = arith.constant 3 : i32
          %dma_start3A_187 = arith.constant 0 : i32
          %dma_start3A_188 = tpu.memref_slice %arg12[%dma_start3A_186, %dma_start3A_187] : memref<4x1024xf32, #tpu.memory_space<vmem>> -> memref<1x1024xf32, #tpu.memory_space<vmem>>
          %dma_start3A_189 = tpu.memref_squeeze %dma_start3A_188 : memref<1x1024xf32, #tpu.memory_space<vmem>> -> memref<1024xf32, #tpu.memory_space<vmem>>
          %dma_start3A_190 = tpu.memref_slice %arg5[%mul3A_185] : memref<260096xf32, #tpu.memory_space<hbm>> -> memref<1024xf32, #tpu.memory_space<hbm>>
          %dma_start3A_191 = tpu.memref_slice %arg5[%mul3A_185] : memref<260096xf32, #tpu.memory_space<hbm>> -> memref<1024xf32, #tpu.memory_space<hbm>>
          %dma_start3A_192 = arith.constant 0 : i32
          %dma_start3A_193 = tpu.memref_slice %arg12[%dma_start3A_186, %dma_start3A_192] : memref<4x1024xf32, #tpu.memory_space<vmem>> -> memref<1x1024xf32, #tpu.memory_space<vmem>>
          %dma_start3A_194 = tpu.memref_squeeze %dma_start3A_193 : memref<1x1024xf32, #tpu.memory_space<vmem>> -> memref<1024xf32, #tpu.memory_space<vmem>>
          tpu.enqueue_dma source(%dma_start3A_194 : memref<1024xf32, #tpu.memory_space<vmem>>) target(%dma_start3A_191 : memref<1024xf32, #tpu.memory_space<hbm>>) target_semaphore(%arg22 : memref<!tpu.dma_semaphore, #tpu.memory_space<semaphore_mem>>)
        } else {
        }
        %add3A_175 = arith.constant 4 : i32
        %add3A_176 = arith.addi %add3A_151, %add3A_175 : i32
        %lt3A_177 = arith.cmpi slt, %add3A_176, %sub3A_44 : i32
        %convert_element_type3A_178 = arith.extui %lt3A_177 : i1 to i32
        %cond3A_179 = arith.constant 0 : i32
        %cond3A_180 = arith.cmpi ne, %convert_element_type3A_178, %cond3A_179 : i32
        scf.if %cond3A_180 {
          %add3A_181 = arith.constant 4 : i32
          %add3A_182 = arith.addi %add3A_151, %add3A_181 : i32
          %add3A_183 = arith.addi %add3A_35, %add3A_182 : i32
          %mul3A_184 = arith.constant 16384 : i32
          %mul3A_185 = arith.muli %add3A_183, %mul3A_184 : i32
          %dma_start3A_186 = tpu.memref_slice %arg2[%mul3A_185] : memref<33554432xf32, #tpu.memory_space<hbm>> -> memref<16384xf32, #tpu.memory_space<hbm>>
          %dma_start3A_187 = tpu.memref_slice %arg2[%mul3A_185] : memref<33554432xf32, #tpu.memory_space<hbm>> -> memref<16384xf32, #tpu.memory_space<hbm>>
          tpu.enqueue_dma source(%dma_start3A_187 : memref<16384xf32, #tpu.memory_space<hbm>>) target(%arg10 : memref<16384xf32, #tpu.memory_space<vmem>>) target_semaphore(%arg18 : memref<!tpu.dma_semaphore, #tpu.memory_space<semaphore_mem>>)
        } else {
        }
      } else {
      }
    }
    %scan3A_71 = arith.constant 3 : i32
    %dma_wait3A = arith.constant 0 : i32
    %dma_wait3A_72 = arith.constant 0 : i32
    %dma_wait3A_73 = tpu.memref_slice %arg12[%dma_wait3A, %dma_wait3A_72] : memref<4x1024xf32, #tpu.memory_space<vmem>> -> memref<1x1024xf32, #tpu.memory_space<vmem>>
    %dma_wait3A_74 = tpu.memref_squeeze %dma_wait3A_73 : memref<1x1024xf32, #tpu.memory_space<vmem>> -> memref<1024xf32, #tpu.memory_space<vmem>>
    %dma_wait3A_75 = arith.constant 0 : i32
    %dma_wait3A_76 = tpu.memref_slice %arg5[%dma_wait3A_75] : memref<260096xf32, #tpu.memory_space<hbm>> -> memref<1024xf32, #tpu.memory_space<hbm>>
    %dma_wait3A_77 = arith.constant 0 : i32
    %dma_wait3A_78 = tpu.memref_slice %arg5[%dma_wait3A_77] : memref<260096xf32, #tpu.memory_space<hbm>> -> memref<1024xf32, #tpu.memory_space<hbm>>
    %dma_wait3A_79 = arith.constant 0 : i32
    %dma_wait3A_80 = tpu.memref_slice %arg12[%dma_wait3A, %dma_wait3A_79] : memref<4x1024xf32, #tpu.memory_space<vmem>> -> memref<1x1024xf32, #tpu.memory_space<vmem>>
    %dma_wait3A_81 = tpu.memref_squeeze %dma_wait3A_80 : memref<1x1024xf32, #tpu.memory_space<vmem>> -> memref<1024xf32, #tpu.memory_space<vmem>>
    tpu.wait_dma2 semaphore(%arg19 : memref<!tpu.dma_semaphore, #tpu.memory_space<semaphore_mem>>) src(%dma_wait3A_81 : memref<1024xf32, #tpu.memory_space<vmem>>) dst(%dma_wait3A_78 : memref<1024xf32, #tpu.memory_space<hbm>>)
    %dma_wait3A_82 = arith.constant 1 : i32
    %dma_wait3A_83 = arith.constant 0 : i32
    %dma_wait3A_84 = tpu.memref_slice %arg12[%dma_wait3A_82, %dma_wait3A_83] : memref<4x1024xf32, #tpu.memory_space<vmem>> -> memref<1x1024xf32, #tpu.memory_space<vmem>>
    %dma_wait3A_85 = tpu.memref_squeeze %dma_wait3A_84 : memref<1x1024xf32, #tpu.memory_space<vmem>> -> memref<1024xf32, #tpu.memory_space<vmem>>
    %dma_wait3A_86 = arith.constant 0 : i32
    %dma_wait3A_87 = tpu.memref_slice %arg5[%dma_wait3A_86] : memref<260096xf32, #tpu.memory_space<hbm>> -> memref<1024xf32, #tpu.memory_space<hbm>>
    %dma_wait3A_88 = arith.constant 0 : i32
    %dma_wait3A_89 = tpu.memref_slice %arg5[%dma_wait3A_88] : memref<260096xf32, #tpu.memory_space<hbm>> -> memref<1024xf32, #tpu.memory_space<hbm>>
    %dma_wait3A_90 = arith.constant 0 : i32
    %dma_wait3A_91 = tpu.memref_slice %arg12[%dma_wait3A_82, %dma_wait3A_90] : memref<4x1024xf32, #tpu.memory_space<vmem>> -> memref<1x1024xf32, #tpu.memory_space<vmem>>
    %dma_wait3A_92 = tpu.memref_squeeze %dma_wait3A_91 : memref<1x1024xf32, #tpu.memory_space<vmem>> -> memref<1024xf32, #tpu.memory_space<vmem>>
    tpu.wait_dma2 semaphore(%arg20 : memref<!tpu.dma_semaphore, #tpu.memory_space<semaphore_mem>>) src(%dma_wait3A_92 : memref<1024xf32, #tpu.memory_space<vmem>>) dst(%dma_wait3A_89 : memref<1024xf32, #tpu.memory_space<hbm>>)
    %dma_wait3A_93 = arith.constant 2 : i32
    %dma_wait3A_94 = arith.constant 0 : i32
    %dma_wait3A_95 = tpu.memref_slice %arg12[%dma_wait3A_93, %dma_wait3A_94] : memref<4x1024xf32, #tpu.memory_space<vmem>> -> memref<1x1024xf32, #tpu.memory_space<vmem>>
    %dma_wait3A_96 = tpu.memref_squeeze %dma_wait3A_95 : memref<1x1024xf32, #tpu.memory_space<vmem>> -> memref<1024xf32, #tpu.memory_space<vmem>>
    %dma_wait3A_97 = arith.constant 0 : i32
    %dma_wait3A_98 = tpu.memref_slice %arg5[%dma_wait3A_97] : memref<260096xf32, #tpu.memory_space<hbm>> -> memref<1024xf32, #tpu.memory_space<hbm>>
    %dma_wait3A_99 = arith.constant 0 : i32
    %dma_wait3A_100 = tpu.memref_slice %arg5[%dma_wait3A_99] : memref<260096xf32, #tpu.memory_space<hbm>> -> memref<1024xf32, #tpu.memory_space<hbm>>
    %dma_wait3A_101 = arith.constant 0 : i32
    %dma_wait3A_102 = tpu.memref_slice %arg12[%dma_wait3A_93, %dma_wait3A_101] : memref<4x1024xf32, #tpu.memory_space<vmem>> -> memref<1x1024xf32, #tpu.memory_space<vmem>>
    %dma_wait3A_103 = tpu.memref_squeeze %dma_wait3A_102 : memref<1x1024xf32, #tpu.memory_space<vmem>> -> memref<1024xf32, #tpu.memory_space<vmem>>
    tpu.wait_dma2 semaphore(%arg21 : memref<!tpu.dma_semaphore, #tpu.memory_space<semaphore_mem>>) src(%dma_wait3A_103 : memref<1024xf32, #tpu.memory_space<vmem>>) dst(%dma_wait3A_100 : memref<1024xf32, #tpu.memory_space<hbm>>)
    %dma_wait3A_104 = arith.constant 3 : i32
    %dma_wait3A_105 = arith.constant 0 : i32
    %dma_wait3A_106 = tpu.memref_slice %arg12[%dma_wait3A_104, %dma_wait3A_105] : memref<4x1024xf32, #tpu.memory_space<vmem>> -> memref<1x1024xf32, #tpu.memory_space<vmem>>
    %dma_wait3A_107 = tpu.memref_squeeze %dma_wait3A_106 : memref<1x1024xf32, #tpu.memory_space<vmem>> -> memref<1024xf32, #tpu.memory_space<vmem>>
    %dma_wait3A_108 = arith.constant 0 : i32
    %dma_wait3A_109 = tpu.memref_slice %arg5[%dma_wait3A_108] : memref<260096xf32, #tpu.memory_space<hbm>> -> memref<1024xf32, #tpu.memory_space<hbm>>
    %dma_wait3A_110 = arith.constant 0 : i32
    %dma_wait3A_111 = tpu.memref_slice %arg5[%dma_wait3A_110] : memref<260096xf32, #tpu.memory_space<hbm>> -> memref<1024xf32, #tpu.memory_space<hbm>>
    %dma_wait3A_112 = arith.constant 0 : i32
    %dma_wait3A_113 = tpu.memref_slice %arg12[%dma_wait3A_104, %dma_wait3A_112] : memref<4x1024xf32, #tpu.memory_space<vmem>> -> memref<1x1024xf32, #tpu.memory_space<vmem>>
    %dma_wait3A_114 = tpu.memref_squeeze %dma_wait3A_113 : memref<1x1024xf32, #tpu.memory_space<vmem>> -> memref<1024xf32, #tpu.memory_space<vmem>>
    tpu.wait_dma2 semaphore(%arg22 : memref<!tpu.dma_semaphore, #tpu.memory_space<semaphore_mem>>) src(%dma_wait3A_114 : memref<1024xf32, #tpu.memory_space<vmem>>) dst(%dma_wait3A_111 : memref<1024xf32, #tpu.memory_space<hbm>>)
    %eq3A_115 = arith.constant 0 : i32
    %eq3A_116 = arith.cmpi eq, %add3A, %eq3A_115 : i32
    %convert_element_type3A_117 = arith.extui %eq3A_116 : i1 to i32
    %cond3A = arith.constant 0 : i32
    %cond3A_118 = arith.cmpi ne, %convert_element_type3A_117, %cond3A : i32
    scf.if %cond3A_118 {
      "tpu.region"() ({
        %run_scoped3A = tpu.sem_alloc : memref<!tpu.dma_semaphore, #tpu.memory_space<semaphore_mem>>
        tpu.enqueue_dma source(%arg3 : memref<16xi32, #tpu.memory_space<hbm>>) target(%arg13 : memref<16xi32, #tpu.memory_space<vmem>>) target_semaphore(%run_scoped3A : memref<!tpu.dma_semaphore, #tpu.memory_space<semaphore_mem>>)
        tpu.wait_dma2 semaphore(%run_scoped3A : memref<!tpu.dma_semaphore, #tpu.memory_space<semaphore_mem>>) src(%arg3 : memref<16xi32, #tpu.memory_space<hbm>>) dst(%arg13 : memref<16xi32, #tpu.memory_space<vmem>>)
        tpu.yield
      }) : () -> ()
      "tpu.region"() ({
        %run_scoped3A = tpu.sem_alloc : memref<!tpu.dma_semaphore, #tpu.memory_space<semaphore_mem>>
        tpu.enqueue_dma source(%arg4 : memref<16xi32, #tpu.memory_space<hbm>>) target(%arg14 : memref<16xi32, #tpu.memory_space<vmem>>) target_semaphore(%run_scoped3A : memref<!tpu.dma_semaphore, #tpu.memory_space<semaphore_mem>>)
        tpu.wait_dma2 semaphore(%run_scoped3A : memref<!tpu.dma_semaphore, #tpu.memory_space<semaphore_mem>>) src(%arg4 : memref<16xi32, #tpu.memory_space<hbm>>) dst(%arg14 : memref<16xi32, #tpu.memory_space<vmem>>)
        tpu.yield
      }) : () -> ()
      %get3A = arith.constant 0 : index
      %get3A_119 = tpu.vector_load %arg14[%get3A] {strides = array<i32>} : memref<16xi32, #tpu.memory_space<vmem>>, vector<16xi32>,
      %get3A_120 = arith.constant 0 : index
      %get3A_121 = tpu.vector_load %arg13[%get3A_120] {strides = array<i32>} : memref<16xi32, #tpu.memory_space<vmem>>, vector<16xi32>,
      %sub3A_122 = arith.subi %get3A_119, %get3A_121 : vector<16xi32>
      %sub3A_123 = arith.constant 16 : i32
      %sub3A_124 = vector.broadcast %sub3A_123 : i32 to vector<16xi32>
      %sub3A_125 = arith.subi %sub3A_122, %sub3A_124 : vector<16xi32>
      %shift_right_arithmetic3A = arith.constant 4 : i32
      %shift_right_arithmetic3A_126 = vector.broadcast %shift_right_arithmetic3A : i32 to vector<16xi32>
      %shift_right_arithmetic3A_127 = arith.shrsi %sub3A_125, %shift_right_arithmetic3A_126 : vector<16xi32>
      %jit3A_128 = arith.constant 0 : i32
      %jit3A_129 = arith.constant 127 : i32
      %max3A = vector.broadcast %jit3A_128 : i32 to vector<16xi32>
      %max3A_130 = arith.maxsi %max3A, %shift_right_arithmetic3A_127 : vector<16xi32>
      %min3A = vector.broadcast %jit3A_129 : i32 to vector<16xi32>
      %min3A_131 = arith.minsi %min3A, %max3A_130 : vector<16xi32>
      %broadcast_in_dim3A = arith.constant true
      %broadcast_in_dim3A_132 = vector.broadcast %broadcast_in_dim3A : i1 to vector<16xi1>
      %masked_cumsum3A = tpu.scan <sum>, %min3A_131 masked %broadcast_in_dim3A_132 : vector<16xi32>, vector<16xi1> -> vector<16xi32>
      %swap3A = arith.constant 0 : index
      %swap3A_133 = tpu.vector_load %arg14[%swap3A] {strides = array<i32>} : memref<16xi32, #tpu.memory_space<vmem>>, vector<16xi32>,
      tpu.vector_store %arg14[%swap3A], %masked_cumsum3A {strides = array<i32>} : memref<16xi32, #tpu.memory_space<vmem>>, vector<16xi32>,
      "tpu.region"() ({
        %run_scoped3A = tpu.sem_alloc : memref<!tpu.dma_semaphore, #tpu.memory_space<semaphore_mem>>
        tpu.enqueue_dma source(%arg14 : memref<16xi32, #tpu.memory_space<vmem>>) target(%arg6 : memref<16xi32, #tpu.memory_space<hbm>>) target_semaphore(%run_scoped3A : memref<!tpu.dma_semaphore, #tpu.memory_space<semaphore_mem>>)
        tpu.wait_dma2 semaphore(%run_scoped3A : memref<!tpu.dma_semaphore, #tpu.memory_space<semaphore_mem>>) src(%arg14 : memref<16xi32, #tpu.memory_space<vmem>>) dst(%arg6 : memref<16xi32, #tpu.memory_space<hbm>>)
        tpu.yield
      }) : () -> ()
    } else {
    }
    return
  }
}

module attributes {stable_mosaic.version = 14 : i64} {
  func.func @_tc_body(%arg0: i32, %arg1: memref<2048x8x128xf32, #tpu.memory_space<vmem>>, %arg2: memref<127x8x128xf32, #tpu.memory_space<vmem>>) attributes {dimension_semantics = [#tpu.dimension_semantics<arbitrary>], iteration_bounds = array<i64: 14>, scalar_prefetch = 0 : i64, scratch_operands = 0 : i64, tpu.core_type = #tpu.core_type<tc>, window_params = [{transform_indices = @transform_0, window_bounds = array<i64: 2048, 8, 128>}, {transform_indices = @transform_1, window_bounds = array<i64: 127, 8, 128>}]} {
    %get3A = arith.constant 0 : index
    %get3A_0 = arith.constant 0 : index
    %get3A_1 = arith.constant 0 : index
    %get3A_2 = vector.load %arg1[%get3A, %get3A_0, %get3A_1] : memref<2048x8x128xf32, #tpu.memory_space<vmem>>, vector<2048x8x128xf32>
    %reshape3A = vector.shape_cast %get3A_2 : vector<2048x8x128xf32> to vector<128x16x8x128xf32>
    %reduce_sum3A = arith.constant dense<0.000000e+00> : vector<128x8x128xf32>
    %reduce_sum3A_3 = vector.multi_reduction <add>, %reshape3A, %reduce_sum3A [1] : vector<128x16x8x128xf32> to vector<128x8x128xf32>
    %slice3A = vector.extract_strided_slice %reduce_sum3A_3 {offsets = [0, 0, 0], sizes = [127, 8, 128], strides = [1, 1, 1]} : vector<128x8x128xf32> to vector<127x8x128xf32>
    %slice3A_4 = vector.extract_strided_slice %reduce_sum3A_3 {offsets = [1, 0, 0], sizes = [127, 8, 128], strides = [1, 1, 1]} : vector<128x8x128xf32> to vector<127x8x128xf32>
    %add3A = arith.addf %slice3A, %slice3A_4 : vector<127x8x128xf32>
    %mul3A = arith.constant 3.125000e-02 : f32
    %mul3A_5 = vector.broadcast %mul3A : f32 to vector<127x8x128xf32>
    %mul3A_6 = arith.mulf %add3A, %mul3A_5 : vector<127x8x128xf32>
    %swap3A = arith.constant 0 : index
    %swap3A_7 = arith.constant 0 : index
    %swap3A_8 = arith.constant 0 : index
    %swap3A_9 = vector.load %arg2[%swap3A, %swap3A_7, %swap3A_8] : memref<127x8x128xf32, #tpu.memory_space<vmem>>, vector<127x8x128xf32>
    tpu.vector_store %arg2[%swap3A, %swap3A_7, %swap3A_8], %mul3A_6 {strides = array<i32>} : memref<127x8x128xf32, #tpu.memory_space<vmem>>, vector<127x8x128xf32>,
    return
  }
  func.func @transform_0(%arg0: i32) -> (i32, i32, i32) {
    %add3A = arith.constant 2 : i32
    %add3A_0 = arith.addi %add3A, %arg0 : i32
    %c0_i32 = arith.constant 0 : i32
    %c0_i32_1 = arith.constant 0 : i32
    %c0_i32_2 = arith.constant 0 : i32
    return %add3A_0, %c0_i32, %c0_i32_1 : i32, i32, i32
  }
  func.func @transform_1(%arg0: i32) -> (i32, i32, i32) {
    %add3A = arith.constant 2 : i32
    %add3A_0 = arith.addi %add3A, %arg0 : i32
    %c0_i32 = arith.constant 0 : i32
    %c0_i32_1 = arith.constant 0 : i32
    %c0_i32_2 = arith.constant 0 : i32
    return %add3A_0, %c0_i32, %c0_i32_1 : i32, i32, i32
  }
}

</mosaic_0001>

<sc_bundles>
// kernel: kernel.4.cloned.1.call-start
scs
__scs_entry_jumppad:
0x0: {  	(pc) =	sbr.rel $0x88, $3  }
0x1: {  	(tag) =	ssettag $0x0;
	lr =	simm.s32 $0x1  }
0x2: {  	[smem:$0x3F9F] =	sst lr;
	_ =	strace $0xD0000000  }
0x3: {  	_ = 	snop  }
0x4: {  	_ = 	snop  }
0x5: {  	_ = 	snop  }
0x6: {  	_ = 	snop  }
0x7: {  	_ = 	snop  }
__scs_overlays_trampoline_lowered:
0x8: {  	[smem:$0x3FAE] =	sst s0  }
0x9: {  	[smem:$0x3FAF] =	sst s1  }
0xa: {  	[smem:$0x3FB0] =	sst s2  }
0xb: {  	[smem:$0x3FB1] =	sst s3  }
0xc: {  	[smem:$0x3FB2] =	sst s4  }
0xd: {  	[smem:$0x3FB3] =	sst s5  }
0xe: {  	[smem:$0x3FB4] =	sst s6  }
0xf: {  	[smem:$0x3FB5] =	sst s7  }
0x10: {  	[smem:$0x3FB6] =	sst s8  }
0x11: {  	[smem:$0x3FB7] =	sst s9;
	s0 =	simm.s32 @!p0 $0x0  }
0x12: {  	s1 =	sld [smem:$0x3F9D];
	s0 =	simm.s32 @p0 $0x1  }
0x13: {  	[smem:$0x3FB8] =	sst s0;
	s0 =	simm.s32 @!p1 $0x0  }
0x14: {  	s2 =	sld [smem:$0x3F9C];
	s0 =	simm.s32 @p1 $0x1  }
0x15: {  	[smem:$0x3FB9] =	sst s0;
	s0 =	simm.s32 @!p2 $0x0  }
0x16: {  	s3 =	sld [smem:$0x3FDB];
	s0 =	simm.s32 @p2 $0x1  }
0x17: {  	s4 =	simm.s32 $0x1BF5;
	[smem:$0x3FBB] =	sst s0  }
0x18: {  	s0 =	sld [smem:$0x3F9E];
	_ =	swait.ge [sflag:s4], $0x0  }
0x19: {  	s7 =	sld [smem:$0x3F9F]  }
0x1a: {  	s8 =	sadd.s32 $0xFFFFE003, lr  }
0x1b: {  	s9 =	sadd.s32 $0xFFFFFEF7, lr;
	s5 =	simm.s32 $0xFFFFFFFF;
	p2 =	slt.u32 s8, $0xFFFFF086  }
0x1c: {  	p1 =	slt.u32 s9, $0xF7A;
	s5 =	simm.s32 @!p2 $0x0  }
0x1d: {  	s5 =	simm.s32 @p1 $0x1;
	p0 =	seq.s32 s7, s2  }
0x1e: {  	s7 =	smul.u32 @!p0 $0xF7A, s2;
	p2 =	seq.s32 @!p0 s5, $0x0  }
0x1f: {  	s9 =	smul.u32 $0xF7A, s1;
	s8 =	simm.s32 @!p0 $0x1BF5;
	p2 =	por !p2, p0  }
0x20: {  	[sflag:s8] =	ssyncset.s32 @!p0 $0xFFFFF086;
	s6 =	sadd.s32 @!p0 s3, s7;
	s7 =	simm.s32 @!p0 $0x108  }
0x21: {  	s3 =	sadd.s32 s3, s9;
	s6 =	sadd.s32 @!p0 $0x88, s6;
	s7 =	simm.s32 @p2 $0x1082  }
0x22: {  	[simem:s7], [sflag:s8] =	dma.local @!p0 [hbm:s6], $0xF7A  }
0x23: {  	s9 =	sor.u32 $0xD0000000, s2;
	s6 =	simm.s32 $0x108;
	_ =	swait.ge @!p0 [sflag:s8], $0x0  }
0x24: {  	s3 =	sadd.s32 $0x88, s3;
	s6 =	simm.s32 @!p1 $0x1082;
	[sflag:s4] =	ssyncset.s32 $0xFFFFF086  }
0x25: {  	[simem:s6], [sflag:s4] =	dma.local [hbm:s3], $0xF7A  }
0x26: {  	[smem:$0x3F9F] =	sst s1;
	(tag) =	ssettag s2;
	_ =	strace s9  }
0x27: {  	s1 =	sld [smem:$0x3FAF]  }
0x28: {  	s2 =	sld [smem:$0x3FB0]  }
0x29: {  	s4 =	sld [smem:$0x3FB2]  }
0x2a: {  	p0 =	seq.s32 s5, $0x0;
	s5 =	sld [smem:$0x3FB3]  }
0x2b: {  	s6 =	sld [smem:$0x3FB4]  }
0x2c: {  	s7 =	sld [smem:$0x3FB5]  }
0x2d: {  	s3 =	simm.s32 $0x108;
	s8 =	sld [smem:$0x3FB6]  }
0x2e: {  	s3 =	simm.s32 @!p0 $0x1082;
	s9 =	sld [smem:$0x3FB7]  }
0x2f: {  	lr =	sadd.s32 s0, s3;
	s0 =	sld [smem:$0x3FAE]  }
0x30: {  	s3 =	sld [smem:$0x3FB1]  }
0x31: {  	[smem:$0x3FBA] =	sst s10  }
0x32: {  	s10 =	sld [smem:$0x3FB8];
	_ =	sdelay $0x3  }
0x33: {  	p0 =	seq.s32 s10, $0x1;
	s10 =	sld [smem:$0x3FBA];
	_ =	sdelay $0x3  }
0x34: {  	[smem:$0x3FBA] =	sst s10  }
0x35: {  	s10 =	sld [smem:$0x3FB9];
	_ =	sdelay $0x3  }
0x36: {  	p1 =	seq.s32 s10, $0x1;
	s10 =	sld [smem:$0x3FBA];
	_ =	sdelay $0x3  }
0x37: {  	[smem:$0x3FBA] =	sst s10  }
0x38: {  	s10 =	sld [smem:$0x3FBB]  }
0x39: {  	_ = 	snop;
	(pc) =	sbr.ind lr, $3  }
0x3a: {  	_ = 	snop  }
0x3b: {  	_ = 	snop  }
0x3c: {  	p2 =	seq.s32 s10, $0x1;
	s10 =	sld [smem:$0x3FBA]  }
0x3d: {  	_ =	shalt  }
0x3e: {  	_ =	shalt  }
0x3f: {  	_ =	shalt  }
0x40: {  	_ =	shalt  }
0x41: {  	_ =	shalt  }
0x42: {  	_ =	shalt  }
0x43: {  	_ =	shalt  }
0x44: {  	_ =	shalt  }
0x45: {  	_ =	shalt  }
0x46: {  	_ =	shalt  }
0x47: {  	_ =	shalt  }
0x48: {  	_ =	shalt  }
0x49: {  	_ =	shalt  }
0x4a: {  	_ =	shalt  }
0x4b: {  	_ =	shalt  }
0x4c: {  	_ =	shalt  }
0x4d: {  	_ =	shalt  }
0x4e: {  	_ =	shalt  }
0x4f: {  	_ =	shalt  }
0x50: {  	_ =	shalt  }
0x51: {  	_ =	shalt  }
0x52: {  	_ =	shalt  }
0x53: {  	_ =	shalt  }
0x54: {  	_ =	shalt  }
0x55: {  	_ =	shalt  }
0x56: {  	_ =	shalt  }
0x57: {  	_ =	shalt  }
0x58: {  	_ =	shalt  }
0x59: {  	_ =	shalt  }
0x5a: {  	_ =	shalt  }
0x5b: {  	_ =	shalt  }
0x5c: {  	_ =	shalt  }
0x5d: {  	_ =	shalt  }
0x5e: {  	_ =	shalt  }
0x5f: {  	_ =	shalt  }
0x60: {  	_ =	shalt  }
0x61: {  	_ =	shalt  }
0x62: {  	_ =	shalt  }
0x63: {  	_ =	shalt  }
0x64: {  	_ =	shalt  }
0x65: {  	_ =	shalt  }
0x66: {  	_ =	shalt  }
0x67: {  	_ =	shalt  }
0x68: {  	_ =	shalt  }
0x69: {  	_ =	shalt  }
0x6a: {  	_ =	shalt  }
0x6b: {  	_ =	shalt  }
0x6c: {  	_ =	shalt  }
0x6d: {  	_ =	shalt  }
0x6e: {  	_ =	shalt  }
0x6f: {  	_ =	shalt  }
0x70: {  	_ =	shalt  }
0x71: {  	_ =	shalt  }
0x72: {  	_ =	shalt  }
0x73: {  	_ =	shalt  }
0x74: {  	_ =	shalt  }
0x75: {  	_ =	shalt  }
0x76: {  	_ =	shalt  }
0x77: {  	_ =	shalt  }
0x78: {  	_ =	shalt  }
0x79: {  	_ =	shalt  }
0x7a: {  	_ =	shalt  }
0x7b: {  	_ =	shalt  }
0x7c: {  	_ =	shalt  }
0x7d: {  	_ =	shalt  }
0x7e: {  	_ =	shalt  }
0x7f: {  	_ =	shalt  }
0x80: {  	_ =	shalt  }
0x81: {  	_ =	shalt  }
0x82: {  	_ =	shalt  }
0x83: {  	_ =	shalt  }
0x84: {  	_ =	shalt  }
0x85: {  	_ =	shalt  }
0x86: {  	_ =	shalt  }
0x87: {  	_ =	shalt  }
.Lfunc_end0:
.L_simem_size_0:
called_computation_lowered:
.L_overlay_start_0:
0x88: {  	s2 =	sld [smem:$0x3FD9]  }
0x89: {  	s3 =	sld [smem:$0x3FFE];
	_ =	sdelay $0x1  }
0x8a: {  	s1 =	srdreg.scid  }
0x8b: {  	s0 =	sand.u32 $0x1, s1  }
0x8c: {  	s14 =	sshll.u32 s0, $0xA;
	s2 =	sadd.s32 s3, s2  }
0x8d: {  	s2 =	sadd.s32 s2, s14  }
0x8e: {  	[smem:$0x3FC6] =	sst s2  }
0x8f: {  	_ = 	snop  }
0x90: {  	s2 =	sld [smem:$0x3FD0];
	_ =	sdelay $0x2  }
0x91: {  	s4 =	simm.s32 $0xA;
	s5 =	simm.s32 $0x10;
	s15 =	sld [smem:$0x3FC9]  }
0x92: {  	[smem:s5], [sflag:s4] =	dma.local [hbm:s2], $0x1  }
0x93: {  	_ =	swait.eq [sflag:s4], $0x1  }
0x94: {  	[sflag:s4] =	ssyncset.done $0x0  }
0x95: {  	[sflag:s4] =	ssyncadd.s32 $0xFFFFFFFF  }
0x96: {  	s16 =	sld [smem:$0x11];
	(tm) =	ssettm $0x1  }
0x97: {  	s17 =	sld [smem:$0x3FFB];
	_ =	sdelay $0x3  }
0x98: {  	_ =	strace s17  }
0x99: {  	s4 =	sld [smem:$0x3FFC];
	_ =	sdelay $0x3  }
0x9a: {  	_ =	strace s4  }
0x9b: {  	s4 =	sld [smem:$0x3FFD];
	_ =	sdelay $0x3  }
0x9c: {  	_ =	strace s4  }
0x9d: {  	_ =	strace $0x8FFFFFFF  }
0x9e: {  	s18 =	sld [smem:$0x3FDB];
	_ =	sdelay $0x1  }
0x9f: {  	s19 =	simm.s32 $_scs_section_size  }
0xa0: {  	s6 =	simm.s32 $_size__tile_overlayer_lowered;
	s7 =	simm.s32 $_tile_overlayer_lowered  }
0xa1: {  	s22 =	simm.s32 $0x1BFF;
	s21 =	sshll.u32 s7, $0x1;
	s4 =	sadd.s32 s19, s18  }
0xa2: {  	s8 =	simm.s32 $0x0;
	s20 =	sshll.u32 s6, $0x1;
	s6 =	sadd.s32 s21, s4  }
0xa3: {  	[timem:s8], [sflag:s22] =	dma.local [hbm:s6], s20  }
0xa4: {  	_ =	swait.ge [sflag:s22], s20  }
0xa5: {  	s5 =	ssub.s32 $0x0, s20;
	[sflag:s22] =	ssyncset.done $0x0  }
0xa6: {  	[sflag:s22] =	ssyncadd.s32 s5;
	_ =	sdelay $0x1  }
0xa7: {  	s23 =	simm.s32 $0x1B8B  }
0xa8: {  	_ =	swait.ge [sflag:s23], $0x1  }
0xa9: {  	[sflag:s23] =	ssyncset.done $0x0  }
0xaa: {  	s25 =	simm.s32 $0x1B8E;
	s24 =	sld [smem:$0x3FFE];
	[sflag:s23] =	ssyncadd.s32 $0xFFFFFFFF  }
0xab: {  	s26 =	simm.s32 $execute0_lowered;
	[smem:$0x3FD2] =	sst s25  }
0xac: {  	s6 =	sshll.u32 s26, $0x1;
	_ =	strace $0x80000046;
	[dreg:$0x1] =	wrdreg $0xFFFFFFFF  }
0xad: {  	s28 =	simm.s32 $_size_execute0_lowered;
	s4 =	sadd.s32 s4, s6;
	[dreg:$0x0] =	wrdreg $0x0  }
0xae: {  	s6 =	sshll.u32 s28, $0x1;
	[dreg:$0x2] =	wrdreg s4  }
0xaf: {  	[dreg:$0x3] =	wrdreg s6  }
0xb0: {  	[dreg:$0x4] =	wrdreg $0xC0  }
0xb1: {  	_ =	task [dreg:s8], $0x5FFFF  }
0xb2: {  	[dreg:$0x1] =	wrdreg $0xFFFFFFFF  }
0xb3: {  	[dreg:$0x0] =	wrdreg $0x60  }
0xb4: {  	[dreg:$0x2] =	wrdreg s15  }
0xb5: {  	[dreg:$0x3] =	wrdreg s24  }
0xb6: {  	[dreg:$0x4] =	wrdreg s16  }
0xb7: {  	[dreg:$0x5] =	wrdreg $0x9  }
0xb8: {  	_ =	task.clear_ibuf [dreg:s8], $0x6FFFF;
	_ =	strace $0x90000046  }
0xb9: {  	s29 =	simm.s32 $0x9;
	_ =	strace $0x80000048  }
0xba: {  	_ =	swait.ge [sflag:s29], $0x1  }
0xbb: {  	[sflag:s29] =	ssyncadd.s32 $0xFFFFFFFF  }
0xbc: {  	_ =	strace $0x90000048  }
0xbd: {  	_ =	sfence  }
0xbe: {  	s30 =	sld [smem:$0x0];
	_ =	sdelay $0x2  }
0xbf: {  	s31 =	sshll.u32 s1, $0xD;
	s1 =	sshrl.u32 s1, $0x2  }
0xc0: {  	s3 =	sand.u32 $0x4000, s31;
	s1 =	sadd.s32 s1, s30  }
0xc1: {  	s0 =	sor.u32 s3, s0;
	s1 =	sshll.u32 s1, $0x11  }
0xc2: {  	s0 =	sor.u32 s1, s0  }
0xc3: {  	s0 =	sadd.s32 $0x8F2B, s0  }
0xc4: {  	[sflag:s0] =	ssyncadd.remote.s32 $0x1  }
0xc5: {  	_ =	sfence.sel $0xFFFF  }
0xc6: {  	[dreg:$0x0] =	wrdreg $0xFFFFFFFF;
	(pc) =	sbr.abs _section_cstart, $3  }
0xc7: {  	[dreg:$0x1] =	wrdreg $0xFFFFFFFF  }
0xc8: {  	_ =	task.clear_ibuf [dreg:s8], $0x2FFFF;
	_ =	strace $0x9FFFFFFF  }
0xc9: {  	(tm) =	ssettm $0x7FFFFFFF  }
tec
execute0_lowered:
.L_overlay_start_1:
0x0: {  	(tag) =	ssettag $0x1  }
0x1: {  	s1 =	srdreg.scid;
	s0 =	rddreg [dreg:$0x0]  }
0x2: {  	s2 =	stileid.u32;
	s4 =	rddreg [dreg:$0x1];
	s3 =	simm.s32 $0x0  }
0x3: {  	s6 =	simm.s32 $0x1;
	s12 =	simm.s32 $0x8;
	s20 =	simm.s32 $0x11000  }
0x4: {  	s21 =	simm.s32 $0x2;
	s22 =	simm.s32 $0x11400;
	s23 =	simm.s32 $0x3  }
0x5: {  	s28 =	simm.s32 $0x5;
	s29 =	simm.s32 $0x6;
	s1 =	sand.u32 $0x1, s1  }
0x6: {  	s30 =	simm.s32 $0x7;
	s31 =	simm.s32 $0x0;
	s7 =	sor.u32 s2, s1  }
0x7: {  	p0 =	sne.s32 s2, $0x0;
	[smem:$0x7FF] =	sst s3;
	p1 =	seq.s32 s7, $0x0  }
0x8: {  	s5 =	sadd.s32 $0xA00, s4;
	s9 =	sshll.u32 s2, $0x3;
	p1 =	por !p0, !p1  }
0x9: {  	_ =	strace $0x80000047;
	[dreg:$0x4] =	wrdreg s5;
	p1 =	por !p1, !p1  }
0xa: {  	s5 =	sadd.s32 $0xE00, s4;
	s4 =	sadd.s32 $0xC00, s4;
	s6 =	simm.s32 @!p1 $0x0  }
0xb: {  	[dreg:$0x5] =	wrdreg s4;
	s8 =	ssub.s32 s1, s6;
	s1 =	ssub.s32 $0x2, s1  }
0xc: {  	p1 =	seq.s32 s2, $0xF;
	s6 =	sshll.u32 s8, $0x7;
	s10 =	sshrl.u32 s1, $0x1  }
0xd: {  	s11 =	smul.u32 $0x7F, s8;
	s8 =	simm.s32 $0x1;
	s6 =	sor.u32 s9, s6  }
0xe: {  	s1 =	ssub.s32 s1, s10;
	s10 =	simm.s32 $0x8;
	s24 =	sshll.u32 s6, $0xB  }
.Ltmp0:
0xf: {  	s9 =	sadd.s32 s9, s11;
	s4 =	sand.u32 $0x1FFFC000, s24;
	(pc) =	sbr.rel .LBB2_1-.Ltmp0, $4  }
0x10: {  	s10 =	simm.s32 @!p1 $0x9;
	s16 =	smax.u32 s1, $0x1;
	s11 =	sadd.s32 s0, s4  }
0x11: {  	p1 =	sne.s32 s7, $0x0;
	s24 =	simm.s32 $0x11800;
	s25 =	sadd.s32 $0x800, s11  }
0x12: {  	s26 =	sadd.s32 $0x1000, s11;
	s15 =	sadd.s32 $0x1800, s11;
	[dreg:$0x6] =	wrdreg s25  }
0x13: {  	[dreg:$0x7] =	wrdreg s26;
	s25 =	simm.s32 $0x4;
	s26 =	simm.s32 $0x11C00  }
.LBB2_23:
0x14: {  	_ =	swait.ge [sflag:s28], $0x400  }
0x15: {  	[sflag:s28] =	ssyncset.done $0x0  }
0x16: {  	[sflag:s28] =	ssyncadd.s32 $0xFFFFFC00  }
0x17: {  	_ =	swait.ge [sflag:s29], $0x400  }
0x18: {  	[sflag:s29] =	ssyncset.done $0x0  }
0x19: {  	[sflag:s29] =	ssyncadd.s32 $0xFFFFFC00  }
0x1a: {  	_ =	swait.ge [sflag:s30], $0x400  }
0x1b: {  	[sflag:s30] =	ssyncset.done $0x0  }
0x1c: {  	[sflag:s30] =	ssyncadd.s32 $0xFFFFFC00  }
0x1d: {  	_ =	swait.ge [sflag:s12], $0x400  }
0x1e: {  	s1 =	simm.s32 @!p1 $0x0;
	[sflag:s12] =	ssyncset.done $0x0  }
0x1f: {  	s2 =	simm.s32 @!p1 $0x12000;
	s4 =	rddreg [dreg:$0x4];
	[sflag:s12] =	ssyncadd.s32 $0xFFFFFC00  }
0x20: {  	[tilespmem:s2], [sflag:$0x9] =	stream.linear.gather @!p1 [hbm4b:s4+s1], $0x10, $0x38;
	[tilespmem:$0x12020] =	vst v63  }
0x21: {  	s2 =	simm.s32 @!p1 $0x9  }
0x22: {  	_ =	swait.ge @!p1 [sflag:s2], $0x10  }
0x23: {  	[sflag:s2] =	ssyncset.done @!p1 $0x0  }
0x24: {  	[sflag:s2] =	ssyncadd.s32 @!p1 $0xFFFFFFF0  }
0x25: {  	s4 =	simm.s32 @!p1 $0x12010;
	s7 =	rddreg [dreg:$0x2]  }
0x26: {  	[tilespmem:s4], [sflag:$0x9] =	stream.linear.gather @!p1 [hbm4b:s7+s1], $0x10, $0x38;
	[tilespmem:$0x12020] =	vst v63  }
0x27: {  	_ =	swait.ge @!p1 [sflag:s2], $0x10  }
0x28: {  	[sflag:s2] =	ssyncset.done @!p1 $0x0  }
0x29: {  	[sflag:s2] =	ssyncadd.s32 @!p1 $0xFFFFFFF0  }
0x2a: {  	v0 =	vld @!p1 [tilespmem:$0x12010]  }
0x2b: {  	v1 =	vld @!p1 [tilespmem:$0x12000];
	_ =	sdelay $0x4  }
0x2c: {  	v0 =	vsub.s32 @!p1 v0, v1  }
0x2d: {  	v0 =	vadd.s32 @!p1 $0xFFFFFFF0, v0  }
0x2e: {  	v0 =	vshra.s32 @!p1 v0, $0x4  }
0x2f: {  	vm0 =	vgt.s32 @!p1 v0, $0x0  }
0x30: {  	v0 =	vnsel @!p1 vm0, $0x0, v0  }
0x31: {  	v0 =	vmin.u32 @!p1 v0, $0x7F  }
0x32: {  	(xrf0) =	vadd.scan.msk.s32 @!p1 $0xffff, v0;
	_ =	sdelay $0x4  }
0x33: {  	s31 =	sadd.s32 $0x1, s31  }
0x34: {  	p2 =	sne.s32 s31, s16;
	v0, _, _ =	vpop @!p1 (xrf0)  }
.Ltmp1:
0x35: {  	s7 =	rddreg [dreg:$0x5];
	[tilespmem:$0x12010] =	vst @!p1 v0;
	(pc) =	sbr.rel @!p2 .LBB2_24-.Ltmp1, $4  }
0x36: {  	[hbm4b:s7+s1] =	stream.linear.scatter @!p1 [tilespmem:s4], [sflag:$0x9], $0x10, $0x38;
	[tilespmem:$0x12020] =	vst v63  }
0x37: {  	_ =	swait.ge @!p1 [sflag:s2], $0x10  }
0x38: {  	[sflag:s2] =	ssyncset.done @!p1 $0x0  }
0x39: {  	[sflag:s2] =	ssyncadd.s32 @!p1 $0xFFFFFFF0  }
.LBB2_1:
0x3a: {  	[tilespmem:s3], [sflag:$0x1] =	stream.linear.gather [hbm4b:s11+s3], $0x4000, $0x38;
	[tilespmem:$0x12020] =	vst v63  }
0x3b: {  	s1 =	rddreg [dreg:$0x6];
	s2 =	simm.s32 $0x4000  }
0x3c: {  	[tilespmem:s2], [sflag:$0x2] =	stream.linear.gather [hbm4b:s1+s3], $0x4000, $0x38;
	[tilespmem:$0x12020] =	vst v63  }
.Ltmp2:
0x3d: {  	_ = 	snop;
	(pc) =	sbr.rel .LBB2_2-.Ltmp2, $4  }
0x3e: {  	s17 =	rddreg [dreg:$0x7];
	s18 =	simm.s32 $0x8000  }
0x3f: {  	[tilespmem:s18], [sflag:$0x3] =	stream.linear.gather [hbm4b:s17+s3], $0x4000, $0x38;
	[tilespmem:$0x12020] =	vst v63  }
0x40: {  	s19 =	simm.s32 $0xC000;
	s1 =	simm.s32 $0x0  }
0x41: {  	[tilespmem:s19], [sflag:$0x4] =	stream.linear.gather [hbm4b:s15+s3], $0x4000, $0x38;
	[tilespmem:$0x12020] =	vst v63  }
.LBB2_22:
0x42: {  	s1 =	sadd.s32 $0x1, s1  }
0x43: {  	p2 =	sne.s32 s1, $0x3  }
.Ltmp3:
0x44: {  	_ = 	snop;
	(pc) =	sbr.rel @!p2 .LBB2_23-.Ltmp3, $1  }
0x45: {  	_ =	sdelay $0x3  }
.LBB2_2:
0x46: {  	s2 =	sshll.u32 s1, $0x2  }
0x47: {  	p2 =	sge.u32 s2, s10  }
.Ltmp4:
0x48: {  	_ = 	snop;
	(pc) =	sbr.rel @p2 .LBB2_10-.Ltmp4, $1  }
0x49: {  	_ =	sdelay $0x3  }
0x4a: {  	_ =	swait.ge [sflag:s8], $0x4000  }
.Ltmp5:
0x4b: {  	p2 =	sne.s32 s1, $0x2;
	[sflag:s8] =	ssyncset.done $0x0;
	(pc) =	sbr.rel .LBB2_4-.Ltmp5, $4  }
0x4c: {  	s4 =	simm.s32 @!p2 $0x5;
	[sflag:s8] =	ssyncadd.s32 $0xFFFFC000  }
0x4d: {  	s7 =	simm.s32 $0x2000;
	s13 =	simm.s32 $0x10C30;
	_ =	swait.ge @!p2 [sflag:s4], $0x400  }
0x4e: {  	s14 =	simm.s32 $0x11020;
	p3 =	sne.s32 s1, $0x0;
	[sflag:s4] =	ssyncset.done @!p2 $0x0  }
0x4f: {  	[sflag:s4] =	ssyncadd.s32 @!p2 $0xFFFFFC00;
	s4 =	simm.s32 $0x0;
	p2 =	seq.s32 s1, $0x0  }
.LBB2_5:
0x50: {  	p4 =	sgt.u32 s4, $0x3B  }
.Ltmp6:
0x51: {  	_ = 	snop;
	(pc) =	sbr.rel @p4 .LBB2_9-.Ltmp6, $1  }
0x52: {  	_ =	sdelay $0x3  }
.LBB2_6:
0x53: {  	s4 =	sadd.s32 $0x4, s4  }
0x54: {  	s7 =	sadd.s32 $0x40, s7;
	s13 =	sadd.s32 $0x40, s13;
	s14 =	sadd.s32 $0x40, s14  }
.LBB2_4:
0x55: {  	v0 =	vld [tilespmem:s7+$0xFFFFE000]  }
0x56: {  	v1 =	vld [tilespmem:s7+$0xFFFFE400];
	_ =	sdelay $0x1  }
0x57: {  	v2 =	vld [tilespmem:s7+$0xFFFFE800];
	_ =	sdelay $0x1  }
0x58: {  	v3 =	vld [tilespmem:s7+$0xFFFFEC00]  }
0x59: {  	v0 =	vadd.f32 v1, v0  }
0x5a: {  	v1 =	vld [tilespmem:s7+$0xFFFFF000]  }
0x5b: {  	v0 =	vadd.f32 v2, v0  }
0x5c: {  	v2 =	vld [tilespmem:s7+$0xFFFFF400]  }
0x5d: {  	v0 =	vadd.f32 v3, v0  }
0x5e: {  	v3 =	vld [tilespmem:s7+$0xFFFFF800]  }
0x5f: {  	v0 =	vadd.f32 v1, v0  }
0x60: {  	v1 =	vld [tilespmem:s7+$0xFFFFFC00]  }
0x61: {  	v0 =	vadd.f32 v2, v0  }
0x62: {  	v2 =	vld [tilespmem:s7+$0x0]  }
0x63: {  	v0 =	vadd.f32 v3, v0  }
0x64: {  	v3 =	vld [tilespmem:s7+$0x400]  }
0x65: {  	v0 =	vadd.f32 v1, v0  }
0x66: {  	v1 =	vld [tilespmem:s7+$0x800]  }
0x67: {  	v0 =	vadd.f32 v2, v0  }
0x68: {  	v2 =	vld [tilespmem:s7+$0xC00]  }
0x69: {  	v0 =	vadd.f32 v3, v0  }
0x6a: {  	v3 =	vld [tilespmem:s7+$0x1000]  }
0x6b: {  	v0 =	vadd.f32 v1, v0  }
0x6c: {  	v1 =	vld [tilespmem:s7+$0x1400]  }
0x6d: {  	v0 =	vadd.f32 v2, v0  }
0x6e: {  	v2 =	vld [tilespmem:s7+$0x1800]  }
0x6f: {  	v0 =	vadd.f32 v3, v0  }
0x70: {  	v3 =	vld [tilespmem:s7+$0x1C00]  }
0x71: {  	v0 =	vadd.f32 v1, v0  }
0x72: {  	v1 =	vld @!p2 [tilespmem:s13+$0xFFFFFFD0]  }
0x73: {  	v0 =	vadd.f32 v2, v0;
	_ =	sdelay $0x1  }
0x74: {  	v0 =	vadd.f32 v3, v0;
	_ =	sdelay $0x1  }
0x75: {  	v1 =	vadd.f32 @!p2 v1, v0;
	_ =	sdelay $0x1  }
0x76: {  	v1 =	vmul.f32 @!p2 $3.125000000e-02, v1  }
0x77: {  	[tilespmem:s13+$0xFFFFF3D0] =	vst v0  }
0x78: {  	[tilespmem:s14+$0xFFFFFFE0] =	vst @!p2 v1  }
0x79: {  	v0 =	vld [tilespmem:s7+$0xFFFFE010]  }
0x7a: {  	v1 =	vld [tilespmem:s7+$0xFFFFE410];
	_ =	sdelay $0x1  }
0x7b: {  	v2 =	vld [tilespmem:s7+$0xFFFFE810];
	_ =	sdelay $0x1  }
0x7c: {  	v3 =	vld [tilespmem:s7+$0xFFFFEC10]  }
0x7d: {  	v0 =	vadd.f32 v1, v0  }
0x7e: {  	v1 =	vld [tilespmem:s7+$0xFFFFF010]  }
0x7f: {  	v0 =	vadd.f32 v2, v0  }
0x80: {  	v2 =	vld [tilespmem:s7+$0xFFFFF410]  }
0x81: {  	v0 =	vadd.f32 v3, v0  }
0x82: {  	v3 =	vld [tilespmem:s7+$0xFFFFF810]  }
0x83: {  	v0 =	vadd.f32 v1, v0  }
0x84: {  	v1 =	vld [tilespmem:s7+$0xFFFFFC10]  }
0x85: {  	v0 =	vadd.f32 v2, v0  }
0x86: {  	v2 =	vld [tilespmem:s7+$0x10]  }
0x87: {  	v0 =	vadd.f32 v3, v0  }
0x88: {  	v3 =	vld [tilespmem:s7+$0x410]  }
0x89: {  	v0 =	vadd.f32 v1, v0  }
0x8a: {  	v1 =	vld [tilespmem:s7+$0x810]  }
0x8b: {  	v0 =	vadd.f32 v2, v0  }
0x8c: {  	v2 =	vld [tilespmem:s7+$0xC10]  }
0x8d: {  	v0 =	vadd.f32 v3, v0  }
0x8e: {  	v3 =	vld [tilespmem:s7+$0x1010]  }
0x8f: {  	v0 =	vadd.f32 v1, v0  }
0x90: {  	v1 =	vld [tilespmem:s7+$0x1410]  }
0x91: {  	v0 =	vadd.f32 v2, v0  }
0x92: {  	v2 =	vld [tilespmem:s7+$0x1810]  }
0x93: {  	v0 =	vadd.f32 v3, v0  }
0x94: {  	v3 =	vld [tilespmem:s7+$0x1C10]  }
0x95: {  	v0 =	vadd.f32 v1, v0  }
0x96: {  	v1 =	vld @!p2 [tilespmem:s13+$0xFFFFFFE0]  }
0x97: {  	v0 =	vadd.f32 v2, v0;
	_ =	sdelay $0x1  }
0x98: {  	v0 =	vadd.f32 v3, v0;
	_ =	sdelay $0x1  }
0x99: {  	v1 =	vadd.f32 @!p2 v1, v0;
	_ =	sdelay $0x1  }
0x9a: {  	v1 =	vmul.f32 @!p2 $3.125000000e-02, v1  }
0x9b: {  	[tilespmem:s13+$0xFFFFF3E0] =	vst v0  }
0x9c: {  	[tilespmem:s14+$0xFFFFFFF0] =	vst @!p2 v1  }
0x9d: {  	v0 =	vld [tilespmem:s7+$0xFFFFE020]  }
0x9e: {  	v1 =	vld [tilespmem:s7+$0xFFFFE420];
	_ =	sdelay $0x1  }
0x9f: {  	v2 =	vld [tilespmem:s7+$0xFFFFE820];
	_ =	sdelay $0x1  }
0xa0: {  	v3 =	vld [tilespmem:s7+$0xFFFFEC20]  }
0xa1: {  	v0 =	vadd.f32 v1, v0  }
0xa2: {  	v1 =	vld [tilespmem:s7+$0xFFFFF020]  }
0xa3: {  	v0 =	vadd.f32 v2, v0  }
0xa4: {  	v2 =	vld [tilespmem:s7+$0xFFFFF420]  }
0xa5: {  	v0 =	vadd.f32 v3, v0  }
0xa6: {  	v3 =	vld [tilespmem:s7+$0xFFFFF820]  }
0xa7: {  	v0 =	vadd.f32 v1, v0  }
0xa8: {  	v1 =	vld [tilespmem:s7+$0xFFFFFC20]  }
0xa9: {  	v0 =	vadd.f32 v2, v0  }
0xaa: {  	v2 =	vld [tilespmem:s7+$0x20]  }
0xab: {  	v0 =	vadd.f32 v3, v0  }
0xac: {  	v3 =	vld [tilespmem:s7+$0x420]  }
0xad: {  	v0 =	vadd.f32 v1, v0  }
0xae: {  	v1 =	vld [tilespmem:s7+$0x820]  }
0xaf: {  	v0 =	vadd.f32 v2, v0  }
0xb0: {  	v2 =	vld [tilespmem:s7+$0xC20]  }
0xb1: {  	v0 =	vadd.f32 v3, v0  }
0xb2: {  	v3 =	vld [tilespmem:s7+$0x1020]  }
0xb3: {  	v0 =	vadd.f32 v1, v0  }
0xb4: {  	v1 =	vld [tilespmem:s7+$0x1420]  }
0xb5: {  	v0 =	vadd.f32 v2, v0  }
0xb6: {  	v2 =	vld [tilespmem:s7+$0x1820]  }
0xb7: {  	v0 =	vadd.f32 v3, v0  }
0xb8: {  	v3 =	vld [tilespmem:s7+$0x1C20]  }
0xb9: {  	v0 =	vadd.f32 v1, v0  }
0xba: {  	v1 =	vld @!p2 [tilespmem:s13+$0xFFFFFFF0]  }
0xbb: {  	v0 =	vadd.f32 v2, v0;
	_ =	sdelay $0x1  }
0xbc: {  	v0 =	vadd.f32 v3, v0;
	_ =	sdelay $0x1  }
0xbd: {  	v1 =	vadd.f32 @!p2 v1, v0;
	_ =	sdelay $0x1  }
0xbe: {  	v1 =	vmul.f32 @!p2 $3.125000000e-02, v1  }
0xbf: {  	[tilespmem:s13+$0xFFFFF3F0] =	vst v0  }
0xc0: {  	[tilespmem:s14+$0x0] =	vst @!p2 v1  }
0xc1: {  	v0 =	vld [tilespmem:s7+$0xFFFFE030]  }
0xc2: {  	v1 =	vld [tilespmem:s7+$0xFFFFE430];
	_ =	sdelay $0x1  }
0xc3: {  	v2 =	vld [tilespmem:s7+$0xFFFFE830];
	_ =	sdelay $0x1  }
0xc4: {  	v3 =	vld [tilespmem:s7+$0xFFFFEC30]  }
0xc5: {  	v0 =	vadd.f32 v1, v0  }
0xc6: {  	v1 =	vld [tilespmem:s7+$0xFFFFF030]  }
0xc7: {  	v0 =	vadd.f32 v2, v0  }
0xc8: {  	v2 =	vld [tilespmem:s7+$0xFFFFF430]  }
0xc9: {  	v0 =	vadd.f32 v3, v0  }
0xca: {  	v3 =	vld [tilespmem:s7+$0xFFFFF830]  }
0xcb: {  	v0 =	vadd.f32 v1, v0  }
0xcc: {  	v1 =	vld [tilespmem:s7+$0xFFFFFC30]  }
0xcd: {  	v0 =	vadd.f32 v2, v0  }
0xce: {  	v2 =	vld [tilespmem:s7+$0x30]  }
0xcf: {  	v0 =	vadd.f32 v3, v0  }
0xd0: {  	v3 =	vld [tilespmem:s7+$0x430]  }
0xd1: {  	v0 =	vadd.f32 v1, v0  }
0xd2: {  	v1 =	vld [tilespmem:s7+$0x830]  }
0xd3: {  	v0 =	vadd.f32 v2, v0  }
0xd4: {  	v2 =	vld [tilespmem:s7+$0xC30]  }
0xd5: {  	v0 =	vadd.f32 v3, v0  }
0xd6: {  	v3 =	vld [tilespmem:s7+$0x1030]  }
0xd7: {  	v0 =	vadd.f32 v1, v0  }
0xd8: {  	v1 =	vld [tilespmem:s7+$0x1430]  }
0xd9: {  	v0 =	vadd.f32 v2, v0  }
0xda: {  	v2 =	vld [tilespmem:s7+$0x1830]  }
0xdb: {  	v0 =	vadd.f32 v3, v0  }
0xdc: {  	v3 =	vld [tilespmem:s7+$0x1C30]  }
0xdd: {  	v0 =	vadd.f32 v1, v0;
	_ =	sdelay $0x1  }
.Ltmp7:
0xde: {  	v0 =	vadd.f32 v2, v0;
	(pc) =	sbr.rel @!p3 .LBB2_5-.Ltmp7, $3  }
0xdf: {  	_ = 	snop  }
0xe0: {  	v0 =	vadd.f32 v3, v0;
	_ =	sdelay $0x1  }
0xe1: {  	[tilespmem:s13+$0xFFFFF400] =	vst v0  }
0xe2: {  	v1 =	vld [tilespmem:s13+$0x0];
	_ =	sdelay $0x3  }
0xe3: {  	p4 =	slt.u32 s4, $0x3C  }
.Ltmp8:
0xe4: {  	v0 =	vadd.f32 v1, v0;
	(pc) =	sbr.rel @p4 .LBB2_6-.Ltmp8, $3  }
0xe5: {  	_ = 	snop  }
0xe6: {  	v0 =	vmul.f32 $3.125000000e-02, v0;
	_ =	sdelay $0x1  }
0xe7: {  	[tilespmem:s14+$0x10] =	vst v0  }
0xe8: {  	s4 =	sadd.s32 s9, s2  }
0xe9: {  	s4 =	sshll.u32 s4, $0xA  }
0xea: {  	s4 =	sadd.s32 $0xFFFFFC00, s4  }
0xeb: {  	s4 =	sshrl.u32 s4, $0x3  }
0xec: {  	s4 =	sadd.s32 s5, s4  }
0xed: {  	[hbm4b:s4+s3] =	stream.linear.scatter [tilespmem:s20], [sflag:$0x5], $0x400, $0x38;
	[tilespmem:$0x12020] =	vst v63  }
.LBB2_9:
0xee: {  	s4 =	sadd.s32 $0x4, s2  }
0xef: {  	p2 =	sge.u32 s4, s10  }
0xf0: {  	s4 =	sadd.s32 @!p2 s6, s4  }
0xf1: {  	s4 =	sshll.u32 @!p2 s4, $0xB  }
0xf2: {  	s4 =	sand.u32 @!p2 $0x1FFFE000, s4  }
0xf3: {  	s7 =	simm.s32 @!p2 $0x0;
	s4 =	sadd.s32 @!p2 s0, s4  }
0xf4: {  	[tilespmem:s7], [sflag:$0x1] =	stream.linear.gather @!p2 [hbm4b:s4+s7], $0x4000, $0x38;
	[tilespmem:$0x12020] =	vst v63  }
.LBB2_10:
0xf5: {  	s17 =	sor.u32 $0x1, s2  }
0xf6: {  	p3 =	sge.u32 s17, s10  }
.Ltmp9:
0xf7: {  	_ = 	snop;
	(pc) =	sbr.rel @p3 .LBB2_14-.Ltmp9, $2  }
0xf8: {  	_ =	sdelay $0x2  }
0xf9: {  	p2 =	seq.s32 s1, $0x0  }
0xfa: {  	_ =	swait.ge [sflag:s21], $0x4000  }
0xfb: {  	[sflag:s21] =	ssyncset.done $0x0  }
0xfc: {  	s4 =	simm.s32 @!p2 $0x6;
	[sflag:s21] =	ssyncadd.s32 $0xFFFFC000  }
0xfd: {  	_ =	swait.ge @!p2 [sflag:s4], $0x400  }
0xfe: {  	[sflag:s4] =	ssyncset.done @!p2 $0x0  }
0xff: {  	s18 =	simm.s32 $0x6000;
	[sflag:s4] =	ssyncadd.s32 @!p2 $0xFFFFFC00  }
0x100: {  	v0 =	vld [tilespmem:s18+$0xFFFFE400]  }
0x101: {  	v1 =	vld [tilespmem:s18+$0xFFFFE000];
	_ =	sdelay $0x1  }
0x102: {  	v2 =	vld [tilespmem:s18+$0xFFFFE800];
	_ =	sdelay $0x1  }
0x103: {  	v3 =	vld [tilespmem:s18+$0xFFFFEC00]  }
0x104: {  	v0 =	vadd.f32 v0, v1  }
0x105: {  	v1 =	vld [tilespmem:s18+$0xFFFFF000]  }
0x106: {  	v0 =	vadd.f32 v2, v0  }
0x107: {  	v2 =	vld [tilespmem:s18+$0xFFFFF400]  }
0x108: {  	v0 =	vadd.f32 v3, v0  }
0x109: {  	v3 =	vld [tilespmem:s18+$0xFFFFF800]  }
0x10a: {  	v0 =	vadd.f32 v1, v0  }
0x10b: {  	v1 =	vld [tilespmem:s18+$0xFFFFFC00]  }
0x10c: {  	v0 =	vadd.f32 v2, v0  }
0x10d: {  	v2 =	vld [tilespmem:s18+$0x0]  }
0x10e: {  	v0 =	vadd.f32 v3, v0  }
0x10f: {  	v3 =	vld [tilespmem:s18+$0x400]  }
0x110: {  	v0 =	vadd.f32 v1, v0  }
0x111: {  	v1 =	vld [tilespmem:s18+$0x800]  }
0x112: {  	v0 =	vadd.f32 v2, v0  }
0x113: {  	v2 =	vld [tilespmem:s18+$0xC00]  }
0x114: {  	v0 =	vadd.f32 v3, v0  }
0x115: {  	v3 =	vld [tilespmem:s18+$0x1000]  }
0x116: {  	v0 =	vadd.f32 v1, v0  }
0x117: {  	v1 =	vld [tilespmem:s18+$0x1400]  }
0x118: {  	v0 =	vadd.f32 v2, v0  }
0x119: {  	v2 =	vld [tilespmem:s18+$0x1800]  }
0x11a: {  	v0 =	vadd.f32 v3, v0  }
0x11b: {  	v3 =	vld [tilespmem:s18+$0x1C00]  }
0x11c: {  	s4 =	simm.s32 $0x10400;
	v0 =	vadd.f32 v1, v0  }
0x11d: {  	v1 =	vld [tilespmem:s4+$0xFFFFFC00]  }
0x11e: {  	v0 =	vadd.f32 v2, v0;
	_ =	sdelay $0x1  }
0x11f: {  	v0 =	vadd.f32 v3, v0;
	_ =	sdelay $0x1  }
0x120: {  	v1 =	vadd.f32 v1, v0;
	_ =	sdelay $0x1  }
0x121: {  	v1 =	vmul.f32 $3.125000000e-02, v1  }
0x122: {  	s19 =	simm.s32 $0x11430;
	[tilespmem:s4+$0x0] =	vst v0  }
0x123: {  	[tilespmem:s19+$0xFFFFFFD0] =	vst v1  }
0x124: {  	v0 =	vld [tilespmem:s18+$0xFFFFE010]  }
0x125: {  	v1 =	vld [tilespmem:s18+$0xFFFFE410];
	_ =	sdelay $0x1  }
0x126: {  	v2 =	vld [tilespmem:s18+$0xFFFFE810];
	_ =	sdelay $0x1  }
0x127: {  	v3 =	vld [tilespmem:s18+$0xFFFFEC10]  }
0x128: {  	v0 =	vadd.f32 v1, v0  }
0x129: {  	v1 =	vld [tilespmem:s18+$0xFFFFF010]  }
0x12a: {  	v0 =	vadd.f32 v2, v0  }
0x12b: {  	v2 =	vld [tilespmem:s18+$0xFFFFF410]  }
0x12c: {  	v0 =	vadd.f32 v3, v0  }
0x12d: {  	v3 =	vld [tilespmem:s18+$0xFFFFF810]  }
0x12e: {  	v0 =	vadd.f32 v1, v0  }
0x12f: {  	v1 =	vld [tilespmem:s18+$0xFFFFFC10]  }
0x130: {  	v0 =	vadd.f32 v2, v0  }
0x131: {  	v2 =	vld [tilespmem:s18+$0x10]  }
0x132: {  	v0 =	vadd.f32 v3, v0  }
0x133: {  	v3 =	vld [tilespmem:s18+$0x410]  }
0x134: {  	v0 =	vadd.f32 v1, v0  }
0x135: {  	v1 =	vld [tilespmem:s18+$0x810]  }
0x136: {  	v0 =	vadd.f32 v2, v0  }
0x137: {  	v2 =	vld [tilespmem:s18+$0xC10]  }
0x138: {  	v0 =	vadd.f32 v3, v0  }
0x139: {  	v3 =	vld [tilespmem:s18+$0x1010]  }
0x13a: {  	v0 =	vadd.f32 v1, v0  }
0x13b: {  	v1 =	vld [tilespmem:s18+$0x1410]  }
0x13c: {  	v0 =	vadd.f32 v2, v0  }
0x13d: {  	v2 =	vld [tilespmem:s18+$0x1810]  }
0x13e: {  	v0 =	vadd.f32 v3, v0  }
0x13f: {  	v3 =	vld [tilespmem:s18+$0x1C10]  }
0x140: {  	v0 =	vadd.f32 v1, v0  }
0x141: {  	v1 =	vld [tilespmem:s4+$0xFFFFFC10]  }
0x142: {  	v0 =	vadd.f32 v2, v0;
	_ =	sdelay $0x1  }
0x143: {  	v0 =	vadd.f32 v3, v0;
	_ =	sdelay $0x1  }
0x144: {  	v1 =	vadd.f32 v1, v0;
	_ =	sdelay $0x1  }
0x145: {  	v1 =	vmul.f32 $3.125000000e-02, v1  }
0x146: {  	[tilespmem:s4+$0x10] =	vst v0  }
0x147: {  	[tilespmem:s19+$0xFFFFFFE0] =	vst v1  }
0x148: {  	v0 =	vld [tilespmem:s18+$0xFFFFE020]  }
0x149: {  	v1 =	vld [tilespmem:s18+$0xFFFFE420];
	_ =	sdelay $0x1  }
0x14a: {  	v2 =	vld [tilespmem:s18+$0xFFFFE820];
	_ =	sdelay $0x1  }
0x14b: {  	v3 =	vld [tilespmem:s18+$0xFFFFEC20]  }
0x14c: {  	v0 =	vadd.f32 v1, v0  }
0x14d: {  	v1 =	vld [tilespmem:s18+$0xFFFFF020]  }
0x14e: {  	v0 =	vadd.f32 v2, v0  }
0x14f: {  	v2 =	vld [tilespmem:s18+$0xFFFFF420]  }
0x150: {  	v0 =	vadd.f32 v3, v0  }
0x151: {  	v3 =	vld [tilespmem:s18+$0xFFFFF820]  }
0x152: {  	v0 =	vadd.f32 v1, v0  }
0x153: {  	v1 =	vld [tilespmem:s18+$0xFFFFFC20]  }
0x154: {  	v0 =	vadd.f32 v2, v0  }
0x155: {  	v2 =	vld [tilespmem:s18+$0x20]  }
0x156: {  	v0 =	vadd.f32 v3, v0  }
0x157: {  	v3 =	vld [tilespmem:s18+$0x420]  }
0x158: {  	v0 =	vadd.f32 v1, v0  }
0x159: {  	v1 =	vld [tilespmem:s18+$0x820]  }
0x15a: {  	v0 =	vadd.f32 v2, v0  }
0x15b: {  	v2 =	vld [tilespmem:s18+$0xC20]  }
0x15c: {  	v0 =	vadd.f32 v3, v0  }
0x15d: {  	v3 =	vld [tilespmem:s18+$0x1020]  }
0x15e: {  	v0 =	vadd.f32 v1, v0  }
0x15f: {  	v1 =	vld [tilespmem:s18+$0x1420]  }
0x160: {  	v0 =	vadd.f32 v2, v0  }
0x161: {  	v2 =	vld [tilespmem:s18+$0x1820]  }
0x162: {  	v0 =	vadd.f32 v3, v0  }
0x163: {  	v3 =	vld [tilespmem:s18+$0x1C20]  }
0x164: {  	v0 =	vadd.f32 v1, v0  }
0x165: {  	v1 =	vld [tilespmem:s4+$0xFFFFFC20]  }
0x166: {  	v0 =	vadd.f32 v2, v0;
	_ =	sdelay $0x1  }
0x167: {  	v0 =	vadd.f32 v3, v0;
	_ =	sdelay $0x1  }
0x168: {  	v1 =	vadd.f32 v1, v0;
	_ =	sdelay $0x1  }
0x169: {  	v1 =	vmul.f32 $3.125000000e-02, v1  }
0x16a: {  	[tilespmem:s4+$0x20] =	vst v0  }
0x16b: {  	[tilespmem:s19+$0xFFFFFFF0] =	vst v1  }
0x16c: {  	v0 =	vld [tilespmem:s18+$0xFFFFE030]  }
0x16d: {  	v1 =	vld [tilespmem:s18+$0xFFFFE430];
	_ =	sdelay $0x1  }
0x16e: {  	v2 =	vld [tilespmem:s18+$0xFFFFE830];
	_ =	sdelay $0x1  }
0x16f: {  	v3 =	vld [tilespmem:s18+$0xFFFFEC30]  }
0x170: {  	v0 =	vadd.f32 v1, v0  }
0x171: {  	v1 =	vld [tilespmem:s18+$0xFFFFF030]  }
0x172: {  	v0 =	vadd.f32 v2, v0  }
0x173: {  	v2 =	vld [tilespmem:s18+$0xFFFFF430]  }
0x174: {  	v0 =	vadd.f32 v3, v0  }
0x175: {  	v3 =	vld [tilespmem:s18+$0xFFFFF830]  }
0x176: {  	v0 =	vadd.f32 v1, v0  }
0x177: {  	v1 =	vld [tilespmem:s18+$0xFFFFFC30]  }
0x178: {  	v0 =	vadd.f32 v2, v0  }
0x179: {  	v2 =	vld [tilespmem:s18+$0x30]  }
0x17a: {  	v0 =	vadd.f32 v3, v0  }
0x17b: {  	v3 =	vld [tilespmem:s18+$0x430]  }
0x17c: {  	v0 =	vadd.f32 v1, v0  }
0x17d: {  	v1 =	vld [tilespmem:s18+$0x830]  }
0x17e: {  	v0 =	vadd.f32 v2, v0  }
0x17f: {  	v2 =	vld [tilespmem:s18+$0xC30]  }
0x180: {  	v0 =	vadd.f32 v3, v0  }
0x181: {  	v3 =	vld [tilespmem:s18+$0x1030]  }
0x182: {  	v0 =	vadd.f32 v1, v0  }
0x183: {  	v1 =	vld [tilespmem:s18+$0x1430]  }
0x184: {  	v0 =	vadd.f32 v2, v0  }
0x185: {  	v2 =	vld [tilespmem:s18+$0x1830]  }
0x186: {  	v0 =	vadd.f32 v3, v0;
	_ =	sdelay $0x1  }
0x187: {  	v3 =	vld [tilespmem:s18+$0x1C30];
	v0 =	vadd.f32 v1, v0;
	_ =	sdelay $0x1  }
0x188: {  	v1 =	vadd.f32 v2, v0;
	v0 =	vld [tilespmem:s4+$0xFFFFFC30];
	_ =	sdelay $0x2  }
0x189: {  	v1 =	vadd.f32 v3, v1  }
0x18a: {  	s13 =	simm.s32 $0x0;
	s14 =	simm.s32 $0x11470;
	s7 =	simm.s32 $0x10400  }
.LBB2_12:
0x18b: {  	s13 =	sadd.s32 $0x4, s13;
	v0 =	vadd.f32 v0, v1;
	s18 =	sadd.s32 $0x40, s18;
	s4 =	sadd.s32 $0x40, s4  }
0x18c: {  	p3 =	slt.u32 s13, $0x3C  }
0x18d: {  	[tilespmem:s7+$0x30] =	vst v1;
	v0 =	vmul.f32 $3.125000000e-02, v0;
	s7 =	smov.u32 s4;
	_ =	sdelay $0x1  }
0x18e: {  	[tilespmem:s19+$0x0] =	vst v0;
	s19 =	smov.u32 s14  }
0x18f: {  	v0 =	vld [tilespmem:s18+$0xFFFFE400]  }
0x190: {  	v1 =	vld [tilespmem:s18+$0xFFFFE000];
	_ =	sdelay $0x1  }
0x191: {  	v2 =	vld [tilespmem:s18+$0xFFFFE800];
	_ =	sdelay $0x1  }
0x192: {  	v3 =	vld [tilespmem:s18+$0xFFFFEC00]  }
0x193: {  	v0 =	vadd.f32 v0, v1  }
0x194: {  	v1 =	vld [tilespmem:s18+$0xFFFFF000]  }
0x195: {  	v0 =	vadd.f32 v2, v0  }
0x196: {  	v2 =	vld [tilespmem:s18+$0xFFFFF400]  }
0x197: {  	v0 =	vadd.f32 v3, v0  }
0x198: {  	v3 =	vld [tilespmem:s18+$0xFFFFF800]  }
0x199: {  	v0 =	vadd.f32 v1, v0  }
0x19a: {  	v1 =	vld [tilespmem:s18+$0xFFFFFC00]  }
0x19b: {  	v0 =	vadd.f32 v2, v0  }
0x19c: {  	v2 =	vld [tilespmem:s18+$0x0]  }
0x19d: {  	v0 =	vadd.f32 v3, v0  }
0x19e: {  	v3 =	vld [tilespmem:s18+$0x400]  }
0x19f: {  	v0 =	vadd.f32 v1, v0  }
0x1a0: {  	v1 =	vld [tilespmem:s18+$0x800]  }
0x1a1: {  	v0 =	vadd.f32 v2, v0  }
0x1a2: {  	v2 =	vld [tilespmem:s18+$0xC00]  }
0x1a3: {  	v0 =	vadd.f32 v3, v0  }
0x1a4: {  	v3 =	vld [tilespmem:s18+$0x1000]  }
0x1a5: {  	v0 =	vadd.f32 v1, v0  }
0x1a6: {  	v1 =	vld [tilespmem:s18+$0x1400]  }
0x1a7: {  	v0 =	vadd.f32 v2, v0  }
0x1a8: {  	v2 =	vld [tilespmem:s18+$0x1800]  }
0x1a9: {  	v0 =	vadd.f32 v3, v0  }
0x1aa: {  	v3 =	vld [tilespmem:s18+$0x1C00]  }
0x1ab: {  	v0 =	vadd.f32 v1, v0  }
0x1ac: {  	v1 =	vld [tilespmem:s4+$0xFFFFFC00]  }
0x1ad: {  	v0 =	vadd.f32 v2, v0;
	_ =	sdelay $0x1  }
0x1ae: {  	v0 =	vadd.f32 v3, v0;
	_ =	sdelay $0x1  }
0x1af: {  	v1 =	vadd.f32 v1, v0;
	_ =	sdelay $0x1  }
0x1b0: {  	v1 =	vmul.f32 $3.125000000e-02, v1  }
0x1b1: {  	[tilespmem:s4+$0x0] =	vst v0  }
0x1b2: {  	[tilespmem:s14+$0xFFFFFFD0] =	vst v1  }
0x1b3: {  	v0 =	vld [tilespmem:s18+$0xFFFFE010]  }
0x1b4: {  	v1 =	vld [tilespmem:s18+$0xFFFFE410];
	_ =	sdelay $0x1  }
0x1b5: {  	v2 =	vld [tilespmem:s18+$0xFFFFE810];
	_ =	sdelay $0x1  }
0x1b6: {  	v3 =	vld [tilespmem:s18+$0xFFFFEC10]  }
0x1b7: {  	v0 =	vadd.f32 v1, v0  }
0x1b8: {  	v1 =	vld [tilespmem:s18+$0xFFFFF010]  }
0x1b9: {  	v0 =	vadd.f32 v2, v0  }
0x1ba: {  	v2 =	vld [tilespmem:s18+$0xFFFFF410]  }
0x1bb: {  	v0 =	vadd.f32 v3, v0  }
0x1bc: {  	v3 =	vld [tilespmem:s18+$0xFFFFF810]  }
0x1bd: {  	v0 =	vadd.f32 v1, v0  }
0x1be: {  	v1 =	vld [tilespmem:s18+$0xFFFFFC10]  }
0x1bf: {  	v0 =	vadd.f32 v2, v0  }
0x1c0: {  	v2 =	vld [tilespmem:s18+$0x10]  }
0x1c1: {  	v0 =	vadd.f32 v3, v0  }
0x1c2: {  	v3 =	vld [tilespmem:s18+$0x410]  }
0x1c3: {  	v0 =	vadd.f32 v1, v0  }
0x1c4: {  	v1 =	vld [tilespmem:s18+$0x810]  }
0x1c5: {  	v0 =	vadd.f32 v2, v0  }
0x1c6: {  	v2 =	vld [tilespmem:s18+$0xC10]  }
0x1c7: {  	v0 =	vadd.f32 v3, v0  }
0x1c8: {  	v3 =	vld [tilespmem:s18+$0x1010]  }
0x1c9: {  	v0 =	vadd.f32 v1, v0  }
0x1ca: {  	v1 =	vld [tilespmem:s18+$0x1410]  }
0x1cb: {  	v0 =	vadd.f32 v2, v0  }
0x1cc: {  	v2 =	vld [tilespmem:s18+$0x1810]  }
0x1cd: {  	v0 =	vadd.f32 v3, v0  }
0x1ce: {  	v3 =	vld [tilespmem:s18+$0x1C10]  }
0x1cf: {  	v0 =	vadd.f32 v1, v0  }
0x1d0: {  	v1 =	vld [tilespmem:s4+$0xFFFFFC10]  }
0x1d1: {  	v0 =	vadd.f32 v2, v0;
	_ =	sdelay $0x1  }
0x1d2: {  	v0 =	vadd.f32 v3, v0;
	_ =	sdelay $0x1  }
0x1d3: {  	[tilespmem:s4+$0x10] =	vst v0;
	v0 =	vadd.f32 v1, v0;
	_ =	sdelay $0x1  }
0x1d4: {  	v0 =	vmul.f32 $3.125000000e-02, v0;
	_ =	sdelay $0x1  }
0x1d5: {  	[tilespmem:s14+$0xFFFFFFE0] =	vst v0  }
0x1d6: {  	v0 =	vld [tilespmem:s18+$0xFFFFE020]  }
0x1d7: {  	v1 =	vld [tilespmem:s18+$0xFFFFE420];
	_ =	sdelay $0x1  }
0x1d8: {  	v2 =	vld [tilespmem:s18+$0xFFFFE820];
	_ =	sdelay $0x1  }
0x1d9: {  	v3 =	vld [tilespmem:s18+$0xFFFFEC20]  }
0x1da: {  	v0 =	vadd.f32 v1, v0  }
0x1db: {  	v1 =	vld [tilespmem:s18+$0xFFFFF020]  }
0x1dc: {  	v0 =	vadd.f32 v2, v0  }
0x1dd: {  	v2 =	vld [tilespmem:s18+$0xFFFFF420]  }
0x1de: {  	v0 =	vadd.f32 v3, v0  }
0x1df: {  	v3 =	vld [tilespmem:s18+$0xFFFFF820]  }
0x1e0: {  	v0 =	vadd.f32 v1, v0  }
0x1e1: {  	v1 =	vld [tilespmem:s18+$0xFFFFFC20]  }
0x1e2: {  	v0 =	vadd.f32 v2, v0  }
0x1e3: {  	v2 =	vld [tilespmem:s18+$0x20]  }
0x1e4: {  	v0 =	vadd.f32 v3, v0  }
0x1e5: {  	v3 =	vld [tilespmem:s18+$0x420]  }
0x1e6: {  	v0 =	vadd.f32 v1, v0  }
0x1e7: {  	v1 =	vld [tilespmem:s18+$0x820]  }
0x1e8: {  	v0 =	vadd.f32 v2, v0  }
0x1e9: {  	v2 =	vld [tilespmem:s18+$0xC20]  }
0x1ea: {  	v0 =	vadd.f32 v3, v0  }
0x1eb: {  	v3 =	vld [tilespmem:s18+$0x1020]  }
0x1ec: {  	v0 =	vadd.f32 v1, v0  }
0x1ed: {  	v1 =	vld [tilespmem:s18+$0x1420]  }
0x1ee: {  	v0 =	vadd.f32 v2, v0  }
0x1ef: {  	v2 =	vld [tilespmem:s18+$0x1820]  }
0x1f0: {  	v0 =	vadd.f32 v3, v0  }
0x1f1: {  	v3 =	vld [tilespmem:s18+$0x1C20]  }
0x1f2: {  	v0 =	vadd.f32 v1, v0  }
0x1f3: {  	v1 =	vld [tilespmem:s4+$0xFFFFFC20]  }
0x1f4: {  	v0 =	vadd.f32 v2, v0;
	_ =	sdelay $0x1  }
0x1f5: {  	v0 =	vadd.f32 v3, v0;
	_ =	sdelay $0x1  }
0x1f6: {  	[tilespmem:s4+$0x20] =	vst v0;
	v0 =	vadd.f32 v1, v0;
	_ =	sdelay $0x1  }
0x1f7: {  	v0 =	vmul.f32 $3.125000000e-02, v0;
	_ =	sdelay $0x1  }
0x1f8: {  	[tilespmem:s14+$0xFFFFFFF0] =	vst v0  }
0x1f9: {  	v0 =	vld [tilespmem:s18+$0xFFFFE030]  }
0x1fa: {  	v1 =	vld [tilespmem:s18+$0xFFFFE430]  }
0x1fb: {  	v2 =	vld [tilespmem:s18+$0xFFFFE830]  }
0x1fc: {  	v3 =	vld [tilespmem:s18+$0xFFFFEC30]  }
0x1fd: {  	v4 =	vld [tilespmem:s18+$0xFFFFF030]  }
0x1fe: {  	v5 =	vld [tilespmem:s18+$0xFFFFF430]  }
0x1ff: {  	v0 =	vadd.f32 v1, v0;
	v1 =	vld [tilespmem:s18+$0xFFFFF830]  }
0x200: {  	v6 =	vld [tilespmem:s18+$0xFFFFFC30]  }
0x201: {  	v0 =	vadd.f32 v2, v0;
	v2 =	vld [tilespmem:s18+$0x30]  }
0x202: {  	v7 =	vld [tilespmem:s18+$0x430]  }
0x203: {  	v0 =	vadd.f32 v3, v0;
	v3 =	vld [tilespmem:s18+$0x830]  }
0x204: {  	v8 =	vld [tilespmem:s18+$0xC30]  }
0x205: {  	v0 =	vadd.f32 v4, v0;
	v4 =	vld [tilespmem:s18+$0x1030]  }
0x206: {  	v9 =	vld [tilespmem:s18+$0x1430]  }
0x207: {  	v0 =	vadd.f32 v5, v0;
	v5 =	vld [tilespmem:s18+$0x1830]  }
0x208: {  	v10 =	vld [tilespmem:s18+$0x1C30]  }
0x209: {  	v1 =	vadd.f32 v1, v0;
	v0 =	vld [tilespmem:s4+$0xFFFFFC30];
	_ =	sdelay $0x1  }
0x20a: {  	v1 =	vadd.f32 v6, v1;
	_ =	sdelay $0x1  }
0x20b: {  	v1 =	vadd.f32 v2, v1;
	_ =	sdelay $0x1  }
0x20c: {  	v1 =	vadd.f32 v7, v1;
	_ =	sdelay $0x1  }
0x20d: {  	v1 =	vadd.f32 v3, v1;
	_ =	sdelay $0x1  }
0x20e: {  	v1 =	vadd.f32 v8, v1;
	_ =	sdelay $0x1  }
0x20f: {  	v1 =	vadd.f32 v4, v1;
	_ =	sdelay $0x1  }
0x210: {  	v1 =	vadd.f32 v9, v1  }
.Ltmp10:
0x211: {  	(pc) =	sbr.rel @p3 .LBB2_12-.Ltmp10, $3  }
0x212: {  	v1 =	vadd.f32 v5, v1;
	_ =	sdelay $0x1  }
0x213: {  	v1 =	vadd.f32 v10, v1  }
0x214: {  	s14 =	sadd.s32 $0x40, s14  }
0x215: {  	v0 =	vadd.f32 v0, v1;
	s4 =	sadd.s32 s9, s17  }
0x216: {  	s4 =	sshll.u32 s4, $0xA  }
0x217: {  	v0 =	vmul.f32 $3.125000000e-02, v0;
	s4 =	sadd.s32 $0xFFFFFC00, s4  }
0x218: {  	[tilespmem:s7+$0x30] =	vst v1;
	s4 =	sshrl.u32 s4, $0x3  }
0x219: {  	[tilespmem:s19+$0x0] =	vst v0;
	s4 =	sadd.s32 s5, s4  }
0x21a: {  	[hbm4b:s4+s3] =	stream.linear.scatter [tilespmem:s22], [sflag:$0x6], $0x400, $0x38;
	[tilespmem:$0x12020] =	vst v63  }
0x21b: {  	s4 =	sadd.s32 $0x5, s2  }
0x21c: {  	p3 =	sge.u32 s4, s10  }
0x21d: {  	s4 =	sadd.s32 @!p3 s6, s4  }
0x21e: {  	s4 =	sshll.u32 @!p3 s4, $0xB  }
0x21f: {  	s4 =	sand.u32 @!p3 $0x1FFFE800, s4  }
0x220: {  	s7 =	simm.s32 @!p3 $0x0;
	s13 =	simm.s32 @!p3 $0x4000;
	s4 =	sadd.s32 @!p3 s0, s4  }
0x221: {  	[tilespmem:s13], [sflag:$0x2] =	stream.linear.gather @!p3 [hbm4b:s4+s7], $0x4000, $0x38;
	[tilespmem:$0x12020] =	vst v63  }
.LBB2_14:
0x222: {  	s17 =	sor.u32 $0x2, s2  }
0x223: {  	p3 =	sge.u32 s17, s10  }
.Ltmp11:
0x224: {  	_ = 	snop;
	(pc) =	sbr.rel @p3 .LBB2_18-.Ltmp11, $1  }
0x225: {  	_ =	sdelay $0x3  }
0x226: {  	_ =	swait.ge [sflag:s23], $0x4000  }
0x227: {  	[sflag:s23] =	ssyncset.done $0x0  }
0x228: {  	s4 =	simm.s32 @!p2 $0x7;
	[sflag:s23] =	ssyncadd.s32 $0xFFFFC000  }
0x229: {  	_ =	swait.ge @!p2 [sflag:s4], $0x400  }
0x22a: {  	[sflag:s4] =	ssyncset.done @!p2 $0x0  }
0x22b: {  	s18 =	simm.s32 $0xA000;
	[sflag:s4] =	ssyncadd.s32 @!p2 $0xFFFFFC00  }
0x22c: {  	v0 =	vld [tilespmem:s18+$0xFFFFE400]  }
0x22d: {  	v1 =	vld [tilespmem:s18+$0xFFFFE000];
	_ =	sdelay $0x1  }
0x22e: {  	v2 =	vld [tilespmem:s18+$0xFFFFE800];
	_ =	sdelay $0x1  }
0x22f: {  	v3 =	vld [tilespmem:s18+$0xFFFFEC00]  }
0x230: {  	v0 =	vadd.f32 v0, v1  }
0x231: {  	v1 =	vld [tilespmem:s18+$0xFFFFF000]  }
0x232: {  	v0 =	vadd.f32 v2, v0  }
0x233: {  	v2 =	vld [tilespmem:s18+$0xFFFFF400]  }
0x234: {  	v0 =	vadd.f32 v3, v0  }
0x235: {  	v3 =	vld [tilespmem:s18+$0xFFFFF800]  }
0x236: {  	v0 =	vadd.f32 v1, v0  }
0x237: {  	v1 =	vld [tilespmem:s18+$0xFFFFFC00]  }
0x238: {  	v0 =	vadd.f32 v2, v0  }
0x239: {  	v2 =	vld [tilespmem:s18+$0x0]  }
0x23a: {  	v0 =	vadd.f32 v3, v0  }
0x23b: {  	v3 =	vld [tilespmem:s18+$0x400]  }
0x23c: {  	v0 =	vadd.f32 v1, v0  }
0x23d: {  	v1 =	vld [tilespmem:s18+$0x800]  }
0x23e: {  	v0 =	vadd.f32 v2, v0  }
0x23f: {  	v2 =	vld [tilespmem:s18+$0xC00]  }
0x240: {  	v0 =	vadd.f32 v3, v0  }
0x241: {  	v3 =	vld [tilespmem:s18+$0x1000]  }
0x242: {  	v0 =	vadd.f32 v1, v0  }
0x243: {  	v1 =	vld [tilespmem:s18+$0x1400]  }
0x244: {  	v0 =	vadd.f32 v2, v0  }
0x245: {  	v2 =	vld [tilespmem:s18+$0x1800]  }
0x246: {  	v0 =	vadd.f32 v3, v0  }
0x247: {  	v3 =	vld [tilespmem:s18+$0x1C00]  }
0x248: {  	s4 =	simm.s32 $0x10420;
	v0 =	vadd.f32 v1, v0  }
0x249: {  	v1 =	vld [tilespmem:s4+$0xFFFFFFE0]  }
0x24a: {  	v0 =	vadd.f32 v2, v0;
	_ =	sdelay $0x1  }
0x24b: {  	v0 =	vadd.f32 v3, v0;
	_ =	sdelay $0x1  }
0x24c: {  	v1 =	vadd.f32 v1, v0;
	_ =	sdelay $0x1  }
0x24d: {  	v1 =	vmul.f32 $3.125000000e-02, v1  }
0x24e: {  	s19 =	simm.s32 $0x11830;
	[tilespmem:s4+$0x3E0] =	vst v0  }
0x24f: {  	[tilespmem:s19+$0xFFFFFFD0] =	vst v1  }
0x250: {  	v0 =	vld [tilespmem:s18+$0xFFFFE010]  }
0x251: {  	v1 =	vld [tilespmem:s18+$0xFFFFE410];
	_ =	sdelay $0x1  }
0x252: {  	v2 =	vld [tilespmem:s18+$0xFFFFE810];
	_ =	sdelay $0x1  }
0x253: {  	v3 =	vld [tilespmem:s18+$0xFFFFEC10]  }
0x254: {  	v0 =	vadd.f32 v1, v0  }
0x255: {  	v1 =	vld [tilespmem:s18+$0xFFFFF010]  }
0x256: {  	v0 =	vadd.f32 v2, v0  }
0x257: {  	v2 =	vld [tilespmem:s18+$0xFFFFF410]  }
0x258: {  	v0 =	vadd.f32 v3, v0  }
0x259: {  	v3 =	vld [tilespmem:s18+$0xFFFFF810]  }
0x25a: {  	v0 =	vadd.f32 v1, v0  }
0x25b: {  	v1 =	vld [tilespmem:s18+$0xFFFFFC10]  }
0x25c: {  	v0 =	vadd.f32 v2, v0  }
0x25d: {  	v2 =	vld [tilespmem:s18+$0x10]  }
0x25e: {  	v0 =	vadd.f32 v3, v0  }
0x25f: {  	v3 =	vld [tilespmem:s18+$0x410]  }
0x260: {  	v0 =	vadd.f32 v1, v0  }
0x261: {  	v1 =	vld [tilespmem:s18+$0x810]  }
0x262: {  	v0 =	vadd.f32 v2, v0  }
0x263: {  	v2 =	vld [tilespmem:s18+$0xC10]  }
0x264: {  	v0 =	vadd.f32 v3, v0  }
0x265: {  	v3 =	vld [tilespmem:s18+$0x1010]  }
0x266: {  	v0 =	vadd.f32 v1, v0  }
0x267: {  	v1 =	vld [tilespmem:s18+$0x1410]  }
0x268: {  	v0 =	vadd.f32 v2, v0  }
0x269: {  	v2 =	vld [tilespmem:s18+$0x1810]  }
0x26a: {  	v0 =	vadd.f32 v3, v0  }
0x26b: {  	v3 =	vld [tilespmem:s18+$0x1C10]  }
0x26c: {  	v0 =	vadd.f32 v1, v0  }
0x26d: {  	v1 =	vld [tilespmem:s4+$0xFFFFFFF0]  }
0x26e: {  	v0 =	vadd.f32 v2, v0;
	_ =	sdelay $0x1  }
0x26f: {  	v0 =	vadd.f32 v3, v0;
	_ =	sdelay $0x1  }
0x270: {  	v1 =	vadd.f32 v1, v0;
	_ =	sdelay $0x1  }
0x271: {  	v1 =	vmul.f32 $3.125000000e-02, v1  }
0x272: {  	[tilespmem:s4+$0x3F0] =	vst v0  }
0x273: {  	[tilespmem:s19+$0xFFFFFFE0] =	vst v1  }
0x274: {  	v0 =	vld [tilespmem:s18+$0xFFFFE020]  }
0x275: {  	v1 =	vld [tilespmem:s18+$0xFFFFE420];
	_ =	sdelay $0x1  }
0x276: {  	v2 =	vld [tilespmem:s18+$0xFFFFE820];
	_ =	sdelay $0x1  }
0x277: {  	v3 =	vld [tilespmem:s18+$0xFFFFEC20]  }
0x278: {  	v0 =	vadd.f32 v1, v0  }
0x279: {  	v1 =	vld [tilespmem:s18+$0xFFFFF020]  }
0x27a: {  	v0 =	vadd.f32 v2, v0  }
0x27b: {  	v2 =	vld [tilespmem:s18+$0xFFFFF420]  }
0x27c: {  	v0 =	vadd.f32 v3, v0  }
0x27d: {  	v3 =	vld [tilespmem:s18+$0xFFFFF820]  }
0x27e: {  	v0 =	vadd.f32 v1, v0  }
0x27f: {  	v1 =	vld [tilespmem:s18+$0xFFFFFC20]  }
0x280: {  	v0 =	vadd.f32 v2, v0  }
0x281: {  	v2 =	vld [tilespmem:s18+$0x20]  }
0x282: {  	v0 =	vadd.f32 v3, v0  }
0x283: {  	v3 =	vld [tilespmem:s18+$0x420]  }
0x284: {  	v0 =	vadd.f32 v1, v0  }
0x285: {  	v1 =	vld [tilespmem:s18+$0x820]  }
0x286: {  	v0 =	vadd.f32 v2, v0  }
0x287: {  	v2 =	vld [tilespmem:s18+$0xC20]  }
0x288: {  	v0 =	vadd.f32 v3, v0  }
0x289: {  	v3 =	vld [tilespmem:s18+$0x1020]  }
0x28a: {  	v0 =	vadd.f32 v1, v0  }
0x28b: {  	v1 =	vld [tilespmem:s18+$0x1420]  }
0x28c: {  	v0 =	vadd.f32 v2, v0  }
0x28d: {  	v2 =	vld [tilespmem:s18+$0x1820]  }
0x28e: {  	v0 =	vadd.f32 v3, v0  }
0x28f: {  	v3 =	vld [tilespmem:s18+$0x1C20]  }
0x290: {  	v0 =	vadd.f32 v1, v0  }
0x291: {  	v1 =	vld [tilespmem:s4+$0x0]  }
0x292: {  	v0 =	vadd.f32 v2, v0;
	_ =	sdelay $0x1  }
0x293: {  	v0 =	vadd.f32 v3, v0;
	_ =	sdelay $0x1  }
0x294: {  	v1 =	vadd.f32 v1, v0;
	_ =	sdelay $0x1  }
0x295: {  	v1 =	vmul.f32 $3.125000000e-02, v1  }
0x296: {  	[tilespmem:s4+$0x400] =	vst v0  }
0x297: {  	[tilespmem:s19+$0xFFFFFFF0] =	vst v1  }
0x298: {  	v0 =	vld [tilespmem:s18+$0xFFFFE030]  }
0x299: {  	v1 =	vld [tilespmem:s18+$0xFFFFE430];
	_ =	sdelay $0x1  }
0x29a: {  	v2 =	vld [tilespmem:s18+$0xFFFFE830];
	_ =	sdelay $0x1  }
0x29b: {  	v3 =	vld [tilespmem:s18+$0xFFFFEC30]  }
0x29c: {  	v0 =	vadd.f32 v1, v0  }
0x29d: {  	v1 =	vld [tilespmem:s18+$0xFFFFF030]  }
0x29e: {  	v0 =	vadd.f32 v2, v0  }
0x29f: {  	v2 =	vld [tilespmem:s18+$0xFFFFF430]  }
0x2a0: {  	v0 =	vadd.f32 v3, v0  }
0x2a1: {  	v3 =	vld [tilespmem:s18+$0xFFFFF830]  }
0x2a2: {  	v0 =	vadd.f32 v1, v0  }
0x2a3: {  	v1 =	vld [tilespmem:s18+$0xFFFFFC30]  }
0x2a4: {  	v0 =	vadd.f32 v2, v0  }
0x2a5: {  	v2 =	vld [tilespmem:s18+$0x30]  }
0x2a6: {  	v0 =	vadd.f32 v3, v0  }
0x2a7: {  	v3 =	vld [tilespmem:s18+$0x430]  }
0x2a8: {  	v0 =	vadd.f32 v1, v0  }
0x2a9: {  	v1 =	vld [tilespmem:s18+$0x830]  }
0x2aa: {  	v0 =	vadd.f32 v2, v0  }
0x2ab: {  	v2 =	vld [tilespmem:s18+$0xC30]  }
0x2ac: {  	v0 =	vadd.f32 v3, v0  }
0x2ad: {  	v3 =	vld [tilespmem:s18+$0x1030]  }
0x2ae: {  	v0 =	vadd.f32 v1, v0  }
0x2af: {  	v1 =	vld [tilespmem:s18+$0x1430]  }
0x2b0: {  	v0 =	vadd.f32 v2, v0  }
0x2b1: {  	v2 =	vld [tilespmem:s18+$0x1830]  }
0x2b2: {  	v0 =	vadd.f32 v3, v0;
	_ =	sdelay $0x1  }
0x2b3: {  	v3 =	vld [tilespmem:s18+$0x1C30];
	v0 =	vadd.f32 v1, v0;
	_ =	sdelay $0x1  }
0x2b4: {  	v1 =	vadd.f32 v2, v0;
	v0 =	vld [tilespmem:s4+$0x10];
	_ =	sdelay $0x2  }
0x2b5: {  	v1 =	vadd.f32 v3, v1  }
0x2b6: {  	s13 =	simm.s32 $0x0;
	s14 =	simm.s32 $0x11870;
	s7 =	simm.s32 $0x10420  }
.LBB2_16:
0x2b7: {  	s13 =	sadd.s32 $0x4, s13;
	v0 =	vadd.f32 v0, v1;
	s18 =	sadd.s32 $0x40, s18;
	s4 =	sadd.s32 $0x40, s4  }
0x2b8: {  	p2 =	slt.u32 s13, $0x3C  }
0x2b9: {  	[tilespmem:s7+$0x410] =	vst v1;
	v0 =	vmul.f32 $3.125000000e-02, v0;
	s7 =	smov.u32 s4;
	_ =	sdelay $0x1  }
0x2ba: {  	[tilespmem:s19+$0x0] =	vst v0;
	s19 =	smov.u32 s14  }
0x2bb: {  	v0 =	vld [tilespmem:s18+$0xFFFFE400]  }
0x2bc: {  	v1 =	vld [tilespmem:s18+$0xFFFFE000];
	_ =	sdelay $0x1  }
0x2bd: {  	v2 =	vld [tilespmem:s18+$0xFFFFE800];
	_ =	sdelay $0x1  }
0x2be: {  	v3 =	vld [tilespmem:s18+$0xFFFFEC00]  }
0x2bf: {  	v0 =	vadd.f32 v0, v1  }
0x2c0: {  	v1 =	vld [tilespmem:s18+$0xFFFFF000]  }
0x2c1: {  	v0 =	vadd.f32 v2, v0  }
0x2c2: {  	v2 =	vld [tilespmem:s18+$0xFFFFF400]  }
0x2c3: {  	v0 =	vadd.f32 v3, v0  }
0x2c4: {  	v3 =	vld [tilespmem:s18+$0xFFFFF800]  }
0x2c5: {  	v0 =	vadd.f32 v1, v0  }
0x2c6: {  	v1 =	vld [tilespmem:s18+$0xFFFFFC00]  }
0x2c7: {  	v0 =	vadd.f32 v2, v0  }
0x2c8: {  	v2 =	vld [tilespmem:s18+$0x0]  }
0x2c9: {  	v0 =	vadd.f32 v3, v0  }
0x2ca: {  	v3 =	vld [tilespmem:s18+$0x400]  }
0x2cb: {  	v0 =	vadd.f32 v1, v0  }
0x2cc: {  	v1 =	vld [tilespmem:s18+$0x800]  }
0x2cd: {  	v0 =	vadd.f32 v2, v0  }
0x2ce: {  	v2 =	vld [tilespmem:s18+$0xC00]  }
0x2cf: {  	v0 =	vadd.f32 v3, v0  }
0x2d0: {  	v3 =	vld [tilespmem:s18+$0x1000]  }
0x2d1: {  	v0 =	vadd.f32 v1, v0  }
0x2d2: {  	v1 =	vld [tilespmem:s18+$0x1400]  }
0x2d3: {  	v0 =	vadd.f32 v2, v0  }
0x2d4: {  	v2 =	vld [tilespmem:s18+$0x1800]  }
0x2d5: {  	v0 =	vadd.f32 v3, v0  }
0x2d6: {  	v3 =	vld [tilespmem:s18+$0x1C00]  }
0x2d7: {  	v0 =	vadd.f32 v1, v0  }
0x2d8: {  	v1 =	vld [tilespmem:s4+$0xFFFFFFE0]  }
0x2d9: {  	v0 =	vadd.f32 v2, v0;
	_ =	sdelay $0x1  }
0x2da: {  	v0 =	vadd.f32 v3, v0;
	_ =	sdelay $0x1  }
0x2db: {  	v1 =	vadd.f32 v1, v0;
	_ =	sdelay $0x1  }
0x2dc: {  	v1 =	vmul.f32 $3.125000000e-02, v1  }
0x2dd: {  	[tilespmem:s4+$0x3E0] =	vst v0  }
0x2de: {  	[tilespmem:s14+$0xFFFFFFD0] =	vst v1  }
0x2df: {  	v0 =	vld [tilespmem:s18+$0xFFFFE010]  }
0x2e0: {  	v1 =	vld [tilespmem:s18+$0xFFFFE410];
	_ =	sdelay $0x1  }
0x2e1: {  	v2 =	vld [tilespmem:s18+$0xFFFFE810];
	_ =	sdelay $0x1  }
0x2e2: {  	v3 =	vld [tilespmem:s18+$0xFFFFEC10]  }
0x2e3: {  	v0 =	vadd.f32 v1, v0  }
0x2e4: {  	v1 =	vld [tilespmem:s18+$0xFFFFF010]  }
0x2e5: {  	v0 =	vadd.f32 v2, v0  }
0x2e6: {  	v2 =	vld [tilespmem:s18+$0xFFFFF410]  }
0x2e7: {  	v0 =	vadd.f32 v3, v0  }
0x2e8: {  	v3 =	vld [tilespmem:s18+$0xFFFFF810]  }
0x2e9: {  	v0 =	vadd.f32 v1, v0  }
0x2ea: {  	v1 =	vld [tilespmem:s18+$0xFFFFFC10]  }
0x2eb: {  	v0 =	vadd.f32 v2, v0  }
0x2ec: {  	v2 =	vld [tilespmem:s18+$0x10]  }
0x2ed: {  	v0 =	vadd.f32 v3, v0  }
0x2ee: {  	v3 =	vld [tilespmem:s18+$0x410]  }
0x2ef: {  	v0 =	vadd.f32 v1, v0  }
0x2f0: {  	v1 =	vld [tilespmem:s18+$0x810]  }
0x2f1: {  	v0 =	vadd.f32 v2, v0  }
0x2f2: {  	v2 =	vld [tilespmem:s18+$0xC10]  }
0x2f3: {  	v0 =	vadd.f32 v3, v0  }
0x2f4: {  	v3 =	vld [tilespmem:s18+$0x1010]  }
0x2f5: {  	v0 =	vadd.f32 v1, v0  }
0x2f6: {  	v1 =	vld [tilespmem:s18+$0x1410]  }
0x2f7: {  	v0 =	vadd.f32 v2, v0  }
0x2f8: {  	v2 =	vld [tilespmem:s18+$0x1810]  }
0x2f9: {  	v0 =	vadd.f32 v3, v0  }
0x2fa: {  	v3 =	vld [tilespmem:s18+$0x1C10]  }
0x2fb: {  	v0 =	vadd.f32 v1, v0  }
0x2fc: {  	v1 =	vld [tilespmem:s4+$0xFFFFFFF0]  }
0x2fd: {  	v0 =	vadd.f32 v2, v0;
	_ =	sdelay $0x1  }
0x2fe: {  	v0 =	vadd.f32 v3, v0;
	_ =	sdelay $0x1  }
0x2ff: {  	[tilespmem:s4+$0x3F0] =	vst v0;
	v0 =	vadd.f32 v1, v0;
	_ =	sdelay $0x1  }
0x300: {  	v0 =	vmul.f32 $3.125000000e-02, v0;
	_ =	sdelay $0x1  }
0x301: {  	[tilespmem:s14+$0xFFFFFFE0] =	vst v0  }
0x302: {  	v0 =	vld [tilespmem:s18+$0xFFFFE020]  }
0x303: {  	v1 =	vld [tilespmem:s18+$0xFFFFE420];
	_ =	sdelay $0x1  }
0x304: {  	v2 =	vld [tilespmem:s18+$0xFFFFE820];
	_ =	sdelay $0x1  }
0x305: {  	v3 =	vld [tilespmem:s18+$0xFFFFEC20]  }
0x306: {  	v0 =	vadd.f32 v1, v0  }
0x307: {  	v1 =	vld [tilespmem:s18+$0xFFFFF020]  }
0x308: {  	v0 =	vadd.f32 v2, v0  }
0x309: {  	v2 =	vld [tilespmem:s18+$0xFFFFF420]  }
0x30a: {  	v0 =	vadd.f32 v3, v0  }
0x30b: {  	v3 =	vld [tilespmem:s18+$0xFFFFF820]  }
0x30c: {  	v0 =	vadd.f32 v1, v0  }
0x30d: {  	v1 =	vld [tilespmem:s18+$0xFFFFFC20]  }
0x30e: {  	v0 =	vadd.f32 v2, v0  }
0x30f: {  	v2 =	vld [tilespmem:s18+$0x20]  }
0x310: {  	v0 =	vadd.f32 v3, v0  }
0x311: {  	v3 =	vld [tilespmem:s18+$0x420]  }
0x312: {  	v0 =	vadd.f32 v1, v0  }
0x313: {  	v1 =	vld [tilespmem:s18+$0x820]  }
0x314: {  	v0 =	vadd.f32 v2, v0  }
0x315: {  	v2 =	vld [tilespmem:s18+$0xC20]  }
0x316: {  	v0 =	vadd.f32 v3, v0  }
0x317: {  	v3 =	vld [tilespmem:s18+$0x1020]  }
0x318: {  	v0 =	vadd.f32 v1, v0  }
0x319: {  	v1 =	vld [tilespmem:s18+$0x1420]  }
0x31a: {  	v0 =	vadd.f32 v2, v0  }
0x31b: {  	v2 =	vld [tilespmem:s18+$0x1820]  }
0x31c: {  	v0 =	vadd.f32 v3, v0  }
0x31d: {  	v3 =	vld [tilespmem:s18+$0x1C20]  }
0x31e: {  	v0 =	vadd.f32 v1, v0  }
0x31f: {  	v1 =	vld [tilespmem:s4+$0x0]  }
0x320: {  	v0 =	vadd.f32 v2, v0;
	_ =	sdelay $0x1  }
0x321: {  	v0 =	vadd.f32 v3, v0;
	_ =	sdelay $0x1  }
0x322: {  	[tilespmem:s4+$0x400] =	vst v0;
	v0 =	vadd.f32 v1, v0;
	_ =	sdelay $0x1  }
0x323: {  	v0 =	vmul.f32 $3.125000000e-02, v0;
	_ =	sdelay $0x1  }
0x324: {  	[tilespmem:s14+$0xFFFFFFF0] =	vst v0  }
0x325: {  	v0 =	vld [tilespmem:s18+$0xFFFFE030]  }
0x326: {  	v1 =	vld [tilespmem:s18+$0xFFFFE430]  }
0x327: {  	v2 =	vld [tilespmem:s18+$0xFFFFE830]  }
0x328: {  	v3 =	vld [tilespmem:s18+$0xFFFFEC30]  }
0x329: {  	v4 =	vld [tilespmem:s18+$0xFFFFF030]  }
0x32a: {  	v5 =	vld [tilespmem:s18+$0xFFFFF430]  }
0x32b: {  	v0 =	vadd.f32 v1, v0;
	v1 =	vld [tilespmem:s18+$0xFFFFF830]  }
0x32c: {  	v6 =	vld [tilespmem:s18+$0xFFFFFC30]  }
0x32d: {  	v0 =	vadd.f32 v2, v0;
	v2 =	vld [tilespmem:s18+$0x30]  }
0x32e: {  	v7 =	vld [tilespmem:s18+$0x430]  }
0x32f: {  	v0 =	vadd.f32 v3, v0;
	v3 =	vld [tilespmem:s18+$0x830]  }
0x330: {  	v8 =	vld [tilespmem:s18+$0xC30]  }
0x331: {  	v0 =	vadd.f32 v4, v0;
	v4 =	vld [tilespmem:s18+$0x1030]  }
0x332: {  	v9 =	vld [tilespmem:s18+$0x1430]  }
0x333: {  	v0 =	vadd.f32 v5, v0;
	v5 =	vld [tilespmem:s18+$0x1830]  }
0x334: {  	v10 =	vld [tilespmem:s18+$0x1C30]  }
0x335: {  	v1 =	vadd.f32 v1, v0;
	v0 =	vld [tilespmem:s4+$0x10];
	_ =	sdelay $0x1  }
0x336: {  	v1 =	vadd.f32 v6, v1;
	_ =	sdelay $0x1  }
0x337: {  	v1 =	vadd.f32 v2, v1;
	_ =	sdelay $0x1  }
0x338: {  	v1 =	vadd.f32 v7, v1;
	_ =	sdelay $0x1  }
0x339: {  	v1 =	vadd.f32 v3, v1;
	_ =	sdelay $0x1  }
0x33a: {  	v1 =	vadd.f32 v8, v1;
	_ =	sdelay $0x1  }
0x33b: {  	v1 =	vadd.f32 v4, v1;
	_ =	sdelay $0x1  }
0x33c: {  	v1 =	vadd.f32 v9, v1  }
.Ltmp12:
0x33d: {  	(pc) =	sbr.rel @p2 .LBB2_16-.Ltmp12, $3  }
0x33e: {  	v1 =	vadd.f32 v5, v1;
	_ =	sdelay $0x1  }
0x33f: {  	v1 =	vadd.f32 v10, v1  }
0x340: {  	s14 =	sadd.s32 $0x40, s14  }
0x341: {  	v0 =	vadd.f32 v0, v1;
	s4 =	sadd.s32 s9, s17  }
0x342: {  	s4 =	sshll.u32 s4, $0xA  }
0x343: {  	v0 =	vmul.f32 $3.125000000e-02, v0;
	s4 =	sadd.s32 $0xFFFFFC00, s4  }
0x344: {  	[tilespmem:s7+$0x410] =	vst v1;
	s4 =	sshrl.u32 s4, $0x3  }
0x345: {  	[tilespmem:s19+$0x0] =	vst v0;
	s4 =	sadd.s32 s5, s4  }
0x346: {  	[hbm4b:s4+s3] =	stream.linear.scatter [tilespmem:s24], [sflag:$0x7], $0x400, $0x38;
	[tilespmem:$0x12020] =	vst v63  }
0x347: {  	s4 =	sadd.s32 $0x6, s2  }
0x348: {  	p2 =	sge.u32 s4, s10  }
0x349: {  	s4 =	sadd.s32 @!p2 s6, s4  }
0x34a: {  	s4 =	sshll.u32 @!p2 s4, $0xB  }
0x34b: {  	s4 =	sand.u32 @!p2 $0x1FFFF000, s4  }
0x34c: {  	s7 =	simm.s32 @!p2 $0x0;
	s13 =	simm.s32 @!p2 $0x8000;
	s4 =	sadd.s32 @!p2 s0, s4  }
0x34d: {  	[tilespmem:s13], [sflag:$0x3] =	stream.linear.gather @!p2 [hbm4b:s4+s7], $0x4000, $0x38;
	[tilespmem:$0x12020] =	vst v63  }
.LBB2_18:
0x34e: {  	s17 =	sor.u32 $0x3, s2  }
0x34f: {  	p2 =	sge.u32 s17, s10  }
.Ltmp13:
0x350: {  	_ = 	snop;
	(pc) =	sbr.rel @p2 .LBB2_22-.Ltmp13, $1  }
0x351: {  	_ =	sdelay $0x3  }
0x352: {  	_ =	swait.ge [sflag:s25], $0x4000  }
0x353: {  	p2 =	slt.u32 s17, $0x5;
	[sflag:s25] =	ssyncset.done $0x0  }
0x354: {  	s4 =	simm.s32 @!p2 $0x8;
	[sflag:s25] =	ssyncadd.s32 $0xFFFFC000  }
0x355: {  	_ =	swait.ge @!p2 [sflag:s4], $0x400  }
0x356: {  	[sflag:s4] =	ssyncset.done @!p2 $0x0  }
0x357: {  	s18 =	simm.s32 $0xE000;
	[sflag:s4] =	ssyncadd.s32 @!p2 $0xFFFFFC00  }
0x358: {  	v0 =	vld [tilespmem:s18+$0xFFFFE400]  }
0x359: {  	v1 =	vld [tilespmem:s18+$0xFFFFE000];
	_ =	sdelay $0x1  }
0x35a: {  	v2 =	vld [tilespmem:s18+$0xFFFFE800];
	_ =	sdelay $0x1  }
0x35b: {  	v3 =	vld [tilespmem:s18+$0xFFFFEC00]  }
0x35c: {  	v0 =	vadd.f32 v0, v1  }
0x35d: {  	v1 =	vld [tilespmem:s18+$0xFFFFF000]  }
0x35e: {  	v0 =	vadd.f32 v2, v0  }
0x35f: {  	v2 =	vld [tilespmem:s18+$0xFFFFF400]  }
0x360: {  	v0 =	vadd.f32 v3, v0  }
0x361: {  	v3 =	vld [tilespmem:s18+$0xFFFFF800]  }
0x362: {  	v0 =	vadd.f32 v1, v0  }
0x363: {  	v1 =	vld [tilespmem:s18+$0xFFFFFC00]  }
0x364: {  	v0 =	vadd.f32 v2, v0  }
0x365: {  	v2 =	vld [tilespmem:s18+$0x0]  }
0x366: {  	v0 =	vadd.f32 v3, v0  }
0x367: {  	v3 =	vld [tilespmem:s18+$0x400]  }
0x368: {  	v0 =	vadd.f32 v1, v0  }
0x369: {  	v1 =	vld [tilespmem:s18+$0x800]  }
0x36a: {  	v0 =	vadd.f32 v2, v0  }
0x36b: {  	v2 =	vld [tilespmem:s18+$0xC00]  }
0x36c: {  	v0 =	vadd.f32 v3, v0  }
0x36d: {  	v3 =	vld [tilespmem:s18+$0x1000]  }
0x36e: {  	v0 =	vadd.f32 v1, v0  }
0x36f: {  	v1 =	vld [tilespmem:s18+$0x1400]  }
0x370: {  	v0 =	vadd.f32 v2, v0  }
0x371: {  	v2 =	vld [tilespmem:s18+$0x1800]  }
0x372: {  	v0 =	vadd.f32 v3, v0  }
0x373: {  	v3 =	vld [tilespmem:s18+$0x1C00]  }
0x374: {  	s4 =	simm.s32 $0x10C30;
	v0 =	vadd.f32 v1, v0  }
0x375: {  	v1 =	vld [tilespmem:s4+$0xFFFFFBD0]  }
0x376: {  	v0 =	vadd.f32 v2, v0;
	_ =	sdelay $0x1  }
0x377: {  	v0 =	vadd.f32 v3, v0;
	_ =	sdelay $0x1  }
0x378: {  	v1 =	vadd.f32 v1, v0;
	_ =	sdelay $0x1  }
0x379: {  	v1 =	vmul.f32 $3.125000000e-02, v1  }
0x37a: {  	s19 =	simm.s32 $0x11C30;
	[tilespmem:s4+$0xFFFFFFD0] =	vst v0  }
0x37b: {  	[tilespmem:s19+$0xFFFFFFD0] =	vst v1  }
0x37c: {  	v0 =	vld [tilespmem:s18+$0xFFFFE010]  }
0x37d: {  	v1 =	vld [tilespmem:s18+$0xFFFFE410];
	_ =	sdelay $0x1  }
0x37e: {  	v2 =	vld [tilespmem:s18+$0xFFFFE810];
	_ =	sdelay $0x1  }
0x37f: {  	v3 =	vld [tilespmem:s18+$0xFFFFEC10]  }
0x380: {  	v0 =	vadd.f32 v1, v0  }
0x381: {  	v1 =	vld [tilespmem:s18+$0xFFFFF010]  }
0x382: {  	v0 =	vadd.f32 v2, v0  }
0x383: {  	v2 =	vld [tilespmem:s18+$0xFFFFF410]  }
0x384: {  	v0 =	vadd.f32 v3, v0  }
0x385: {  	v3 =	vld [tilespmem:s18+$0xFFFFF810]  }
0x386: {  	v0 =	vadd.f32 v1, v0  }
0x387: {  	v1 =	vld [tilespmem:s18+$0xFFFFFC10]  }
0x388: {  	v0 =	vadd.f32 v2, v0  }
0x389: {  	v2 =	vld [tilespmem:s18+$0x10]  }
0x38a: {  	v0 =	vadd.f32 v3, v0  }
0x38b: {  	v3 =	vld [tilespmem:s18+$0x410]  }
0x38c: {  	v0 =	vadd.f32 v1, v0  }
0x38d: {  	v1 =	vld [tilespmem:s18+$0x810]  }
0x38e: {  	v0 =	vadd.f32 v2, v0  }
0x38f: {  	v2 =	vld [tilespmem:s18+$0xC10]  }
0x390: {  	v0 =	vadd.f32 v3, v0  }
0x391: {  	v3 =	vld [tilespmem:s18+$0x1010]  }
0x392: {  	v0 =	vadd.f32 v1, v0  }
0x393: {  	v1 =	vld [tilespmem:s18+$0x1410]  }
0x394: {  	v0 =	vadd.f32 v2, v0  }
0x395: {  	v2 =	vld [tilespmem:s18+$0x1810]  }
0x396: {  	v0 =	vadd.f32 v3, v0  }
0x397: {  	v3 =	vld [tilespmem:s18+$0x1C10]  }
0x398: {  	v0 =	vadd.f32 v1, v0  }
0x399: {  	v1 =	vld [tilespmem:s4+$0xFFFFFBE0]  }
0x39a: {  	v0 =	vadd.f32 v2, v0;
	_ =	sdelay $0x1  }
0x39b: {  	v0 =	vadd.f32 v3, v0;
	_ =	sdelay $0x1  }
0x39c: {  	v1 =	vadd.f32 v1, v0;
	_ =	sdelay $0x1  }
0x39d: {  	v1 =	vmul.f32 $3.125000000e-02, v1  }
0x39e: {  	[tilespmem:s4+$0xFFFFFFE0] =	vst v0  }
0x39f: {  	[tilespmem:s19+$0xFFFFFFE0] =	vst v1  }
0x3a0: {  	v0 =	vld [tilespmem:s18+$0xFFFFE020]  }
0x3a1: {  	v1 =	vld [tilespmem:s18+$0xFFFFE420];
	_ =	sdelay $0x1  }
0x3a2: {  	v2 =	vld [tilespmem:s18+$0xFFFFE820];
	_ =	sdelay $0x1  }
0x3a3: {  	v3 =	vld [tilespmem:s18+$0xFFFFEC20]  }
0x3a4: {  	v0 =	vadd.f32 v1, v0  }
0x3a5: {  	v1 =	vld [tilespmem:s18+$0xFFFFF020]  }
0x3a6: {  	v0 =	vadd.f32 v2, v0  }
0x3a7: {  	v2 =	vld [tilespmem:s18+$0xFFFFF420]  }
0x3a8: {  	v0 =	vadd.f32 v3, v0  }
0x3a9: {  	v3 =	vld [tilespmem:s18+$0xFFFFF820]  }
0x3aa: {  	v0 =	vadd.f32 v1, v0  }
0x3ab: {  	v1 =	vld [tilespmem:s18+$0xFFFFFC20]  }
0x3ac: {  	v0 =	vadd.f32 v2, v0  }
0x3ad: {  	v2 =	vld [tilespmem:s18+$0x20]  }
0x3ae: {  	v0 =	vadd.f32 v3, v0  }
0x3af: {  	v3 =	vld [tilespmem:s18+$0x420]  }
0x3b0: {  	v0 =	vadd.f32 v1, v0  }
0x3b1: {  	v1 =	vld [tilespmem:s18+$0x820]  }
0x3b2: {  	v0 =	vadd.f32 v2, v0  }
0x3b3: {  	v2 =	vld [tilespmem:s18+$0xC20]  }
0x3b4: {  	v0 =	vadd.f32 v3, v0  }
0x3b5: {  	v3 =	vld [tilespmem:s18+$0x1020]  }
0x3b6: {  	v0 =	vadd.f32 v1, v0  }
0x3b7: {  	v1 =	vld [tilespmem:s18+$0x1420]  }
0x3b8: {  	v0 =	vadd.f32 v2, v0  }
0x3b9: {  	v2 =	vld [tilespmem:s18+$0x1820]  }
0x3ba: {  	v0 =	vadd.f32 v3, v0  }
0x3bb: {  	v3 =	vld [tilespmem:s18+$0x1C20]  }
0x3bc: {  	v0 =	vadd.f32 v1, v0  }
0x3bd: {  	v1 =	vld [tilespmem:s4+$0xFFFFFBF0]  }
0x3be: {  	v0 =	vadd.f32 v2, v0;
	_ =	sdelay $0x1  }
0x3bf: {  	v0 =	vadd.f32 v3, v0;
	_ =	sdelay $0x1  }
0x3c0: {  	v1 =	vadd.f32 v1, v0;
	_ =	sdelay $0x1  }
0x3c1: {  	v1 =	vmul.f32 $3.125000000e-02, v1  }
0x3c2: {  	[tilespmem:s4+$0xFFFFFFF0] =	vst v0  }
0x3c3: {  	[tilespmem:s19+$0xFFFFFFF0] =	vst v1  }
0x3c4: {  	v0 =	vld [tilespmem:s18+$0xFFFFE030]  }
0x3c5: {  	v1 =	vld [tilespmem:s18+$0xFFFFE430];
	_ =	sdelay $0x1  }
0x3c6: {  	v2 =	vld [tilespmem:s18+$0xFFFFE830];
	_ =	sdelay $0x1  }
0x3c7: {  	v3 =	vld [tilespmem:s18+$0xFFFFEC30]  }
0x3c8: {  	v0 =	vadd.f32 v1, v0  }
0x3c9: {  	v1 =	vld [tilespmem:s18+$0xFFFFF030]  }
0x3ca: {  	v0 =	vadd.f32 v2, v0  }
0x3cb: {  	v2 =	vld [tilespmem:s18+$0xFFFFF430]  }
0x3cc: {  	v0 =	vadd.f32 v3, v0  }
0x3cd: {  	v3 =	vld [tilespmem:s18+$0xFFFFF830]  }
0x3ce: {  	v0 =	vadd.f32 v1, v0  }
0x3cf: {  	v1 =	vld [tilespmem:s18+$0xFFFFFC30]  }
0x3d0: {  	v0 =	vadd.f32 v2, v0  }
0x3d1: {  	v2 =	vld [tilespmem:s18+$0x30]  }
0x3d2: {  	v0 =	vadd.f32 v3, v0  }
0x3d3: {  	v3 =	vld [tilespmem:s18+$0x430]  }
0x3d4: {  	v0 =	vadd.f32 v1, v0  }
0x3d5: {  	v1 =	vld [tilespmem:s18+$0x830]  }
0x3d6: {  	v0 =	vadd.f32 v2, v0  }
0x3d7: {  	v2 =	vld [tilespmem:s18+$0xC30]  }
0x3d8: {  	v0 =	vadd.f32 v3, v0  }
0x3d9: {  	v3 =	vld [tilespmem:s18+$0x1030]  }
0x3da: {  	v0 =	vadd.f32 v1, v0  }
0x3db: {  	v1 =	vld [tilespmem:s18+$0x1430]  }
0x3dc: {  	v0 =	vadd.f32 v2, v0  }
0x3dd: {  	v2 =	vld [tilespmem:s18+$0x1830]  }
0x3de: {  	v0 =	vadd.f32 v3, v0;
	_ =	sdelay $0x1  }
0x3df: {  	v3 =	vld [tilespmem:s18+$0x1C30];
	v0 =	vadd.f32 v1, v0;
	_ =	sdelay $0x1  }
0x3e0: {  	v1 =	vadd.f32 v2, v0;
	v0 =	vld [tilespmem:s4+$0xFFFFFC00];
	_ =	sdelay $0x2  }
0x3e1: {  	v1 =	vadd.f32 v3, v1  }
0x3e2: {  	s13 =	simm.s32 $0x0;
	s14 =	simm.s32 $0x11C70;
	s7 =	simm.s32 $0x10C30  }
.LBB2_20:
0x3e3: {  	s13 =	sadd.s32 $0x4, s13;
	v0 =	vadd.f32 v0, v1;
	s18 =	sadd.s32 $0x40, s18;
	s4 =	sadd.s32 $0x40, s4  }
0x3e4: {  	p2 =	slt.u32 s13, $0x3C  }
0x3e5: {  	[tilespmem:s7+$0x0] =	vst v1;
	v0 =	vmul.f32 $3.125000000e-02, v0;
	s7 =	smov.u32 s4;
	_ =	sdelay $0x1  }
0x3e6: {  	[tilespmem:s19+$0x0] =	vst v0;
	s19 =	smov.u32 s14  }
0x3e7: {  	v0 =	vld [tilespmem:s18+$0xFFFFE400]  }
0x3e8: {  	v1 =	vld [tilespmem:s18+$0xFFFFE000];
	_ =	sdelay $0x1  }
0x3e9: {  	v2 =	vld [tilespmem:s18+$0xFFFFE800];
	_ =	sdelay $0x1  }
0x3ea: {  	v3 =	vld [tilespmem:s18+$0xFFFFEC00]  }
0x3eb: {  	v0 =	vadd.f32 v0, v1  }
0x3ec: {  	v1 =	vld [tilespmem:s18+$0xFFFFF000]  }
0x3ed: {  	v0 =	vadd.f32 v2, v0  }
0x3ee: {  	v2 =	vld [tilespmem:s18+$0xFFFFF400]  }
0x3ef: {  	v0 =	vadd.f32 v3, v0  }
0x3f0: {  	v3 =	vld [tilespmem:s18+$0xFFFFF800]  }
0x3f1: {  	v0 =	vadd.f32 v1, v0  }
0x3f2: {  	v1 =	vld [tilespmem:s18+$0xFFFFFC00]  }
0x3f3: {  	v0 =	vadd.f32 v2, v0  }
0x3f4: {  	v2 =	vld [tilespmem:s18+$0x0]  }
0x3f5: {  	v0 =	vadd.f32 v3, v0  }
0x3f6: {  	v3 =	vld [tilespmem:s18+$0x400]  }
0x3f7: {  	v0 =	vadd.f32 v1, v0  }
0x3f8: {  	v1 =	vld [tilespmem:s18+$0x800]  }
0x3f9: {  	v0 =	vadd.f32 v2, v0  }
0x3fa: {  	v2 =	vld [tilespmem:s18+$0xC00]  }
0x3fb: {  	v0 =	vadd.f32 v3, v0  }
0x3fc: {  	v3 =	vld [tilespmem:s18+$0x1000]  }
0x3fd: {  	v0 =	vadd.f32 v1, v0  }
0x3fe: {  	v1 =	vld [tilespmem:s18+$0x1400]  }
0x3ff: {  	v0 =	vadd.f32 v2, v0  }
0x400: {  	v2 =	vld [tilespmem:s18+$0x1800]  }
0x401: {  	v0 =	vadd.f32 v3, v0  }
0x402: {  	v3 =	vld [tilespmem:s18+$0x1C00]  }
0x403: {  	v0 =	vadd.f32 v1, v0  }
0x404: {  	v1 =	vld [tilespmem:s4+$0xFFFFFBD0]  }
0x405: {  	v0 =	vadd.f32 v2, v0;
	_ =	sdelay $0x1  }
0x406: {  	v0 =	vadd.f32 v3, v0;
	_ =	sdelay $0x1  }
0x407: {  	v1 =	vadd.f32 v1, v0;
	_ =	sdelay $0x1  }
0x408: {  	v1 =	vmul.f32 $3.125000000e-02, v1  }
0x409: {  	[tilespmem:s4+$0xFFFFFFD0] =	vst v0  }
0x40a: {  	[tilespmem:s14+$0xFFFFFFD0] =	vst v1  }
0x40b: {  	v0 =	vld [tilespmem:s18+$0xFFFFE010]  }
0x40c: {  	v1 =	vld [tilespmem:s18+$0xFFFFE410];
	_ =	sdelay $0x1  }
0x40d: {  	v2 =	vld [tilespmem:s18+$0xFFFFE810];
	_ =	sdelay $0x1  }
0x40e: {  	v3 =	vld [tilespmem:s18+$0xFFFFEC10]  }
0x40f: {  	v0 =	vadd.f32 v1, v0  }
0x410: {  	v1 =	vld [tilespmem:s18+$0xFFFFF010]  }
0x411: {  	v0 =	vadd.f32 v2, v0  }
0x412: {  	v2 =	vld [tilespmem:s18+$0xFFFFF410]  }
0x413: {  	v0 =	vadd.f32 v3, v0  }
0x414: {  	v3 =	vld [tilespmem:s18+$0xFFFFF810]  }
0x415: {  	v0 =	vadd.f32 v1, v0  }
0x416: {  	v1 =	vld [tilespmem:s18+$0xFFFFFC10]  }
0x417: {  	v0 =	vadd.f32 v2, v0  }
0x418: {  	v2 =	vld [tilespmem:s18+$0x10]  }
0x419: {  	v0 =	vadd.f32 v3, v0  }
0x41a: {  	v3 =	vld [tilespmem:s18+$0x410]  }
0x41b: {  	v0 =	vadd.f32 v1, v0  }
0x41c: {  	v1 =	vld [tilespmem:s18+$0x810]  }
0x41d: {  	v0 =	vadd.f32 v2, v0  }
0x41e: {  	v2 =	vld [tilespmem:s18+$0xC10]  }
0x41f: {  	v0 =	vadd.f32 v3, v0  }
0x420: {  	v3 =	vld [tilespmem:s18+$0x1010]  }
0x421: {  	v0 =	vadd.f32 v1, v0  }
0x422: {  	v1 =	vld [tilespmem:s18+$0x1410]  }
0x423: {  	v0 =	vadd.f32 v2, v0  }
0x424: {  	v2 =	vld [tilespmem:s18+$0x1810]  }
0x425: {  	v0 =	vadd.f32 v3, v0  }
0x426: {  	v3 =	vld [tilespmem:s18+$0x1C10]  }
0x427: {  	v0 =	vadd.f32 v1, v0  }
0x428: {  	v1 =	vld [tilespmem:s4+$0xFFFFFBE0]  }
0x429: {  	v0 =	vadd.f32 v2, v0;
	_ =	sdelay $0x1  }
0x42a: {  	v0 =	vadd.f32 v3, v0;
	_ =	sdelay $0x1  }
0x42b: {  	[tilespmem:s4+$0xFFFFFFE0] =	vst v0;
	v0 =	vadd.f32 v1, v0;
	_ =	sdelay $0x1  }
0x42c: {  	v0 =	vmul.f32 $3.125000000e-02, v0;
	_ =	sdelay $0x1  }
0x42d: {  	[tilespmem:s14+$0xFFFFFFE0] =	vst v0  }
0x42e: {  	v0 =	vld [tilespmem:s18+$0xFFFFE020]  }
0x42f: {  	v1 =	vld [tilespmem:s18+$0xFFFFE420];
	_ =	sdelay $0x1  }
0x430: {  	v2 =	vld [tilespmem:s18+$0xFFFFE820];
	_ =	sdelay $0x1  }
0x431: {  	v3 =	vld [tilespmem:s18+$0xFFFFEC20]  }
0x432: {  	v0 =	vadd.f32 v1, v0  }
0x433: {  	v1 =	vld [tilespmem:s18+$0xFFFFF020]  }
0x434: {  	v0 =	vadd.f32 v2, v0  }
0x435: {  	v2 =	vld [tilespmem:s18+$0xFFFFF420]  }
0x436: {  	v0 =	vadd.f32 v3, v0  }
0x437: {  	v3 =	vld [tilespmem:s18+$0xFFFFF820]  }
0x438: {  	v0 =	vadd.f32 v1, v0  }
0x439: {  	v1 =	vld [tilespmem:s18+$0xFFFFFC20]  }
0x43a: {  	v0 =	vadd.f32 v2, v0  }
0x43b: {  	v2 =	vld [tilespmem:s18+$0x20]  }
0x43c: {  	v0 =	vadd.f32 v3, v0  }
0x43d: {  	v3 =	vld [tilespmem:s18+$0x420]  }
0x43e: {  	v0 =	vadd.f32 v1, v0  }
0x43f: {  	v1 =	vld [tilespmem:s18+$0x820]  }
0x440: {  	v0 =	vadd.f32 v2, v0  }
0x441: {  	v2 =	vld [tilespmem:s18+$0xC20]  }
0x442: {  	v0 =	vadd.f32 v3, v0  }
0x443: {  	v3 =	vld [tilespmem:s18+$0x1020]  }
0x444: {  	v0 =	vadd.f32 v1, v0  }
0x445: {  	v1 =	vld [tilespmem:s18+$0x1420]  }
0x446: {  	v0 =	vadd.f32 v2, v0  }
0x447: {  	v2 =	vld [tilespmem:s18+$0x1820]  }
0x448: {  	v0 =	vadd.f32 v3, v0  }
0x449: {  	v3 =	vld [tilespmem:s18+$0x1C20]  }
0x44a: {  	v0 =	vadd.f32 v1, v0  }
0x44b: {  	v1 =	vld [tilespmem:s4+$0xFFFFFBF0]  }
0x44c: {  	v0 =	vadd.f32 v2, v0;
	_ =	sdelay $0x1  }
0x44d: {  	v0 =	vadd.f32 v3, v0;
	_ =	sdelay $0x1  }
0x44e: {  	[tilespmem:s4+$0xFFFFFFF0] =	vst v0;
	v0 =	vadd.f32 v1, v0;
	_ =	sdelay $0x1  }
0x44f: {  	v0 =	vmul.f32 $3.125000000e-02, v0;
	_ =	sdelay $0x1  }
0x450: {  	[tilespmem:s14+$0xFFFFFFF0] =	vst v0  }
0x451: {  	v0 =	vld [tilespmem:s18+$0xFFFFE030]  }
0x452: {  	v1 =	vld [tilespmem:s18+$0xFFFFE430]  }
0x453: {  	v2 =	vld [tilespmem:s18+$0xFFFFE830]  }
0x454: {  	v3 =	vld [tilespmem:s18+$0xFFFFEC30]  }
0x455: {  	v4 =	vld [tilespmem:s18+$0xFFFFF030]  }
0x456: {  	v5 =	vld [tilespmem:s18+$0xFFFFF430]  }
0x457: {  	v0 =	vadd.f32 v1, v0;
	v1 =	vld [tilespmem:s18+$0xFFFFF830]  }
0x458: {  	v6 =	vld [tilespmem:s18+$0xFFFFFC30]  }
0x459: {  	v0 =	vadd.f32 v2, v0;
	v2 =	vld [tilespmem:s18+$0x30]  }
0x45a: {  	v7 =	vld [tilespmem:s18+$0x430]  }
0x45b: {  	v0 =	vadd.f32 v3, v0;
	v3 =	vld [tilespmem:s18+$0x830]  }
0x45c: {  	v8 =	vld [tilespmem:s18+$0xC30]  }
0x45d: {  	v0 =	vadd.f32 v4, v0;
	v4 =	vld [tilespmem:s18+$0x1030]  }
0x45e: {  	v9 =	vld [tilespmem:s18+$0x1430]  }
0x45f: {  	v0 =	vadd.f32 v5, v0;
	v5 =	vld [tilespmem:s18+$0x1830]  }
0x460: {  	v10 =	vld [tilespmem:s18+$0x1C30]  }
0x461: {  	v1 =	vadd.f32 v1, v0;
	v0 =	vld [tilespmem:s4+$0xFFFFFC00];
	_ =	sdelay $0x1  }
0x462: {  	v1 =	vadd.f32 v6, v1;
	_ =	sdelay $0x1  }
0x463: {  	v1 =	vadd.f32 v2, v1;
	_ =	sdelay $0x1  }
0x464: {  	v1 =	vadd.f32 v7, v1;
	_ =	sdelay $0x1  }
0x465: {  	v1 =	vadd.f32 v3, v1;
	_ =	sdelay $0x1  }
0x466: {  	v1 =	vadd.f32 v8, v1;
	_ =	sdelay $0x1  }
0x467: {  	v1 =	vadd.f32 v4, v1;
	_ =	sdelay $0x1  }
0x468: {  	v1 =	vadd.f32 v9, v1  }
.Ltmp14:
0x469: {  	(pc) =	sbr.rel @p2 .LBB2_20-.Ltmp14, $3  }
0x46a: {  	v1 =	vadd.f32 v5, v1;
	_ =	sdelay $0x1  }
0x46b: {  	v1 =	vadd.f32 v10, v1  }
0x46c: {  	s14 =	sadd.s32 $0x40, s14  }
0x46d: {  	v0 =	vadd.f32 v0, v1;
	s4 =	sadd.s32 s9, s17;
	s2 =	sadd.s32 $0x7, s2  }
0x46e: {  	s4 =	sshll.u32 s4, $0xA;
	p2 =	sge.u32 s2, s10  }
0x46f: {  	v0 =	vmul.f32 $3.125000000e-02, v0;
	s4 =	sadd.s32 $0xFFFFFC00, s4;
	s2 =	sadd.s32 @!p2 s6, s2  }
.Ltmp15:
0x470: {  	[tilespmem:s7+$0x0] =	vst v1;
	s4 =	sshrl.u32 s4, $0x3;
	s2 =	sshll.u32 @!p2 s2, $0xB;
	(pc) =	sbr.rel .LBB2_22-.Ltmp15, $4  }
0x471: {  	[tilespmem:s19+$0x0] =	vst v0;
	s4 =	sadd.s32 s5, s4;
	s2 =	sand.u32 @!p2 $0x1FFFF800, s2  }
0x472: {  	[hbm4b:s4+s3] =	stream.linear.scatter [tilespmem:s26], [sflag:$0x8], $0x400, $0x38;
	[tilespmem:$0x12020] =	vst v63  }
0x473: {  	s7 =	simm.s32 @!p2 $0xC000;
	s2 =	sadd.s32 @!p2 s0, s2;
	s4 =	simm.s32 @!p2 $0x0  }
0x474: {  	[tilespmem:s7], [sflag:$0x4] =	stream.linear.gather @!p2 [hbm4b:s2+s4], $0x4000, $0x38;
	[tilespmem:$0x12020] =	vst v63  }
.LBB2_24:
0x475: {  	_ =	sfence.sel $0x180000  }
0x476: {  	[bflag:$0x0] =	sbarrier.arrive $0xFFFF  }
0x477: {  	_ =	strace $0x90000047  }
0x478: {  	[bflag:$0x2] =	sbarrier.arrive $0xFFFF  }
0x479: {  	s0 =	rddreg [dreg:$0x3]  }
0x47a: {  	s0 =	sadd.s32 @!p0 $0x100000, s0  }
0x47b: {  	[sflag:s0] =	ssyncadd.tile.s32 @!p0 $0x1;
	_ =	shalt  }
.Lfunc_end2:
_tile_overlayer_lowered:
.L_overlay_start_2:
0x47c: {  	(tag) =	ssettag $0x2  }
0x47d: {  	s0 =	rddreg [dreg:$0x0];
	s2 =	stileid.u32  }
0x47e: {  	s1 =	rddreg [dreg:$0x1];
	p0 =	sne.s32 s2, $0x0  }
0x47f: {  	s3 =	rddreg [dreg:$0x2];
	[bflag:$0x3] =	sbarrier.arrive $0xFFFF;
	s2 =	simm.s32 @!p0 $0x1C09  }
0x480: {  	[timem:s3], [sflag:s2] =	dma.local @!p0 [hbm:s0], s1  }
0x481: {  	s0 =	simm.s32 @!p0 $0x9  }
0x482: {  	_ =	swait.ge @!p0 [sflag:s0], s1  }
0x483: {  	s1 =	ssub.s32 @!p0 $0x0, s1;
	[sflag:s0] =	ssyncset.done @!p0 $0x0  }
0x484: {  	[sflag:s0] =	ssyncadd.s32 @!p0 s1  }
0x485: {  	[bflag:$0x3] =	sbarrier.arrive $0xFFFF  }
0x486: {  	_ =	shalt  }

</sc_bundles>
